<compile_context>
chip_gen: v7x
topology: tpu7x:2x2x1
jax: 0.10.2.dev20260603
libtpu: 0.0.44.dev20260713+nightly
codegen_flags: <defaults>
</compile_context>

<pallas_src>
import functools

import jax
import jax.numpy as jnp
from jax import lax
from jax.experimental import pallas as pl
from jax.experimental.pallas import tpu as pltpu
from jax.experimental.pallas import tpu_sc as plsc

N = 10000
E = 320000
HID = 16
NPAD = 10240
NW = 32
W = 128
NWIN = E // W
K = 80
KD2 = 158
RING = 16
LAG = 8
ROWS_PER_SUB = NPAD // 16

_mesh = plsc.VectorSubcoreMesh(core_axis_name="c", subcore_axis_name="s")


def _newton_rsqrt(x):
    i = lax.bitcast_convert_type(x, jnp.int32)
    i = jnp.int32(0x5F3759DF) - lax.shift_right_arithmetic(i, 1)
    y = lax.bitcast_convert_type(i, jnp.float32)
    for _ in range(4):
        y = y * (1.5 - 0.5 * x * y * y)
    return y


def _tc1_body(x_ref, w1_ref, h_ref):
    w1 = w1_ref[...]
    wt = jnp.concatenate([w1] * 8, axis=0)
    wt = jnp.concatenate([wt] * 8, axis=1)
    prow = lax.broadcasted_iota(jnp.int32, (8 * 128, 8 * HID), 0) // 128
    qcol = lax.broadcasted_iota(jnp.int32, (8 * 128, 8 * HID), 1) // HID
    w2b = jnp.where(prow == qcol, wt, 0.0)
    x2 = x_ref[...].reshape(N // 8, 8 * 128)
    h2 = jnp.dot(x2, w2b, preferred_element_type=jnp.float32)
    h_ref[0:N * HID] = h2.reshape(N * HID)
    h_ref[N * HID:NPAD * HID] = jnp.zeros((NPAD * HID - N * HID,), jnp.float32)


def _tc1(x, w1):
    return pl.pallas_call(
        _tc1_body,
        out_shape=jax.ShapeDtypeStruct((NPAD * HID,), jnp.float32),
    )(x, w1)


@functools.partial(
    pl.kernel,
    out_type=(
        jax.ShapeDtypeStruct((2 * NPAD, HID), jnp.float32),
        jax.ShapeDtypeStruct((2 * NPAD, HID), jnp.float32),
        jax.ShapeDtypeStruct((NPAD, HID), jnp.float32),
        jax.ShapeDtypeStruct((NPAD, HID), jnp.float32),
    ),
    mesh=_mesh,
    scratch_types=[
        pltpu.VMEM((KD2 + 1, 2, W), jnp.int32),
        pltpu.VMEM((W,), jnp.float32),
        pltpu.VMEM((RING, W), jnp.float32),
        pltpu.VMEM((RING, W, HID), jnp.float32),
        pltpu.VMEM((ROWS_PER_SUB, HID), jnp.float32),
        pltpu.VMEM((ROWS_PER_SUB, HID), jnp.float32),
        pltpu.VMEM((ROWS_PER_SUB,), jnp.float32),
        pltpu.VMEM_SHARED((NPAD, HID), jnp.float32),
        pltpu.VMEM_SHARED((NPAD,), jnp.float32),
        pltpu.VMEM_SHARED((NPAD,), jnp.float32),
        pltpu.SemaphoreType.DMA,
        pltpu.SemaphoreType.DMA,
        pltpu.SemaphoreType.DMA,
        pltpu.SemaphoreType.DMA,
        pltpu.SemaphoreType.DMA,
    ],
    compiler_params=pltpu.CompilerParams(use_tc_tiling_on_sc=False),
)
def _main_kernel(edg_hbm, pad_hbm, h_hbm,
                 acc_out, cpre_out, hp_out, dise_out,
                 ea_v, ones_v, vals_v, rows_v,
                 stage_v, stage2_v, zbuf,
                 acc_sh, cpre_sh, dis_sh,
                 sem_gr, sem_gv, sem_sr, sem_sv, sem_w):
    c = lax.axis_index("c")
    s = lax.axis_index("s")
    base = s * ROWS_PER_SUB

    def zrow(i, carry):
        stage_v[i, :] = jnp.zeros((16,), jnp.float32)
        return carry

    lax.fori_loop(0, ROWS_PER_SUB, zrow, 0)

    def zsca(i, carry):
        zbuf[pl.ds(i * 16, 16)] = jnp.zeros((16,), jnp.float32)
        return carry

    lax.fori_loop(0, ROWS_PER_SUB // 16, zsca, 0)
    for o in range(W // 16):
        ones_v[pl.ds(o * 16, 16)] = jnp.ones((16,), jnp.float32)
    pltpu.sync_copy(stage_v, acc_sh.at[pl.ds(base, ROWS_PER_SUB)])
    pltpu.sync_copy(zbuf, cpre_sh.at[pl.ds(base, ROWS_PER_SUB)])
    pltpu.sync_copy(zbuf, dis_sh.at[pl.ds(base, ROWS_PER_SUB)])

    sa = s * NWIN // 16
    na = (s + 1) * NWIN // 16 - sa
    pltpu.sync_copy(edg_hbm.at[pl.ds(sa, KD2 - 1)],
                    ea_v.at[pl.ds(0, KD2 - 1)])
    pltpu.sync_copy(pad_hbm, ea_v.at[pl.ds(na, 2)])

    w = 2 * s + c
    sc_ = w * NWIN // NW
    o0 = sc_ - sa
    nc = (w + 1) * NWIN // NW - sc_
    h_pref = pltpu.async_copy(h_hbm.at[pl.ds(base, ROWS_PER_SUB)], stage_v,
                              sem_sv)
    plsc.subcore_barrier()

    def dfire(j):
        pltpu.async_copy(ones_v, dis_sh.at[ea_v.at[j, 1]], sem_gr, add=True)

    def ddrain(j):
        pltpu.make_async_copy(ones_v, dis_sh.at[ea_v.at[j, 1]], sem_gr).wait()

    def dbody(j, carry):
        @pl.when(j < KD2)
        def _():
            dfire(j)

        @pl.when(j >= RING)
        def _():
            ddrain(j - RING)

        return carry

    lax.fori_loop(0, KD2 + RING, dbody, 0)
    plsc.subcore_barrier()
    pltpu.sync_copy(pad_hbm, ea_v.at[pl.ds(o0 + nc, 2)])

    h_pref.wait()
    pltpu.sync_copy(dis_sh.at[pl.ds(base, ROWS_PER_SUB)], zbuf)

    def dis_vec(i, carry):
        d = zbuf[pl.ds(i * 16, 16)] + 1.0
        zbuf[pl.ds(i * 16, 16)] = _newton_rsqrt(d)
        return carry

    lax.fori_loop(0, ROWS_PER_SUB // 16, dis_vec, 0)

    def scale_blk(i, carry):
        dv = zbuf[pl.ds(i * 16, 16)]
        for k in range(16):
            r = i * 16 + k
            stage_v[r, :] = stage_v[r, :] * dv[k]
        return carry

    lax.fori_loop(0, ROWS_PER_SUB // 16, scale_blk, 0)
    pltpu.sync_copy(zbuf, dis_sh.at[pl.ds(base, ROWS_PER_SUB)])
    hp_w = pltpu.async_copy(stage_v, hp_out.at[pl.ds(base, ROWS_PER_SUB)],
                            sem_sr)

    def dexp_blk(i, carry):
        dv = zbuf[pl.ds(i * 16, 16)]
        for k in range(16):
            r = i * 16 + k
            stage2_v[r, :] = jnp.full((16,), 1.0, jnp.float32) * dv[k]
        return carry

    lax.fori_loop(0, ROWS_PER_SUB // 16, dexp_blk, 0)
    dise_w = pltpu.async_copy(stage2_v, dise_out.at[pl.ds(base, ROWS_PER_SUB)],
                              sem_w)
    hp_w.wait()
    plsc.subcore_barrier()

    def fire_g(j):
        slot = lax.rem(j, RING)
        jj = o0 + j
        pltpu.async_copy(hp_out.at[ea_v.at[jj, 0]], rows_v.at[slot], sem_gr)
        pltpu.async_copy(dis_sh.at[ea_v.at[jj, 1]], vals_v.at[slot], sem_gv)

    def drain_g(j):
        slot = lax.rem(j, RING)
        jj = o0 + j
        pltpu.make_async_copy(hp_out.at[ea_v.at[jj, 0]],
                              rows_v.at[slot], sem_gr).wait()
        pltpu.make_async_copy(dis_sh.at[ea_v.at[jj, 1]],
                              vals_v.at[slot], sem_gv).wait()

    def fire_s(j):
        slot = lax.rem(j, RING)
        jj = o0 + j
        pltpu.async_copy(rows_v.at[slot], acc_sh.at[ea_v.at[jj, 1]],
                         sem_sr, add=True)
        pltpu.async_copy(vals_v.at[slot], cpre_sh.at[ea_v.at[jj, 0]],
                         sem_sv, add=True)

    def drain_s(j):
        slot = lax.rem(j, RING)
        jj = o0 + j
        pltpu.make_async_copy(rows_v.at[slot],
                              acc_sh.at[ea_v.at[jj, 1]], sem_sr).wait()
        pltpu.make_async_copy(vals_v.at[slot],
                              cpre_sh.at[ea_v.at[jj, 0]], sem_sv).wait()

    def cbody(j, carry):
        @pl.when(j < K)
        def _():
            @pl.when(j >= RING)
            def _():
                drain_s(j - RING)

            fire_g(j)

        @pl.when(j >= LAG)
        def _():
            drain_g(j - LAG)
            fire_s(j - LAG)

        return carry

    lax.fori_loop(0, K + LAG, cbody, 0)
    for t in range(RING):
        drain_s(K - RING + t)
    plsc.subcore_barrier()

    pltpu.sync_copy(acc_sh.at[pl.ds(base, ROWS_PER_SUB)], stage_v)
    acc_w = pltpu.async_copy(
        stage_v, acc_out.at[pl.ds(c * NPAD + base, ROWS_PER_SUB)], sem_sr)
    pltpu.sync_copy(cpre_sh.at[pl.ds(base, ROWS_PER_SUB)], zbuf)
    dise_w.wait()

    def cexp_blk(i, carry):
        dv = zbuf[pl.ds(i * 16, 16)]
        for k in range(16):
            r = i * 16 + k
            stage2_v[r, :] = jnp.full((16,), 1.0, jnp.float32) * dv[k]
        return carry

    lax.fori_loop(0, ROWS_PER_SUB // 16, cexp_blk, 0)
    acc_w.wait()
    pltpu.sync_copy(stage2_v,
                    cpre_out.at[pl.ds(c * NPAD + base, ROWS_PER_SUB)])


_NR = N * HID // 128
_NRP = NPAD * HID // 128


def _tc2_body(accf_ref, cpef_ref, hpf_ref, disef_ref, b1_ref, w2_ref, b2_ref,
              out_ref):
    av = accf_ref[...].reshape(2 * _NRP, 128)
    cv = cpef_ref[...].reshape(2 * _NRP, 128)
    hv = hpf_ref[...].reshape(_NRP, 128)
    dv = disef_ref[...].reshape(_NRP, 128)
    b1t = jnp.concatenate([b1_ref[...]] * 8)
    f = av[0:_NRP] + av[_NRP:2 * _NRP] + hv
    r = jnp.maximum(f * dv + b1t[None, :], 0.0)
    ce = dv * (cv[0:_NRP] + cv[_NRP:2 * _NRP] + dv)
    u = r * ce
    rowid = lax.broadcasted_iota(jnp.int32, (_NRP, 128), 0)
    u = jnp.where(rowid < _NR, u, 0.0)
    v128 = jnp.sum(u, axis=0)
    v16 = v128[0:16]
    for i in range(1, 8):
        v16 = v16 + v128[16 * i:16 * (i + 1)]
    out = jnp.sum(w2_ref[...] * v16[:, None], axis=0) * (1.0 / N) + b2_ref[...]
    out_ref[...] = out


def _tc2(accf, cpef, hpf, disef, b1, w2, b2):
    return pl.pallas_call(
        _tc2_body,
        out_shape=jax.ShapeDtypeStruct((HID,), jnp.float32),
    )(accf, cpef, hpf, disef, b1, w2, b2)


def kernel(neigborhood_state, edges, W1, b1, W2, b2):
    edg = edges.astype(jnp.int32).reshape(2, NWIN, W).transpose(1, 0, 2)
    padrow = N + (jnp.arange(2 * W, dtype=jnp.int32) % (NPAD - N))
    padblk = jnp.broadcast_to(padrow.reshape(2, 1, W), (2, 2, W))

    h_flat = _tc1(neigborhood_state, W1)
    h2d = h_flat.reshape(NPAD, HID)
    acc, cpre_e, hp, dis_e = _main_kernel(edg, padblk, h2d)
    return _tc2(acc.reshape(2 * NPAD * HID), cpre_e.reshape(2 * NPAD * HID),
                hp.reshape(NPAD * HID), dis_e.reshape(NPAD * HID),
                b1, W2, b2)

# --- scband reference (transcript-rebuilt; emitter-appended) ---
"""Pipeline reference for scband-cls-encoder-80960133530358 (READ-ONLY COPY).

The authoritative reference and input builder live on the scoring server;
editing this copy changes nothing except your own understanding.
"""

import jax, jax.numpy as jnp
import numpy as np

N_NODES = 10000
N_EDGES = 320000
IN_DIM = 128
HID_DIM = 16
OUT_DIM = 16


def _glorot(key, shape):
    fan_in, fan_out = shape[0], shape[1]
    limit = np.sqrt(6.0 / (fan_in + fan_out))
    return jax.random.uniform(key, shape, dtype=jnp.float32, minval=-limit, maxval=limit)


def setup_inputs(seed: int = 0) -> dict:
    key = jax.random.key(seed)
    k1, k2, k3, k4 = jax.random.split(key, 4)
    neigborhood_state = jax.random.normal(k1, (N_NODES, IN_DIM), dtype=jnp.float32)
    edges = jax.random.randint(k2, (2, N_EDGES), 0, N_NODES, dtype=jnp.int64)
    W1 = _glorot(k3, (IN_DIM, HID_DIM))
    b1 = jnp.zeros((HID_DIM,), dtype=jnp.float32)
    W2 = _glorot(k4, (HID_DIM, OUT_DIM))
    b2 = jnp.zeros((OUT_DIM,), dtype=jnp.float32)
    return {"neigborhood_state": neigborhood_state, "edges": edges, "W1": W1, "b1": b1, "W2": W2, "b2": b2}


def _gcn_conv(x, src, dst, W, b, n_nodes):
    # PyG GCNConv with self-loops already appended in (src, dst):
    # out_i = sum_{j} deg_j^{-1/2} deg_i^{-1/2} (x_j W) + b
    deg = jnp.zeros((n_nodes,), dtype=x.dtype).at[dst].add(1.0)
    deg_inv_sqrt = jnp.where(deg > 0, jax.lax.rsqrt(jnp.maximum(deg, 1.0)), 0.0)
    norm = deg_inv_sqrt[src] * deg_inv_sqrt[dst]
    h = x @ W
    msg = h[src] * norm[:, None]
    out = jnp.zeros((n_nodes, W.shape[1]), dtype=x.dtype).at[dst].add(msg)
    return out + b


def reference(neigborhood_state, edges, W1, b1, W2, b2):
    n_nodes = neigborhood_state.shape[0]
    loop = jnp.arange(n_nodes, dtype=edges.dtype)
    src = jnp.concatenate([edges[0], loop])
    dst = jnp.concatenate([edges[1], loop])
    h = _gcn_conv(neigborhood_state, src, dst, W1, b1, n_nodes)
    h = jax.nn.relu(h)
    h = _gcn_conv(h, src, dst, W2, b2, n_nodes)
    # torch.mean(neighborhood_emb, dim=-2) over nodes -> [output_dim]
    return jnp.mean(h, axis=-2)

if __name__ == "__main__":
    import jax
    _d = setup_inputs()
    print(jax.jit(kernel)(*tuple(_d.values())))

</pallas_src>

<mosaic_0001>
#map = affine_map<(d0, d1) -> (0, 0, 0)>
#map1 = affine_map<(d0, d1) -> (0, 0)>
module attributes {stable_mosaic.version = 14 : i64} {
  func.func @_main_kernel(%arg0: i32, %arg1: i32, %arg2: memref<2500x2x128xi32, #tpu.memory_space<hbm>>, %arg3: memref<2x2x128xi32, #tpu.memory_space<hbm>>, %arg4: memref<10240x16xf32, #tpu.memory_space<hbm>>, %arg5: memref<20480x16xf32, #tpu.memory_space<hbm>>, %arg6: memref<20480x16xf32, #tpu.memory_space<hbm>>, %arg7: memref<10240x16xf32, #tpu.memory_space<hbm>>, %arg8: memref<10240x16xf32, #tpu.memory_space<hbm>>, %arg9: memref<159x2x128xi32, #tpu.memory_space<vmem>>, %arg10: memref<128xf32, #tpu.memory_space<vmem>>, %arg11: memref<16x128xf32, #tpu.memory_space<vmem>>, %arg12: memref<16x128x16xf32, #tpu.memory_space<vmem>>, %arg13: memref<640x16xf32, #tpu.memory_space<vmem>>, %arg14: memref<640x16xf32, #tpu.memory_space<vmem>>, %arg15: memref<640xf32, #tpu.memory_space<vmem>>, %arg16: memref<10240x16xf32, #tpu.memory_space<vmem_shared>>, %arg17: memref<10240xf32, #tpu.memory_space<vmem_shared>>, %arg18: memref<10240xf32, #tpu.memory_space<vmem_shared>>, %arg19: memref<!tpu.dma_semaphore, #tpu.memory_space<semaphore_mem>>, %arg20: memref<!tpu.dma_semaphore, #tpu.memory_space<semaphore_mem>>, %arg21: memref<!tpu.dma_semaphore, #tpu.memory_space<semaphore_mem>>, %arg22: memref<!tpu.dma_semaphore, #tpu.memory_space<semaphore_mem>>, %arg23: memref<!tpu.dma_semaphore, #tpu.memory_space<semaphore_mem>>) attributes {dimension_semantics = [#tpu.dimension_semantics<core_parallel>, #tpu.dimension_semantics<subcore_parallel>], iteration_bounds = array<i64: 2, 16>, scalar_prefetch = 0 : i64, scratch_operands = 15 : i64, tpu.core_type = #tpu.core_type<sc_vector_subcore>, window_params = [{transform_indices = #map}, {transform_indices = #map}, {transform_indices = #map1}, {transform_indices = #map1}, {transform_indices = #map1}, {transform_indices = #map1}, {transform_indices = #map1}]} {
    %mul3A = arith.constant 640 : i32
    %mul3A_0 = arith.muli %arg1, %mul3A : i32
    %scan3A = arith.constant 0 : i32
    %scan3A_1 = arith.constant 0 : i32
    %scan3A_2 = arith.constant 640 : i32
    %scan3A_3 = arith.addi %scan3A_1, %scan3A_2 : i32
    %scan3A_4 = arith.constant 1 : i32
    scf.for %scan3A_639 = %scan3A_1 to %scan3A_3 step %scan3A_4  : i32 {
      %broadcast_in_dim3A_640 = arith.constant 0.000000e+00 : f32
      %broadcast_in_dim3A_641 = vector.broadcast %broadcast_in_dim3A_640 : f32 to vector<16xf32>
      %swap3A_642 = arith.index_cast %scan3A_639 : i32 to index
      %swap3A_643 = arith.constant 0 : index
      %swap3A_644 = tpu.vector_load %arg13[%swap3A_642, %swap3A_643] {strides = array<i32>} : memref<640x16xf32, #tpu.memory_space<vmem>>, vector<1x16xf32>,
      %swap3A_645 = vector.shape_cast %swap3A_644 : vector<1x16xf32> to vector<16xf32>
      %swap3A_646 = vector.shape_cast %broadcast_in_dim3A_641 : vector<16xf32> to vector<1x16xf32>
      tpu.vector_store %arg13[%swap3A_642, %swap3A_643], %swap3A_646 {strides = array<i32>} : memref<640x16xf32, #tpu.memory_space<vmem>>, vector<1x16xf32>,
    }
    %scan3A_5 = arith.constant 640 : i32
    %scan3A_6 = arith.constant 0 : i32
    %scan3A_7 = arith.constant 0 : i32
    %scan3A_8 = arith.constant 40 : i32
    %scan3A_9 = arith.addi %scan3A_7, %scan3A_8 : i32
    %scan3A_10 = arith.constant 1 : i32
    scf.for %scan3A_639 = %scan3A_7 to %scan3A_9 step %scan3A_10  : i32 {
      %broadcast_in_dim3A_640 = arith.constant 0.000000e+00 : f32
      %broadcast_in_dim3A_641 = vector.broadcast %broadcast_in_dim3A_640 : f32 to vector<16xf32>
      %mul3A_642 = arith.constant 16 : i32
      %mul3A_643 = arith.muli %scan3A_639, %mul3A_642 : i32
      %swap3A_644 = arith.index_cast %mul3A_643 : i32 to index
      %swap3A_645 = tpu.vector_load %arg15[%swap3A_644] {strides = array<i32>} : memref<640xf32, #tpu.memory_space<vmem>>, vector<16xf32>,
      %swap3A_646 = vector.shape_cast %swap3A_645 : vector<16xf32> to vector<16xf32>
      %swap3A_647 = vector.shape_cast %broadcast_in_dim3A_641 : vector<16xf32> to vector<16xf32>
      tpu.vector_store %arg15[%swap3A_644], %swap3A_647 {strides = array<i32>} : memref<640xf32, #tpu.memory_space<vmem>>, vector<16xf32>,
    }
    %scan3A_11 = arith.constant 40 : i32
    %broadcast_in_dim3A = arith.constant 1.000000e+00 : f32
    %broadcast_in_dim3A_12 = vector.broadcast %broadcast_in_dim3A : f32 to vector<16xf32>
    %swap3A = arith.constant 0 : index
    %swap3A_13 = tpu.vector_load %arg10[%swap3A] {strides = array<i32>} : memref<128xf32, #tpu.memory_space<vmem>>, vector<16xf32>,
    %swap3A_14 = vector.shape_cast %swap3A_13 : vector<16xf32> to vector<16xf32>
    %swap3A_15 = vector.shape_cast %broadcast_in_dim3A_12 : vector<16xf32> to vector<16xf32>
    tpu.vector_store %arg10[%swap3A], %swap3A_15 {strides = array<i32>} : memref<128xf32, #tpu.memory_space<vmem>>, vector<16xf32>,
    %broadcast_in_dim3A_16 = arith.constant 1.000000e+00 : f32
    %broadcast_in_dim3A_17 = vector.broadcast %broadcast_in_dim3A_16 : f32 to vector<16xf32>
    %swap3A_18 = arith.constant 16 : index
    %swap3A_19 = tpu.vector_load %arg10[%swap3A_18] {strides = array<i32>} : memref<128xf32, #tpu.memory_space<vmem>>, vector<16xf32>,
    %swap3A_20 = vector.shape_cast %swap3A_19 : vector<16xf32> to vector<16xf32>
    %swap3A_21 = vector.shape_cast %broadcast_in_dim3A_17 : vector<16xf32> to vector<16xf32>
    tpu.vector_store %arg10[%swap3A_18], %swap3A_21 {strides = array<i32>} : memref<128xf32, #tpu.memory_space<vmem>>, vector<16xf32>,
    %broadcast_in_dim3A_22 = arith.constant 1.000000e+00 : f32
    %broadcast_in_dim3A_23 = vector.broadcast %broadcast_in_dim3A_22 : f32 to vector<16xf32>
    %swap3A_24 = arith.constant 32 : index
    %swap3A_25 = tpu.vector_load %arg10[%swap3A_24] {strides = array<i32>} : memref<128xf32, #tpu.memory_space<vmem>>, vector<16xf32>,
    %swap3A_26 = vector.shape_cast %swap3A_25 : vector<16xf32> to vector<16xf32>
    %swap3A_27 = vector.shape_cast %broadcast_in_dim3A_23 : vector<16xf32> to vector<16xf32>
    tpu.vector_store %arg10[%swap3A_24], %swap3A_27 {strides = array<i32>} : memref<128xf32, #tpu.memory_space<vmem>>, vector<16xf32>,
    %broadcast_in_dim3A_28 = arith.constant 1.000000e+00 : f32
    %broadcast_in_dim3A_29 = vector.broadcast %broadcast_in_dim3A_28 : f32 to vector<16xf32>
    %swap3A_30 = arith.constant 48 : index
    %swap3A_31 = tpu.vector_load %arg10[%swap3A_30] {strides = array<i32>} : memref<128xf32, #tpu.memory_space<vmem>>, vector<16xf32>,
    %swap3A_32 = vector.shape_cast %swap3A_31 : vector<16xf32> to vector<16xf32>
    %swap3A_33 = vector.shape_cast %broadcast_in_dim3A_29 : vector<16xf32> to vector<16xf32>
    tpu.vector_store %arg10[%swap3A_30], %swap3A_33 {strides = array<i32>} : memref<128xf32, #tpu.memory_space<vmem>>, vector<16xf32>,
    %broadcast_in_dim3A_34 = arith.constant 1.000000e+00 : f32
    %broadcast_in_dim3A_35 = vector.broadcast %broadcast_in_dim3A_34 : f32 to vector<16xf32>
    %swap3A_36 = arith.constant 64 : index
    %swap3A_37 = tpu.vector_load %arg10[%swap3A_36] {strides = array<i32>} : memref<128xf32, #tpu.memory_space<vmem>>, vector<16xf32>,
    %swap3A_38 = vector.shape_cast %swap3A_37 : vector<16xf32> to vector<16xf32>
    %swap3A_39 = vector.shape_cast %broadcast_in_dim3A_35 : vector<16xf32> to vector<16xf32>
    tpu.vector_store %arg10[%swap3A_36], %swap3A_39 {strides = array<i32>} : memref<128xf32, #tpu.memory_space<vmem>>, vector<16xf32>,
    %broadcast_in_dim3A_40 = arith.constant 1.000000e+00 : f32
    %broadcast_in_dim3A_41 = vector.broadcast %broadcast_in_dim3A_40 : f32 to vector<16xf32>
    %swap3A_42 = arith.constant 80 : index
    %swap3A_43 = tpu.vector_load %arg10[%swap3A_42] {strides = array<i32>} : memref<128xf32, #tpu.memory_space<vmem>>, vector<16xf32>,
    %swap3A_44 = vector.shape_cast %swap3A_43 : vector<16xf32> to vector<16xf32>
    %swap3A_45 = vector.shape_cast %broadcast_in_dim3A_41 : vector<16xf32> to vector<16xf32>
    tpu.vector_store %arg10[%swap3A_42], %swap3A_45 {strides = array<i32>} : memref<128xf32, #tpu.memory_space<vmem>>, vector<16xf32>,
    %broadcast_in_dim3A_46 = arith.constant 1.000000e+00 : f32
    %broadcast_in_dim3A_47 = vector.broadcast %broadcast_in_dim3A_46 : f32 to vector<16xf32>
    %swap3A_48 = arith.constant 96 : index
    %swap3A_49 = tpu.vector_load %arg10[%swap3A_48] {strides = array<i32>} : memref<128xf32, #tpu.memory_space<vmem>>, vector<16xf32>,
    %swap3A_50 = vector.shape_cast %swap3A_49 : vector<16xf32> to vector<16xf32>
    %swap3A_51 = vector.shape_cast %broadcast_in_dim3A_47 : vector<16xf32> to vector<16xf32>
    tpu.vector_store %arg10[%swap3A_48], %swap3A_51 {strides = array<i32>} : memref<128xf32, #tpu.memory_space<vmem>>, vector<16xf32>,
    %broadcast_in_dim3A_52 = arith.constant 1.000000e+00 : f32
    %broadcast_in_dim3A_53 = vector.broadcast %broadcast_in_dim3A_52 : f32 to vector<16xf32>
    %swap3A_54 = arith.constant 112 : index
    %swap3A_55 = tpu.vector_load %arg10[%swap3A_54] {strides = array<i32>} : memref<128xf32, #tpu.memory_space<vmem>>, vector<16xf32>,
    %swap3A_56 = vector.shape_cast %swap3A_55 : vector<16xf32> to vector<16xf32>
    %swap3A_57 = vector.shape_cast %broadcast_in_dim3A_53 : vector<16xf32> to vector<16xf32>
    tpu.vector_store %arg10[%swap3A_54], %swap3A_57 {strides = array<i32>} : memref<128xf32, #tpu.memory_space<vmem>>, vector<16xf32>,
    "tpu.region"() ({
      %run_scoped3A = tpu.sem_alloc : memref<!tpu.dma_semaphore, #tpu.memory_space<semaphore_mem>>
      %dma_start3A_639 = arith.constant 0 : i32
      %dma_start3A_640 = tpu.memref_slice %arg16[%mul3A_0, %dma_start3A_639] : memref<10240x16xf32, #tpu.memory_space<vmem_shared>> -> memref<640x16xf32, #tpu.memory_space<vmem_shared>>
      %dma_start3A_641 = arith.constant 0 : i32
      %dma_start3A_642 = tpu.memref_slice %arg16[%mul3A_0, %dma_start3A_641] : memref<10240x16xf32, #tpu.memory_space<vmem_shared>> -> memref<640x16xf32, #tpu.memory_space<vmem_shared>>
      tpu.enqueue_dma source(%arg13 : memref<640x16xf32, #tpu.memory_space<vmem>>) target(%dma_start3A_642 : memref<640x16xf32, #tpu.memory_space<vmem_shared>>) target_semaphore(%run_scoped3A : memref<!tpu.dma_semaphore, #tpu.memory_space<semaphore_mem>>)
      %dma_wait3A_643 = arith.constant 0 : i32
      %dma_wait3A_644 = tpu.memref_slice %arg16[%mul3A_0, %dma_wait3A_643] : memref<10240x16xf32, #tpu.memory_space<vmem_shared>> -> memref<640x16xf32, #tpu.memory_space<vmem_shared>>
      %dma_wait3A_645 = arith.constant 0 : i32
      %dma_wait3A_646 = tpu.memref_slice %arg16[%mul3A_0, %dma_wait3A_645] : memref<10240x16xf32, #tpu.memory_space<vmem_shared>> -> memref<640x16xf32, #tpu.memory_space<vmem_shared>>
      tpu.wait_dma2 semaphore(%run_scoped3A : memref<!tpu.dma_semaphore, #tpu.memory_space<semaphore_mem>>) src(%arg13 : memref<640x16xf32, #tpu.memory_space<vmem>>) dst(%dma_wait3A_646 : memref<640x16xf32, #tpu.memory_space<vmem_shared>>)
      tpu.yield
    }) : () -> ()
    "tpu.region"() ({
      %run_scoped3A = tpu.sem_alloc : memref<!tpu.dma_semaphore, #tpu.memory_space<semaphore_mem>>
      %dma_start3A_639 = tpu.memref_slice %arg17[%mul3A_0] : memref<10240xf32, #tpu.memory_space<vmem_shared>> -> memref<640xf32, #tpu.memory_space<vmem_shared>>
      %dma_start3A_640 = tpu.memref_slice %arg17[%mul3A_0] : memref<10240xf32, #tpu.memory_space<vmem_shared>> -> memref<640xf32, #tpu.memory_space<vmem_shared>>
      tpu.enqueue_dma source(%arg15 : memref<640xf32, #tpu.memory_space<vmem>>) target(%dma_start3A_640 : memref<640xf32, #tpu.memory_space<vmem_shared>>) target_semaphore(%run_scoped3A : memref<!tpu.dma_semaphore, #tpu.memory_space<semaphore_mem>>)
      %dma_wait3A_641 = tpu.memref_slice %arg17[%mul3A_0] : memref<10240xf32, #tpu.memory_space<vmem_shared>> -> memref<640xf32, #tpu.memory_space<vmem_shared>>
      %dma_wait3A_642 = tpu.memref_slice %arg17[%mul3A_0] : memref<10240xf32, #tpu.memory_space<vmem_shared>> -> memref<640xf32, #tpu.memory_space<vmem_shared>>
      tpu.wait_dma2 semaphore(%run_scoped3A : memref<!tpu.dma_semaphore, #tpu.memory_space<semaphore_mem>>) src(%arg15 : memref<640xf32, #tpu.memory_space<vmem>>) dst(%dma_wait3A_642 : memref<640xf32, #tpu.memory_space<vmem_shared>>)
      tpu.yield
    }) : () -> ()
    "tpu.region"() ({
      %run_scoped3A = tpu.sem_alloc : memref<!tpu.dma_semaphore, #tpu.memory_space<semaphore_mem>>
      %dma_start3A_639 = tpu.memref_slice %arg18[%mul3A_0] : memref<10240xf32, #tpu.memory_space<vmem_shared>> -> memref<640xf32, #tpu.memory_space<vmem_shared>>
      %dma_start3A_640 = tpu.memref_slice %arg18[%mul3A_0] : memref<10240xf32, #tpu.memory_space<vmem_shared>> -> memref<640xf32, #tpu.memory_space<vmem_shared>>
      tpu.enqueue_dma source(%arg15 : memref<640xf32, #tpu.memory_space<vmem>>) target(%dma_start3A_640 : memref<640xf32, #tpu.memory_space<vmem_shared>>) target_semaphore(%run_scoped3A : memref<!tpu.dma_semaphore, #tpu.memory_space<semaphore_mem>>)
      %dma_wait3A_641 = tpu.memref_slice %arg18[%mul3A_0] : memref<10240xf32, #tpu.memory_space<vmem_shared>> -> memref<640xf32, #tpu.memory_space<vmem_shared>>
      %dma_wait3A_642 = tpu.memref_slice %arg18[%mul3A_0] : memref<10240xf32, #tpu.memory_space<vmem_shared>> -> memref<640xf32, #tpu.memory_space<vmem_shared>>
      tpu.wait_dma2 semaphore(%run_scoped3A : memref<!tpu.dma_semaphore, #tpu.memory_space<semaphore_mem>>) src(%arg15 : memref<640xf32, #tpu.memory_space<vmem>>) dst(%dma_wait3A_642 : memref<640xf32, #tpu.memory_space<vmem_shared>>)
      tpu.yield
    }) : () -> ()
    %mul3A_58 = arith.constant 2500 : i32
    %mul3A_59 = arith.muli %arg1, %mul3A_58 : i32
    %jit3A = arith.constant 16 : i32
    %div3A = arith.divsi %mul3A_59, %jit3A : i32
    %sign3A = arith.constant 0 : i32
    %sign3A_60 = arith.cmpi sgt, %mul3A_59, %sign3A : i32
    %sign3A_61 = arith.extui %sign3A_60 : i1 to i32
    %sign3A_62 = arith.constant 0 : i32
    %sign3A_63 = arith.cmpi slt, %mul3A_59, %sign3A_62 : i32
    %sign3A_64 = arith.extui %sign3A_63 : i1 to i32
    %sign3A_65 = arith.subi %sign3A_61, %sign3A_64 : i32
    %sign3A_66 = arith.constant 0 : i32
    %sign3A_67 = arith.cmpi sgt, %jit3A, %sign3A_66 : i32
    %sign3A_68 = arith.extui %sign3A_67 : i1 to i32
    %sign3A_69 = arith.constant 0 : i32
    %sign3A_70 = arith.cmpi slt, %jit3A, %sign3A_69 : i32
    %sign3A_71 = arith.extui %sign3A_70 : i1 to i32
    %sign3A_72 = arith.subi %sign3A_68, %sign3A_71 : i32
    %ne3A = arith.cmpi ne, %sign3A_65, %sign3A_72 : i32
    %rem3A = arith.remsi %mul3A_59, %jit3A : i32
    %ne3A_73 = arith.constant 0 : i32
    %ne3A_74 = arith.cmpi ne, %rem3A, %ne3A_73 : i32
    %and3A = arith.andi %ne3A, %ne3A_74 : i1
    %sub3A = arith.constant 1 : i32
    %sub3A_75 = arith.subi %div3A, %sub3A : i32
    %select_n3A = arith.select %and3A, %sub3A_75, %div3A : i32
    %add3A = arith.constant 1 : i32
    %add3A_76 = arith.addi %arg1, %add3A : i32
    %mul3A_77 = arith.constant 2500 : i32
    %mul3A_78 = arith.muli %add3A_76, %mul3A_77 : i32
    %jit3A_79 = arith.constant 16 : i32
    %div3A_80 = arith.divsi %mul3A_78, %jit3A_79 : i32
    %sign3A_81 = arith.constant 0 : i32
    %sign3A_82 = arith.cmpi sgt, %mul3A_78, %sign3A_81 : i32
    %sign3A_83 = arith.extui %sign3A_82 : i1 to i32
    %sign3A_84 = arith.constant 0 : i32
    %sign3A_85 = arith.cmpi slt, %mul3A_78, %sign3A_84 : i32
    %sign3A_86 = arith.extui %sign3A_85 : i1 to i32
    %sign3A_87 = arith.subi %sign3A_83, %sign3A_86 : i32
    %sign3A_88 = arith.constant 0 : i32
    %sign3A_89 = arith.cmpi sgt, %jit3A_79, %sign3A_88 : i32
    %sign3A_90 = arith.extui %sign3A_89 : i1 to i32
    %sign3A_91 = arith.constant 0 : i32
    %sign3A_92 = arith.cmpi slt, %jit3A_79, %sign3A_91 : i32
    %sign3A_93 = arith.extui %sign3A_92 : i1 to i32
    %sign3A_94 = arith.subi %sign3A_90, %sign3A_93 : i32
    %ne3A_95 = arith.cmpi ne, %sign3A_87, %sign3A_94 : i32
    %rem3A_96 = arith.remsi %mul3A_78, %jit3A_79 : i32
    %ne3A_97 = arith.constant 0 : i32
    %ne3A_98 = arith.cmpi ne, %rem3A_96, %ne3A_97 : i32
    %and3A_99 = arith.andi %ne3A_95, %ne3A_98 : i1
    %sub3A_100 = arith.constant 1 : i32
    %sub3A_101 = arith.subi %div3A_80, %sub3A_100 : i32
    %select_n3A_102 = arith.select %and3A_99, %sub3A_101, %div3A_80 : i32
    %sub3A_103 = arith.subi %select_n3A_102, %select_n3A : i32
    "tpu.region"() ({
      %run_scoped3A = tpu.sem_alloc : memref<!tpu.dma_semaphore, #tpu.memory_space<semaphore_mem>>
      %dma_start3A_639 = arith.constant 0 : i32
      %dma_start3A_640 = arith.constant 0 : i32
      %dma_start3A_641 = arith.constant 0 : i32
      %dma_start3A_642 = tpu.memref_slice %arg9[%dma_start3A_639, %dma_start3A_640, %dma_start3A_641] : memref<159x2x128xi32, #tpu.memory_space<vmem>> -> memref<157x2x128xi32, #tpu.memory_space<vmem>>
      %dma_start3A_643 = arith.constant 0 : i32
      %dma_start3A_644 = arith.constant 0 : i32
      %dma_start3A_645 = tpu.memref_slice %arg2[%select_n3A, %dma_start3A_643, %dma_start3A_644] : memref<2500x2x128xi32, #tpu.memory_space<hbm>> -> memref<157x2x128xi32, #tpu.memory_space<hbm>>
      %dma_start3A_646 = arith.constant 0 : i32
      %dma_start3A_647 = arith.constant 0 : i32
      %dma_start3A_648 = arith.constant 0 : i32
      %dma_start3A_649 = tpu.memref_slice %arg9[%dma_start3A_646, %dma_start3A_647, %dma_start3A_648] : memref<159x2x128xi32, #tpu.memory_space<vmem>> -> memref<157x2x128xi32, #tpu.memory_space<vmem>>
      %dma_start3A_650 = arith.constant 0 : i32
      %dma_start3A_651 = arith.constant 0 : i32
      %dma_start3A_652 = tpu.memref_slice %arg2[%select_n3A, %dma_start3A_650, %dma_start3A_651] : memref<2500x2x128xi32, #tpu.memory_space<hbm>> -> memref<157x2x128xi32, #tpu.memory_space<hbm>>
      tpu.enqueue_dma source(%dma_start3A_652 : memref<157x2x128xi32, #tpu.memory_space<hbm>>) target(%dma_start3A_649 : memref<157x2x128xi32, #tpu.memory_space<vmem>>) target_semaphore(%run_scoped3A : memref<!tpu.dma_semaphore, #tpu.memory_space<semaphore_mem>>)
      %dma_wait3A_653 = arith.constant 0 : i32
      %dma_wait3A_654 = arith.constant 0 : i32
      %dma_wait3A_655 = arith.constant 0 : i32
      %dma_wait3A_656 = tpu.memref_slice %arg9[%dma_wait3A_653, %dma_wait3A_654, %dma_wait3A_655] : memref<159x2x128xi32, #tpu.memory_space<vmem>> -> memref<157x2x128xi32, #tpu.memory_space<vmem>>
      %dma_wait3A_657 = arith.constant 0 : i32
      %dma_wait3A_658 = arith.constant 0 : i32
      %dma_wait3A_659 = tpu.memref_slice %arg2[%select_n3A, %dma_wait3A_657, %dma_wait3A_658] : memref<2500x2x128xi32, #tpu.memory_space<hbm>> -> memref<157x2x128xi32, #tpu.memory_space<hbm>>
      %dma_wait3A_660 = arith.constant 0 : i32
      %dma_wait3A_661 = arith.constant 0 : i32
      %dma_wait3A_662 = arith.constant 0 : i32
      %dma_wait3A_663 = tpu.memref_slice %arg9[%dma_wait3A_660, %dma_wait3A_661, %dma_wait3A_662] : memref<159x2x128xi32, #tpu.memory_space<vmem>> -> memref<157x2x128xi32, #tpu.memory_space<vmem>>
      %dma_wait3A_664 = arith.constant 0 : i32
      %dma_wait3A_665 = arith.constant 0 : i32
      %dma_wait3A_666 = tpu.memref_slice %arg2[%select_n3A, %dma_wait3A_664, %dma_wait3A_665] : memref<2500x2x128xi32, #tpu.memory_space<hbm>> -> memref<157x2x128xi32, #tpu.memory_space<hbm>>
      tpu.wait_dma2 semaphore(%run_scoped3A : memref<!tpu.dma_semaphore, #tpu.memory_space<semaphore_mem>>) src(%dma_wait3A_666 : memref<157x2x128xi32, #tpu.memory_space<hbm>>) dst(%dma_wait3A_663 : memref<157x2x128xi32, #tpu.memory_space<vmem>>)
      tpu.yield
    }) : () -> ()
    "tpu.region"() ({
      %run_scoped3A = tpu.sem_alloc : memref<!tpu.dma_semaphore, #tpu.memory_space<semaphore_mem>>
      %dma_start3A_639 = arith.constant 0 : i32
      %dma_start3A_640 = arith.constant 0 : i32
      %dma_start3A_641 = tpu.memref_slice %arg9[%sub3A_103, %dma_start3A_639, %dma_start3A_640] : memref<159x2x128xi32, #tpu.memory_space<vmem>> -> memref<2x2x128xi32, #tpu.memory_space<vmem>>
      %dma_start3A_642 = arith.constant 0 : i32
      %dma_start3A_643 = arith.constant 0 : i32
      %dma_start3A_644 = tpu.memref_slice %arg9[%sub3A_103, %dma_start3A_642, %dma_start3A_643] : memref<159x2x128xi32, #tpu.memory_space<vmem>> -> memref<2x2x128xi32, #tpu.memory_space<vmem>>
      tpu.enqueue_dma source(%arg3 : memref<2x2x128xi32, #tpu.memory_space<hbm>>) target(%dma_start3A_644 : memref<2x2x128xi32, #tpu.memory_space<vmem>>) target_semaphore(%run_scoped3A : memref<!tpu.dma_semaphore, #tpu.memory_space<semaphore_mem>>)
      %dma_wait3A_645 = arith.constant 0 : i32
      %dma_wait3A_646 = arith.constant 0 : i32
      %dma_wait3A_647 = tpu.memref_slice %arg9[%sub3A_103, %dma_wait3A_645, %dma_wait3A_646] : memref<159x2x128xi32, #tpu.memory_space<vmem>> -> memref<2x2x128xi32, #tpu.memory_space<vmem>>
      %dma_wait3A_648 = arith.constant 0 : i32
      %dma_wait3A_649 = arith.constant 0 : i32
      %dma_wait3A_650 = tpu.memref_slice %arg9[%sub3A_103, %dma_wait3A_648, %dma_wait3A_649] : memref<159x2x128xi32, #tpu.memory_space<vmem>> -> memref<2x2x128xi32, #tpu.memory_space<vmem>>
      tpu.wait_dma2 semaphore(%run_scoped3A : memref<!tpu.dma_semaphore, #tpu.memory_space<semaphore_mem>>) src(%arg3 : memref<2x2x128xi32, #tpu.memory_space<hbm>>) dst(%dma_wait3A_650 : memref<2x2x128xi32, #tpu.memory_space<vmem>>)
      tpu.yield
    }) : () -> ()
    %mul3A_104 = arith.constant 2 : i32
    %mul3A_105 = arith.muli %mul3A_104, %arg1 : i32
    %add3A_106 = arith.addi %mul3A_105, %arg0 : i32
    %mul3A_107 = arith.constant 2500 : i32
    %mul3A_108 = arith.muli %add3A_106, %mul3A_107 : i32
    %jit3A_109 = arith.constant 32 : i32
    %div3A_110 = arith.divsi %mul3A_108, %jit3A_109 : i32
    %sign3A_111 = arith.constant 0 : i32
    %sign3A_112 = arith.cmpi sgt, %mul3A_108, %sign3A_111 : i32
    %sign3A_113 = arith.extui %sign3A_112 : i1 to i32
    %sign3A_114 = arith.constant 0 : i32
    %sign3A_115 = arith.cmpi slt, %mul3A_108, %sign3A_114 : i32
    %sign3A_116 = arith.extui %sign3A_115 : i1 to i32
    %sign3A_117 = arith.subi %sign3A_113, %sign3A_116 : i32
    %sign3A_118 = arith.constant 0 : i32
    %sign3A_119 = arith.cmpi sgt, %jit3A_109, %sign3A_118 : i32
    %sign3A_120 = arith.extui %sign3A_119 : i1 to i32
    %sign3A_121 = arith.constant 0 : i32
    %sign3A_122 = arith.cmpi slt, %jit3A_109, %sign3A_121 : i32
    %sign3A_123 = arith.extui %sign3A_122 : i1 to i32
    %sign3A_124 = arith.subi %sign3A_120, %sign3A_123 : i32
    %ne3A_125 = arith.cmpi ne, %sign3A_117, %sign3A_124 : i32
    %rem3A_126 = arith.remsi %mul3A_108, %jit3A_109 : i32
    %ne3A_127 = arith.constant 0 : i32
    %ne3A_128 = arith.cmpi ne, %rem3A_126, %ne3A_127 : i32
    %and3A_129 = arith.andi %ne3A_125, %ne3A_128 : i1
    %sub3A_130 = arith.constant 1 : i32
    %sub3A_131 = arith.subi %div3A_110, %sub3A_130 : i32
    %select_n3A_132 = arith.select %and3A_129, %sub3A_131, %div3A_110 : i32
    %sub3A_133 = arith.subi %select_n3A_132, %select_n3A : i32
    %add3A_134 = arith.constant 1 : i32
    %add3A_135 = arith.addi %add3A_106, %add3A_134 : i32
    %mul3A_136 = arith.constant 2500 : i32
    %mul3A_137 = arith.muli %add3A_135, %mul3A_136 : i32
    %jit3A_138 = arith.constant 32 : i32
    %div3A_139 = arith.divsi %mul3A_137, %jit3A_138 : i32
    %sign3A_140 = arith.constant 0 : i32
    %sign3A_141 = arith.cmpi sgt, %mul3A_137, %sign3A_140 : i32
    %sign3A_142 = arith.extui %sign3A_141 : i1 to i32
    %sign3A_143 = arith.constant 0 : i32
    %sign3A_144 = arith.cmpi slt, %mul3A_137, %sign3A_143 : i32
    %sign3A_145 = arith.extui %sign3A_144 : i1 to i32
    %sign3A_146 = arith.subi %sign3A_142, %sign3A_145 : i32
    %sign3A_147 = arith.constant 0 : i32
    %sign3A_148 = arith.cmpi sgt, %jit3A_138, %sign3A_147 : i32
    %sign3A_149 = arith.extui %sign3A_148 : i1 to i32
    %sign3A_150 = arith.constant 0 : i32
    %sign3A_151 = arith.cmpi slt, %jit3A_138, %sign3A_150 : i32
    %sign3A_152 = arith.extui %sign3A_151 : i1 to i32
    %sign3A_153 = arith.subi %sign3A_149, %sign3A_152 : i32
    %ne3A_154 = arith.cmpi ne, %sign3A_146, %sign3A_153 : i32
    %rem3A_155 = arith.remsi %mul3A_137, %jit3A_138 : i32
    %ne3A_156 = arith.constant 0 : i32
    %ne3A_157 = arith.cmpi ne, %rem3A_155, %ne3A_156 : i32
    %and3A_158 = arith.andi %ne3A_154, %ne3A_157 : i1
    %sub3A_159 = arith.constant 1 : i32
    %sub3A_160 = arith.subi %div3A_139, %sub3A_159 : i32
    %select_n3A_161 = arith.select %and3A_158, %sub3A_160, %div3A_139 : i32
    %sub3A_162 = arith.subi %select_n3A_161, %select_n3A_132 : i32
    %dma_start3A = arith.constant 0 : i32
    %dma_start3A_163 = tpu.memref_slice %arg4[%mul3A_0, %dma_start3A] : memref<10240x16xf32, #tpu.memory_space<hbm>> -> memref<640x16xf32, #tpu.memory_space<hbm>>
    %dma_start3A_164 = arith.constant 0 : i32
    %dma_start3A_165 = tpu.memref_slice %arg4[%mul3A_0, %dma_start3A_164] : memref<10240x16xf32, #tpu.memory_space<hbm>> -> memref<640x16xf32, #tpu.memory_space<hbm>>
    tpu.enqueue_dma source(%dma_start3A_165 : memref<640x16xf32, #tpu.memory_space<hbm>>) target(%arg13 : memref<640x16xf32, #tpu.memory_space<vmem>>) target_semaphore(%arg22 : memref<!tpu.dma_semaphore, #tpu.memory_space<semaphore_mem>>)
    %barrier3A = arith.constant 0 : index
    tpu.barrier barrier_id(%barrier3A)
    %scan3A_166 = arith.constant 0 : i32
    %scan3A_167 = arith.constant 0 : i32
    %scan3A_168 = arith.constant 174 : i32
    %scan3A_169 = arith.addi %scan3A_167, %scan3A_168 : i32
    %scan3A_170 = arith.constant 1 : i32
    scf.for %scan3A_639 = %scan3A_167 to %scan3A_169 step %scan3A_170  : i32 {
      %lt3A = arith.constant 158 : i32
      %lt3A_640 = arith.cmpi slt, %scan3A_639, %lt3A : i32
      %convert_element_type3A = arith.extui %lt3A_640 : i1 to i32
      %cond3A = arith.constant 0 : i32
      %cond3A_641 = arith.cmpi ne, %convert_element_type3A, %cond3A : i32
      scf.if %cond3A_641 {
        %dma_start3A_646 = arith.constant 1 : i32
        %dma_start3A_647 = arith.constant 0 : i32
        %dma_start3A_648 = tpu.memref_slice %arg9[%scan3A_639, %dma_start3A_646, %dma_start3A_647] : memref<159x2x128xi32, #tpu.memory_space<vmem>> -> memref<1x1x128xi32, #tpu.memory_space<vmem>>
        %dma_start3A_649 = tpu.memref_squeeze %dma_start3A_648 : memref<1x1x128xi32, #tpu.memory_space<vmem>> -> memref<128xi32, #tpu.memory_space<vmem>>
        %dma_start3A_650 = arith.constant 0 : i32
        %dma_start3A_651 = tpu.memref_slice %arg18[%dma_start3A_650] : memref<10240xf32, #tpu.memory_space<vmem_shared>> -> memref<10240xf32, #tpu.memory_space<vmem_shared>>
        tpu.enqueue_indirect_dma source(%arg10 : memref<128xf32, #tpu.memory_space<vmem>>) target(%dma_start3A_651 : memref<10240xf32, #tpu.memory_space<vmem_shared>>) offsets(%dma_start3A_649 : memref<128xi32, #tpu.memory_space<vmem>>) semaphore(%arg19 : memref<!tpu.dma_semaphore, #tpu.memory_space<semaphore_mem>>) {add = true}
      } else {
      }
      %ge3A = arith.constant 16 : i32
      %ge3A_642 = arith.cmpi sge, %scan3A_639, %ge3A : i32
      %convert_element_type3A_643 = arith.extui %ge3A_642 : i1 to i32
      %cond3A_644 = arith.constant 0 : i32
      %cond3A_645 = arith.cmpi ne, %convert_element_type3A_643, %cond3A_644 : i32
      scf.if %cond3A_645 {
        %sub3A_646 = arith.constant 16 : i32
        %sub3A_647 = arith.subi %scan3A_639, %sub3A_646 : i32
        %dma_wait3A_648 = arith.constant 1 : i32
        %dma_wait3A_649 = arith.constant 0 : i32
        %dma_wait3A_650 = tpu.memref_slice %arg9[%sub3A_647, %dma_wait3A_648, %dma_wait3A_649] : memref<159x2x128xi32, #tpu.memory_space<vmem>> -> memref<1x1x128xi32, #tpu.memory_space<vmem>>
        %dma_wait3A_651 = tpu.memref_squeeze %dma_wait3A_650 : memref<1x1x128xi32, #tpu.memory_space<vmem>> -> memref<128xi32, #tpu.memory_space<vmem>>
        %dma_wait3A_652 = arith.constant 0 : i32
        %dma_wait3A_653 = tpu.memref_slice %arg18[%dma_wait3A_652] : memref<10240xf32, #tpu.memory_space<vmem_shared>> -> memref<10240xf32, #tpu.memory_space<vmem_shared>>
        tpu.wait_indirect_dma semaphore(%arg19 : memref<!tpu.dma_semaphore, #tpu.memory_space<semaphore_mem>>) src(%arg10 : memref<128xf32, #tpu.memory_space<vmem>>) dst(%dma_wait3A_653 : memref<10240xf32, #tpu.memory_space<vmem_shared>>)
      } else {
      }
    }
    %scan3A_171 = arith.constant 174 : i32
    %barrier3A_172 = arith.constant 0 : index
    tpu.barrier barrier_id(%barrier3A_172)
    %add3A_173 = arith.addi %sub3A_133, %sub3A_162 : i32
    "tpu.region"() ({
      %run_scoped3A = tpu.sem_alloc : memref<!tpu.dma_semaphore, #tpu.memory_space<semaphore_mem>>
      %dma_start3A_639 = arith.constant 0 : i32
      %dma_start3A_640 = arith.constant 0 : i32
      %dma_start3A_641 = tpu.memref_slice %arg9[%add3A_173, %dma_start3A_639, %dma_start3A_640] : memref<159x2x128xi32, #tpu.memory_space<vmem>> -> memref<2x2x128xi32, #tpu.memory_space<vmem>>
      %dma_start3A_642 = arith.constant 0 : i32
      %dma_start3A_643 = arith.constant 0 : i32
      %dma_start3A_644 = tpu.memref_slice %arg9[%add3A_173, %dma_start3A_642, %dma_start3A_643] : memref<159x2x128xi32, #tpu.memory_space<vmem>> -> memref<2x2x128xi32, #tpu.memory_space<vmem>>
      tpu.enqueue_dma source(%arg3 : memref<2x2x128xi32, #tpu.memory_space<hbm>>) target(%dma_start3A_644 : memref<2x2x128xi32, #tpu.memory_space<vmem>>) target_semaphore(%run_scoped3A : memref<!tpu.dma_semaphore, #tpu.memory_space<semaphore_mem>>)
      %dma_wait3A_645 = arith.constant 0 : i32
      %dma_wait3A_646 = arith.constant 0 : i32
      %dma_wait3A_647 = tpu.memref_slice %arg9[%add3A_173, %dma_wait3A_645, %dma_wait3A_646] : memref<159x2x128xi32, #tpu.memory_space<vmem>> -> memref<2x2x128xi32, #tpu.memory_space<vmem>>
      %dma_wait3A_648 = arith.constant 0 : i32
      %dma_wait3A_649 = arith.constant 0 : i32
      %dma_wait3A_650 = tpu.memref_slice %arg9[%add3A_173, %dma_wait3A_648, %dma_wait3A_649] : memref<159x2x128xi32, #tpu.memory_space<vmem>> -> memref<2x2x128xi32, #tpu.memory_space<vmem>>
      tpu.wait_dma2 semaphore(%run_scoped3A : memref<!tpu.dma_semaphore, #tpu.memory_space<semaphore_mem>>) src(%arg3 : memref<2x2x128xi32, #tpu.memory_space<hbm>>) dst(%dma_wait3A_650 : memref<2x2x128xi32, #tpu.memory_space<vmem>>)
      tpu.yield
    }) : () -> ()
    %dma_wait3A = arith.constant 0 : i32
    %dma_wait3A_174 = tpu.memref_slice %arg4[%mul3A_0, %dma_wait3A] : memref<10240x16xf32, #tpu.memory_space<hbm>> -> memref<640x16xf32, #tpu.memory_space<hbm>>
    %dma_wait3A_175 = arith.constant 0 : i32
    %dma_wait3A_176 = tpu.memref_slice %arg4[%mul3A_0, %dma_wait3A_175] : memref<10240x16xf32, #tpu.memory_space<hbm>> -> memref<640x16xf32, #tpu.memory_space<hbm>>
    tpu.wait_dma2 semaphore(%arg22 : memref<!tpu.dma_semaphore, #tpu.memory_space<semaphore_mem>>) src(%dma_wait3A_176 : memref<640x16xf32, #tpu.memory_space<hbm>>) dst(%arg13 : memref<640x16xf32, #tpu.memory_space<vmem>>)
    "tpu.region"() ({
      %run_scoped3A = tpu.sem_alloc : memref<!tpu.dma_semaphore, #tpu.memory_space<semaphore_mem>>
      %dma_start3A_639 = tpu.memref_slice %arg18[%mul3A_0] : memref<10240xf32, #tpu.memory_space<vmem_shared>> -> memref<640xf32, #tpu.memory_space<vmem_shared>>
      %dma_start3A_640 = tpu.memref_slice %arg18[%mul3A_0] : memref<10240xf32, #tpu.memory_space<vmem_shared>> -> memref<640xf32, #tpu.memory_space<vmem_shared>>
      tpu.enqueue_dma source(%dma_start3A_640 : memref<640xf32, #tpu.memory_space<vmem_shared>>) target(%arg15 : memref<640xf32, #tpu.memory_space<vmem>>) target_semaphore(%run_scoped3A : memref<!tpu.dma_semaphore, #tpu.memory_space<semaphore_mem>>)
      %dma_wait3A_641 = tpu.memref_slice %arg18[%mul3A_0] : memref<10240xf32, #tpu.memory_space<vmem_shared>> -> memref<640xf32, #tpu.memory_space<vmem_shared>>
      %dma_wait3A_642 = tpu.memref_slice %arg18[%mul3A_0] : memref<10240xf32, #tpu.memory_space<vmem_shared>> -> memref<640xf32, #tpu.memory_space<vmem_shared>>
      tpu.wait_dma2 semaphore(%run_scoped3A : memref<!tpu.dma_semaphore, #tpu.memory_space<semaphore_mem>>) src(%dma_wait3A_642 : memref<640xf32, #tpu.memory_space<vmem_shared>>) dst(%arg15 : memref<640xf32, #tpu.memory_space<vmem>>)
      tpu.yield
    }) : () -> ()
    %scan3A_177 = arith.constant 0 : i32
    %scan3A_178 = arith.constant 0 : i32
    %scan3A_179 = arith.constant 40 : i32
    %scan3A_180 = arith.addi %scan3A_178, %scan3A_179 : i32
    %scan3A_181 = arith.constant 1 : i32
    scf.for %scan3A_639 = %scan3A_178 to %scan3A_180 step %scan3A_181  : i32 {
      %mul3A_640 = arith.constant 16 : i32
      %mul3A_641 = arith.muli %scan3A_639, %mul3A_640 : i32
      %get3A = arith.index_cast %mul3A_641 : i32 to index
      %get3A_642 = tpu.vector_load %arg15[%get3A] {strides = array<i32>} : memref<640xf32, #tpu.memory_space<vmem>>, vector<16xf32>,
      %get3A_643 = vector.shape_cast %get3A_642 : vector<16xf32> to vector<16xf32>
      %add3A_644 = arith.constant 1.000000e+00 : f32
      %add3A_645 = vector.broadcast %add3A_644 : f32 to vector<16xf32>
      %add3A_646 = arith.addf %get3A_643, %add3A_645 : vector<16xf32>
      %bitcast_convert_type3A = tpu.bitcast %add3A_646 : vector<16xf32> -> vector<16xi32>
      %shift_right_arithmetic3A = arith.constant 1 : i32
      %shift_right_arithmetic3A_647 = vector.broadcast %shift_right_arithmetic3A : i32 to vector<16xi32>
      %shift_right_arithmetic3A_648 = arith.shrsi %bitcast_convert_type3A, %shift_right_arithmetic3A_647 : vector<16xi32>
      %sub3A_649 = arith.constant 1597463007 : i32
      %sub3A_650 = vector.broadcast %sub3A_649 : i32 to vector<16xi32>
      %sub3A_651 = arith.subi %sub3A_650, %shift_right_arithmetic3A_648 : vector<16xi32>
      %bitcast_convert_type3A_652 = tpu.bitcast %sub3A_651 : vector<16xi32> -> vector<16xf32>
      %mul3A_653 = arith.constant 5.000000e-01 : f32
      %mul3A_654 = vector.broadcast %mul3A_653 : f32 to vector<16xf32>
      %mul3A_655 = arith.mulf %mul3A_654, %add3A_646 : vector<16xf32>
      %mul3A_656 = arith.mulf %mul3A_655, %bitcast_convert_type3A_652 : vector<16xf32>
      %mul3A_657 = arith.mulf %mul3A_656, %bitcast_convert_type3A_652 : vector<16xf32>
      %sub3A_658 = arith.constant 1.500000e+00 : f32
      %sub3A_659 = vector.broadcast %sub3A_658 : f32 to vector<16xf32>
      %sub3A_660 = arith.subf %sub3A_659, %mul3A_657 : vector<16xf32>
      %mul3A_661 = arith.mulf %bitcast_convert_type3A_652, %sub3A_660 : vector<16xf32>
      %mul3A_662 = arith.constant 5.000000e-01 : f32
      %mul3A_663 = vector.broadcast %mul3A_662 : f32 to vector<16xf32>
      %mul3A_664 = arith.mulf %mul3A_663, %add3A_646 : vector<16xf32>
      %mul3A_665 = arith.mulf %mul3A_664, %mul3A_661 : vector<16xf32>
      %mul3A_666 = arith.mulf %mul3A_665, %mul3A_661 : vector<16xf32>
      %sub3A_667 = arith.constant 1.500000e+00 : f32
      %sub3A_668 = vector.broadcast %sub3A_667 : f32 to vector<16xf32>
      %sub3A_669 = arith.subf %sub3A_668, %mul3A_666 : vector<16xf32>
      %mul3A_670 = arith.mulf %mul3A_661, %sub3A_669 : vector<16xf32>
      %mul3A_671 = arith.constant 5.000000e-01 : f32
      %mul3A_672 = vector.broadcast %mul3A_671 : f32 to vector<16xf32>
      %mul3A_673 = arith.mulf %mul3A_672, %add3A_646 : vector<16xf32>
      %mul3A_674 = arith.mulf %mul3A_673, %mul3A_670 : vector<16xf32>
      %mul3A_675 = arith.mulf %mul3A_674, %mul3A_670 : vector<16xf32>
      %sub3A_676 = arith.constant 1.500000e+00 : f32
      %sub3A_677 = vector.broadcast %sub3A_676 : f32 to vector<16xf32>
      %sub3A_678 = arith.subf %sub3A_677, %mul3A_675 : vector<16xf32>
      %mul3A_679 = arith.mulf %mul3A_670, %sub3A_678 : vector<16xf32>
      %mul3A_680 = arith.constant 5.000000e-01 : f32
      %mul3A_681 = vector.broadcast %mul3A_680 : f32 to vector<16xf32>
      %mul3A_682 = arith.mulf %mul3A_681, %add3A_646 : vector<16xf32>
      %mul3A_683 = arith.mulf %mul3A_682, %mul3A_679 : vector<16xf32>
      %mul3A_684 = arith.mulf %mul3A_683, %mul3A_679 : vector<16xf32>
      %sub3A_685 = arith.constant 1.500000e+00 : f32
      %sub3A_686 = vector.broadcast %sub3A_685 : f32 to vector<16xf32>
      %sub3A_687 = arith.subf %sub3A_686, %mul3A_684 : vector<16xf32>
      %mul3A_688 = arith.mulf %mul3A_679, %sub3A_687 : vector<16xf32>
      %mul3A_689 = arith.constant 16 : i32
      %mul3A_690 = arith.muli %scan3A_639, %mul3A_689 : i32
      %swap3A_691 = arith.index_cast %mul3A_690 : i32 to index
      %swap3A_692 = tpu.vector_load %arg15[%swap3A_691] {strides = array<i32>} : memref<640xf32, #tpu.memory_space<vmem>>, vector<16xf32>,
      %swap3A_693 = vector.shape_cast %swap3A_692 : vector<16xf32> to vector<16xf32>
      %swap3A_694 = vector.shape_cast %mul3A_688 : vector<16xf32> to vector<16xf32>
      tpu.vector_store %arg15[%swap3A_691], %swap3A_694 {strides = array<i32>} : memref<640xf32, #tpu.memory_space<vmem>>, vector<16xf32>,
    }
    %scan3A_182 = arith.constant 40 : i32
    %scan3A_183 = arith.constant 0 : i32
    %scan3A_184 = arith.constant 0 : i32
    %scan3A_185 = arith.constant 40 : i32
    %scan3A_186 = arith.addi %scan3A_184, %scan3A_185 : i32
    %scan3A_187 = arith.constant 1 : i32
    scf.for %scan3A_639 = %scan3A_184 to %scan3A_186 step %scan3A_187  : i32 {
      %mul3A_640 = arith.constant 16 : i32
      %mul3A_641 = arith.muli %scan3A_639, %mul3A_640 : i32
      %get3A = arith.index_cast %mul3A_641 : i32 to index
      %get3A_642 = tpu.vector_load %arg15[%get3A] {strides = array<i32>} : memref<640xf32, #tpu.memory_space<vmem>>, vector<16xf32>,
      %get3A_643 = vector.shape_cast %get3A_642 : vector<16xf32> to vector<16xf32>
      %mul3A_644 = arith.constant 16 : i32
      %mul3A_645 = arith.muli %scan3A_639, %mul3A_644 : i32
      %add3A_646 = arith.constant 0 : i32
      %add3A_647 = arith.addi %mul3A_645, %add3A_646 : i32
      %get3A_648 = arith.index_cast %add3A_647 : i32 to index
      %get3A_649 = arith.constant 0 : index
      %get3A_650 = tpu.vector_load %arg13[%get3A_648, %get3A_649] {strides = array<i32>} : memref<640x16xf32, #tpu.memory_space<vmem>>, vector<1x16xf32>,
      %get3A_651 = vector.shape_cast %get3A_650 : vector<1x16xf32> to vector<16xf32>
      %slice3A = vector.extract_strided_slice %get3A_643 {offsets = [0], sizes = [1], strides = [1]} : vector<16xf32> to vector<1xf32>
      %squeeze3A = vector.extract %slice3A[0] : f32 from vector<1xf32>
      %mul3A_652 = vector.broadcast %squeeze3A : f32 to vector<16xf32>
      %mul3A_653 = arith.mulf %get3A_651, %mul3A_652 : vector<16xf32>
      %swap3A_654 = arith.index_cast %add3A_647 : i32 to index
      %swap3A_655 = arith.constant 0 : index
      %swap3A_656 = tpu.vector_load %arg13[%swap3A_654, %swap3A_655] {strides = array<i32>} : memref<640x16xf32, #tpu.memory_space<vmem>>, vector<1x16xf32>,
      %swap3A_657 = vector.shape_cast %swap3A_656 : vector<1x16xf32> to vector<16xf32>
      %swap3A_658 = vector.shape_cast %mul3A_653 : vector<16xf32> to vector<1x16xf32>
      tpu.vector_store %arg13[%swap3A_654, %swap3A_655], %swap3A_658 {strides = array<i32>} : memref<640x16xf32, #tpu.memory_space<vmem>>, vector<1x16xf32>,
      %mul3A_659 = arith.constant 16 : i32
      %mul3A_660 = arith.muli %scan3A_639, %mul3A_659 : i32
      %add3A_661 = arith.constant 1 : i32
      %add3A_662 = arith.addi %mul3A_660, %add3A_661 : i32
      %get3A_663 = arith.index_cast %add3A_662 : i32 to index
      %get3A_664 = arith.constant 0 : index
      %get3A_665 = tpu.vector_load %arg13[%get3A_663, %get3A_664] {strides = array<i32>} : memref<640x16xf32, #tpu.memory_space<vmem>>, vector<1x16xf32>,
      %get3A_666 = vector.shape_cast %get3A_665 : vector<1x16xf32> to vector<16xf32>
      %slice3A_667 = vector.extract_strided_slice %get3A_643 {offsets = [1], sizes = [1], strides = [1]} : vector<16xf32> to vector<1xf32>
      %squeeze3A_668 = vector.extract %slice3A_667[0] : f32 from vector<1xf32>
      %mul3A_669 = vector.broadcast %squeeze3A_668 : f32 to vector<16xf32>
      %mul3A_670 = arith.mulf %get3A_666, %mul3A_669 : vector<16xf32>
      %swap3A_671 = arith.index_cast %add3A_662 : i32 to index
      %swap3A_672 = arith.constant 0 : index
      %swap3A_673 = tpu.vector_load %arg13[%swap3A_671, %swap3A_672] {strides = array<i32>} : memref<640x16xf32, #tpu.memory_space<vmem>>, vector<1x16xf32>,
      %swap3A_674 = vector.shape_cast %swap3A_673 : vector<1x16xf32> to vector<16xf32>
      %swap3A_675 = vector.shape_cast %mul3A_670 : vector<16xf32> to vector<1x16xf32>
      tpu.vector_store %arg13[%swap3A_671, %swap3A_672], %swap3A_675 {strides = array<i32>} : memref<640x16xf32, #tpu.memory_space<vmem>>, vector<1x16xf32>,
      %mul3A_676 = arith.constant 16 : i32
      %mul3A_677 = arith.muli %scan3A_639, %mul3A_676 : i32
      %add3A_678 = arith.constant 2 : i32
      %add3A_679 = arith.addi %mul3A_677, %add3A_678 : i32
      %get3A_680 = arith.index_cast %add3A_679 : i32 to index
      %get3A_681 = arith.constant 0 : index
      %get3A_682 = tpu.vector_load %arg13[%get3A_680, %get3A_681] {strides = array<i32>} : memref<640x16xf32, #tpu.memory_space<vmem>>, vector<1x16xf32>,
      %get3A_683 = vector.shape_cast %get3A_682 : vector<1x16xf32> to vector<16xf32>
      %slice3A_684 = vector.extract_strided_slice %get3A_643 {offsets = [2], sizes = [1], strides = [1]} : vector<16xf32> to vector<1xf32>
      %squeeze3A_685 = vector.extract %slice3A_684[0] : f32 from vector<1xf32>
      %mul3A_686 = vector.broadcast %squeeze3A_685 : f32 to vector<16xf32>
      %mul3A_687 = arith.mulf %get3A_683, %mul3A_686 : vector<16xf32>
      %swap3A_688 = arith.index_cast %add3A_679 : i32 to index
      %swap3A_689 = arith.constant 0 : index
      %swap3A_690 = tpu.vector_load %arg13[%swap3A_688, %swap3A_689] {strides = array<i32>} : memref<640x16xf32, #tpu.memory_space<vmem>>, vector<1x16xf32>,
      %swap3A_691 = vector.shape_cast %swap3A_690 : vector<1x16xf32> to vector<16xf32>
      %swap3A_692 = vector.shape_cast %mul3A_687 : vector<16xf32> to vector<1x16xf32>
      tpu.vector_store %arg13[%swap3A_688, %swap3A_689], %swap3A_692 {strides = array<i32>} : memref<640x16xf32, #tpu.memory_space<vmem>>, vector<1x16xf32>,
      %mul3A_693 = arith.constant 16 : i32
      %mul3A_694 = arith.muli %scan3A_639, %mul3A_693 : i32
      %add3A_695 = arith.constant 3 : i32
      %add3A_696 = arith.addi %mul3A_694, %add3A_695 : i32
      %get3A_697 = arith.index_cast %add3A_696 : i32 to index
      %get3A_698 = arith.constant 0 : index
      %get3A_699 = tpu.vector_load %arg13[%get3A_697, %get3A_698] {strides = array<i32>} : memref<640x16xf32, #tpu.memory_space<vmem>>, vector<1x16xf32>,
      %get3A_700 = vector.shape_cast %get3A_699 : vector<1x16xf32> to vector<16xf32>
      %slice3A_701 = vector.extract_strided_slice %get3A_643 {offsets = [3], sizes = [1], strides = [1]} : vector<16xf32> to vector<1xf32>
      %squeeze3A_702 = vector.extract %slice3A_701[0] : f32 from vector<1xf32>
      %mul3A_703 = vector.broadcast %squeeze3A_702 : f32 to vector<16xf32>
      %mul3A_704 = arith.mulf %get3A_700, %mul3A_703 : vector<16xf32>
      %swap3A_705 = arith.index_cast %add3A_696 : i32 to index
      %swap3A_706 = arith.constant 0 : index
      %swap3A_707 = tpu.vector_load %arg13[%swap3A_705, %swap3A_706] {strides = array<i32>} : memref<640x16xf32, #tpu.memory_space<vmem>>, vector<1x16xf32>,
      %swap3A_708 = vector.shape_cast %swap3A_707 : vector<1x16xf32> to vector<16xf32>
      %swap3A_709 = vector.shape_cast %mul3A_704 : vector<16xf32> to vector<1x16xf32>
      tpu.vector_store %arg13[%swap3A_705, %swap3A_706], %swap3A_709 {strides = array<i32>} : memref<640x16xf32, #tpu.memory_space<vmem>>, vector<1x16xf32>,
      %mul3A_710 = arith.constant 16 : i32
      %mul3A_711 = arith.muli %scan3A_639, %mul3A_710 : i32
      %add3A_712 = arith.constant 4 : i32
      %add3A_713 = arith.addi %mul3A_711, %add3A_712 : i32
      %get3A_714 = arith.index_cast %add3A_713 : i32 to index
      %get3A_715 = arith.constant 0 : index
      %get3A_716 = tpu.vector_load %arg13[%get3A_714, %get3A_715] {strides = array<i32>} : memref<640x16xf32, #tpu.memory_space<vmem>>, vector<1x16xf32>,
      %get3A_717 = vector.shape_cast %get3A_716 : vector<1x16xf32> to vector<16xf32>
      %slice3A_718 = vector.extract_strided_slice %get3A_643 {offsets = [4], sizes = [1], strides = [1]} : vector<16xf32> to vector<1xf32>
      %squeeze3A_719 = vector.extract %slice3A_718[0] : f32 from vector<1xf32>
      %mul3A_720 = vector.broadcast %squeeze3A_719 : f32 to vector<16xf32>
      %mul3A_721 = arith.mulf %get3A_717, %mul3A_720 : vector<16xf32>
      %swap3A_722 = arith.index_cast %add3A_713 : i32 to index
      %swap3A_723 = arith.constant 0 : index
      %swap3A_724 = tpu.vector_load %arg13[%swap3A_722, %swap3A_723] {strides = array<i32>} : memref<640x16xf32, #tpu.memory_space<vmem>>, vector<1x16xf32>,
      %swap3A_725 = vector.shape_cast %swap3A_724 : vector<1x16xf32> to vector<16xf32>
      %swap3A_726 = vector.shape_cast %mul3A_721 : vector<16xf32> to vector<1x16xf32>
      tpu.vector_store %arg13[%swap3A_722, %swap3A_723], %swap3A_726 {strides = array<i32>} : memref<640x16xf32, #tpu.memory_space<vmem>>, vector<1x16xf32>,
      %mul3A_727 = arith.constant 16 : i32
      %mul3A_728 = arith.muli %scan3A_639, %mul3A_727 : i32
      %add3A_729 = arith.constant 5 : i32
      %add3A_730 = arith.addi %mul3A_728, %add3A_729 : i32
      %get3A_731 = arith.index_cast %add3A_730 : i32 to index
      %get3A_732 = arith.constant 0 : index
      %get3A_733 = tpu.vector_load %arg13[%get3A_731, %get3A_732] {strides = array<i32>} : memref<640x16xf32, #tpu.memory_space<vmem>>, vector<1x16xf32>,
      %get3A_734 = vector.shape_cast %get3A_733 : vector<1x16xf32> to vector<16xf32>
      %slice3A_735 = vector.extract_strided_slice %get3A_643 {offsets = [5], sizes = [1], strides = [1]} : vector<16xf32> to vector<1xf32>
      %squeeze3A_736 = vector.extract %slice3A_735[0] : f32 from vector<1xf32>
      %mul3A_737 = vector.broadcast %squeeze3A_736 : f32 to vector<16xf32>
      %mul3A_738 = arith.mulf %get3A_734, %mul3A_737 : vector<16xf32>
      %swap3A_739 = arith.index_cast %add3A_730 : i32 to index
      %swap3A_740 = arith.constant 0 : index
      %swap3A_741 = tpu.vector_load %arg13[%swap3A_739, %swap3A_740] {strides = array<i32>} : memref<640x16xf32, #tpu.memory_space<vmem>>, vector<1x16xf32>,
      %swap3A_742 = vector.shape_cast %swap3A_741 : vector<1x16xf32> to vector<16xf32>
      %swap3A_743 = vector.shape_cast %mul3A_738 : vector<16xf32> to vector<1x16xf32>
      tpu.vector_store %arg13[%swap3A_739, %swap3A_740], %swap3A_743 {strides = array<i32>} : memref<640x16xf32, #tpu.memory_space<vmem>>, vector<1x16xf32>,
      %mul3A_744 = arith.constant 16 : i32
      %mul3A_745 = arith.muli %scan3A_639, %mul3A_744 : i32
      %add3A_746 = arith.constant 6 : i32
      %add3A_747 = arith.addi %mul3A_745, %add3A_746 : i32
      %get3A_748 = arith.index_cast %add3A_747 : i32 to index
      %get3A_749 = arith.constant 0 : index
      %get3A_750 = tpu.vector_load %arg13[%get3A_748, %get3A_749] {strides = array<i32>} : memref<640x16xf32, #tpu.memory_space<vmem>>, vector<1x16xf32>,
      %get3A_751 = vector.shape_cast %get3A_750 : vector<1x16xf32> to vector<16xf32>
      %slice3A_752 = vector.extract_strided_slice %get3A_643 {offsets = [6], sizes = [1], strides = [1]} : vector<16xf32> to vector<1xf32>
      %squeeze3A_753 = vector.extract %slice3A_752[0] : f32 from vector<1xf32>
      %mul3A_754 = vector.broadcast %squeeze3A_753 : f32 to vector<16xf32>
      %mul3A_755 = arith.mulf %get3A_751, %mul3A_754 : vector<16xf32>
      %swap3A_756 = arith.index_cast %add3A_747 : i32 to index
      %swap3A_757 = arith.constant 0 : index
      %swap3A_758 = tpu.vector_load %arg13[%swap3A_756, %swap3A_757] {strides = array<i32>} : memref<640x16xf32, #tpu.memory_space<vmem>>, vector<1x16xf32>,
      %swap3A_759 = vector.shape_cast %swap3A_758 : vector<1x16xf32> to vector<16xf32>
      %swap3A_760 = vector.shape_cast %mul3A_755 : vector<16xf32> to vector<1x16xf32>
      tpu.vector_store %arg13[%swap3A_756, %swap3A_757], %swap3A_760 {strides = array<i32>} : memref<640x16xf32, #tpu.memory_space<vmem>>, vector<1x16xf32>,
      %mul3A_761 = arith.constant 16 : i32
      %mul3A_762 = arith.muli %scan3A_639, %mul3A_761 : i32
      %add3A_763 = arith.constant 7 : i32
      %add3A_764 = arith.addi %mul3A_762, %add3A_763 : i32
      %get3A_765 = arith.index_cast %add3A_764 : i32 to index
      %get3A_766 = arith.constant 0 : index
      %get3A_767 = tpu.vector_load %arg13[%get3A_765, %get3A_766] {strides = array<i32>} : memref<640x16xf32, #tpu.memory_space<vmem>>, vector<1x16xf32>,
      %get3A_768 = vector.shape_cast %get3A_767 : vector<1x16xf32> to vector<16xf32>
      %slice3A_769 = vector.extract_strided_slice %get3A_643 {offsets = [7], sizes = [1], strides = [1]} : vector<16xf32> to vector<1xf32>
      %squeeze3A_770 = vector.extract %slice3A_769[0] : f32 from vector<1xf32>
      %mul3A_771 = vector.broadcast %squeeze3A_770 : f32 to vector<16xf32>
      %mul3A_772 = arith.mulf %get3A_768, %mul3A_771 : vector<16xf32>
      %swap3A_773 = arith.index_cast %add3A_764 : i32 to index
      %swap3A_774 = arith.constant 0 : index
      %swap3A_775 = tpu.vector_load %arg13[%swap3A_773, %swap3A_774] {strides = array<i32>} : memref<640x16xf32, #tpu.memory_space<vmem>>, vector<1x16xf32>,
      %swap3A_776 = vector.shape_cast %swap3A_775 : vector<1x16xf32> to vector<16xf32>
      %swap3A_777 = vector.shape_cast %mul3A_772 : vector<16xf32> to vector<1x16xf32>
      tpu.vector_store %arg13[%swap3A_773, %swap3A_774], %swap3A_777 {strides = array<i32>} : memref<640x16xf32, #tpu.memory_space<vmem>>, vector<1x16xf32>,
      %mul3A_778 = arith.constant 16 : i32
      %mul3A_779 = arith.muli %scan3A_639, %mul3A_778 : i32
      %add3A_780 = arith.constant 8 : i32
      %add3A_781 = arith.addi %mul3A_779, %add3A_780 : i32
      %get3A_782 = arith.index_cast %add3A_781 : i32 to index
      %get3A_783 = arith.constant 0 : index
      %get3A_784 = tpu.vector_load %arg13[%get3A_782, %get3A_783] {strides = array<i32>} : memref<640x16xf32, #tpu.memory_space<vmem>>, vector<1x16xf32>,
      %get3A_785 = vector.shape_cast %get3A_784 : vector<1x16xf32> to vector<16xf32>
      %slice3A_786 = vector.extract_strided_slice %get3A_643 {offsets = [8], sizes = [1], strides = [1]} : vector<16xf32> to vector<1xf32>
      %squeeze3A_787 = vector.extract %slice3A_786[0] : f32 from vector<1xf32>
      %mul3A_788 = vector.broadcast %squeeze3A_787 : f32 to vector<16xf32>
      %mul3A_789 = arith.mulf %get3A_785, %mul3A_788 : vector<16xf32>
      %swap3A_790 = arith.index_cast %add3A_781 : i32 to index
      %swap3A_791 = arith.constant 0 : index
      %swap3A_792 = tpu.vector_load %arg13[%swap3A_790, %swap3A_791] {strides = array<i32>} : memref<640x16xf32, #tpu.memory_space<vmem>>, vector<1x16xf32>,
      %swap3A_793 = vector.shape_cast %swap3A_792 : vector<1x16xf32> to vector<16xf32>
      %swap3A_794 = vector.shape_cast %mul3A_789 : vector<16xf32> to vector<1x16xf32>
      tpu.vector_store %arg13[%swap3A_790, %swap3A_791], %swap3A_794 {strides = array<i32>} : memref<640x16xf32, #tpu.memory_space<vmem>>, vector<1x16xf32>,
      %mul3A_795 = arith.constant 16 : i32
      %mul3A_796 = arith.muli %scan3A_639, %mul3A_795 : i32
      %add3A_797 = arith.constant 9 : i32
      %add3A_798 = arith.addi %mul3A_796, %add3A_797 : i32
      %get3A_799 = arith.index_cast %add3A_798 : i32 to index
      %get3A_800 = arith.constant 0 : index
      %get3A_801 = tpu.vector_load %arg13[%get3A_799, %get3A_800] {strides = array<i32>} : memref<640x16xf32, #tpu.memory_space<vmem>>, vector<1x16xf32>,
      %get3A_802 = vector.shape_cast %get3A_801 : vector<1x16xf32> to vector<16xf32>
      %slice3A_803 = vector.extract_strided_slice %get3A_643 {offsets = [9], sizes = [1], strides = [1]} : vector<16xf32> to vector<1xf32>
      %squeeze3A_804 = vector.extract %slice3A_803[0] : f32 from vector<1xf32>
      %mul3A_805 = vector.broadcast %squeeze3A_804 : f32 to vector<16xf32>
      %mul3A_806 = arith.mulf %get3A_802, %mul3A_805 : vector<16xf32>
      %swap3A_807 = arith.index_cast %add3A_798 : i32 to index
      %swap3A_808 = arith.constant 0 : index
      %swap3A_809 = tpu.vector_load %arg13[%swap3A_807, %swap3A_808] {strides = array<i32>} : memref<640x16xf32, #tpu.memory_space<vmem>>, vector<1x16xf32>,
      %swap3A_810 = vector.shape_cast %swap3A_809 : vector<1x16xf32> to vector<16xf32>
      %swap3A_811 = vector.shape_cast %mul3A_806 : vector<16xf32> to vector<1x16xf32>
      tpu.vector_store %arg13[%swap3A_807, %swap3A_808], %swap3A_811 {strides = array<i32>} : memref<640x16xf32, #tpu.memory_space<vmem>>, vector<1x16xf32>,
      %mul3A_812 = arith.constant 16 : i32
      %mul3A_813 = arith.muli %scan3A_639, %mul3A_812 : i32
      %add3A_814 = arith.constant 10 : i32
      %add3A_815 = arith.addi %mul3A_813, %add3A_814 : i32
      %get3A_816 = arith.index_cast %add3A_815 : i32 to index
      %get3A_817 = arith.constant 0 : index
      %get3A_818 = tpu.vector_load %arg13[%get3A_816, %get3A_817] {strides = array<i32>} : memref<640x16xf32, #tpu.memory_space<vmem>>, vector<1x16xf32>,
      %get3A_819 = vector.shape_cast %get3A_818 : vector<1x16xf32> to vector<16xf32>
      %slice3A_820 = vector.extract_strided_slice %get3A_643 {offsets = [10], sizes = [1], strides = [1]} : vector<16xf32> to vector<1xf32>
      %squeeze3A_821 = vector.extract %slice3A_820[0] : f32 from vector<1xf32>
      %mul3A_822 = vector.broadcast %squeeze3A_821 : f32 to vector<16xf32>
      %mul3A_823 = arith.mulf %get3A_819, %mul3A_822 : vector<16xf32>
      %swap3A_824 = arith.index_cast %add3A_815 : i32 to index
      %swap3A_825 = arith.constant 0 : index
      %swap3A_826 = tpu.vector_load %arg13[%swap3A_824, %swap3A_825] {strides = array<i32>} : memref<640x16xf32, #tpu.memory_space<vmem>>, vector<1x16xf32>,
      %swap3A_827 = vector.shape_cast %swap3A_826 : vector<1x16xf32> to vector<16xf32>
      %swap3A_828 = vector.shape_cast %mul3A_823 : vector<16xf32> to vector<1x16xf32>
      tpu.vector_store %arg13[%swap3A_824, %swap3A_825], %swap3A_828 {strides = array<i32>} : memref<640x16xf32, #tpu.memory_space<vmem>>, vector<1x16xf32>,
      %mul3A_829 = arith.constant 16 : i32
      %mul3A_830 = arith.muli %scan3A_639, %mul3A_829 : i32
      %add3A_831 = arith.constant 11 : i32
      %add3A_832 = arith.addi %mul3A_830, %add3A_831 : i32
      %get3A_833 = arith.index_cast %add3A_832 : i32 to index
      %get3A_834 = arith.constant 0 : index
      %get3A_835 = tpu.vector_load %arg13[%get3A_833, %get3A_834] {strides = array<i32>} : memref<640x16xf32, #tpu.memory_space<vmem>>, vector<1x16xf32>,
      %get3A_836 = vector.shape_cast %get3A_835 : vector<1x16xf32> to vector<16xf32>
      %slice3A_837 = vector.extract_strided_slice %get3A_643 {offsets = [11], sizes = [1], strides = [1]} : vector<16xf32> to vector<1xf32>
      %squeeze3A_838 = vector.extract %slice3A_837[0] : f32 from vector<1xf32>
      %mul3A_839 = vector.broadcast %squeeze3A_838 : f32 to vector<16xf32>
      %mul3A_840 = arith.mulf %get3A_836, %mul3A_839 : vector<16xf32>
      %swap3A_841 = arith.index_cast %add3A_832 : i32 to index
      %swap3A_842 = arith.constant 0 : index
      %swap3A_843 = tpu.vector_load %arg13[%swap3A_841, %swap3A_842] {strides = array<i32>} : memref<640x16xf32, #tpu.memory_space<vmem>>, vector<1x16xf32>,
      %swap3A_844 = vector.shape_cast %swap3A_843 : vector<1x16xf32> to vector<16xf32>
      %swap3A_845 = vector.shape_cast %mul3A_840 : vector<16xf32> to vector<1x16xf32>
      tpu.vector_store %arg13[%swap3A_841, %swap3A_842], %swap3A_845 {strides = array<i32>} : memref<640x16xf32, #tpu.memory_space<vmem>>, vector<1x16xf32>,
      %mul3A_846 = arith.constant 16 : i32
      %mul3A_847 = arith.muli %scan3A_639, %mul3A_846 : i32
      %add3A_848 = arith.constant 12 : i32
      %add3A_849 = arith.addi %mul3A_847, %add3A_848 : i32
      %get3A_850 = arith.index_cast %add3A_849 : i32 to index
      %get3A_851 = arith.constant 0 : index
      %get3A_852 = tpu.vector_load %arg13[%get3A_850, %get3A_851] {strides = array<i32>} : memref<640x16xf32, #tpu.memory_space<vmem>>, vector<1x16xf32>,
      %get3A_853 = vector.shape_cast %get3A_852 : vector<1x16xf32> to vector<16xf32>
      %slice3A_854 = vector.extract_strided_slice %get3A_643 {offsets = [12], sizes = [1], strides = [1]} : vector<16xf32> to vector<1xf32>
      %squeeze3A_855 = vector.extract %slice3A_854[0] : f32 from vector<1xf32>
      %mul3A_856 = vector.broadcast %squeeze3A_855 : f32 to vector<16xf32>
      %mul3A_857 = arith.mulf %get3A_853, %mul3A_856 : vector<16xf32>
      %swap3A_858 = arith.index_cast %add3A_849 : i32 to index
      %swap3A_859 = arith.constant 0 : index
      %swap3A_860 = tpu.vector_load %arg13[%swap3A_858, %swap3A_859] {strides = array<i32>} : memref<640x16xf32, #tpu.memory_space<vmem>>, vector<1x16xf32>,
      %swap3A_861 = vector.shape_cast %swap3A_860 : vector<1x16xf32> to vector<16xf32>
      %swap3A_862 = vector.shape_cast %mul3A_857 : vector<16xf32> to vector<1x16xf32>
      tpu.vector_store %arg13[%swap3A_858, %swap3A_859], %swap3A_862 {strides = array<i32>} : memref<640x16xf32, #tpu.memory_space<vmem>>, vector<1x16xf32>,
      %mul3A_863 = arith.constant 16 : i32
      %mul3A_864 = arith.muli %scan3A_639, %mul3A_863 : i32
      %add3A_865 = arith.constant 13 : i32
      %add3A_866 = arith.addi %mul3A_864, %add3A_865 : i32
      %get3A_867 = arith.index_cast %add3A_866 : i32 to index
      %get3A_868 = arith.constant 0 : index
      %get3A_869 = tpu.vector_load %arg13[%get3A_867, %get3A_868] {strides = array<i32>} : memref<640x16xf32, #tpu.memory_space<vmem>>, vector<1x16xf32>,
      %get3A_870 = vector.shape_cast %get3A_869 : vector<1x16xf32> to vector<16xf32>
      %slice3A_871 = vector.extract_strided_slice %get3A_643 {offsets = [13], sizes = [1], strides = [1]} : vector<16xf32> to vector<1xf32>
      %squeeze3A_872 = vector.extract %slice3A_871[0] : f32 from vector<1xf32>
      %mul3A_873 = vector.broadcast %squeeze3A_872 : f32 to vector<16xf32>
      %mul3A_874 = arith.mulf %get3A_870, %mul3A_873 : vector<16xf32>
      %swap3A_875 = arith.index_cast %add3A_866 : i32 to index
      %swap3A_876 = arith.constant 0 : index
      %swap3A_877 = tpu.vector_load %arg13[%swap3A_875, %swap3A_876] {strides = array<i32>} : memref<640x16xf32, #tpu.memory_space<vmem>>, vector<1x16xf32>,
      %swap3A_878 = vector.shape_cast %swap3A_877 : vector<1x16xf32> to vector<16xf32>
      %swap3A_879 = vector.shape_cast %mul3A_874 : vector<16xf32> to vector<1x16xf32>
      tpu.vector_store %arg13[%swap3A_875, %swap3A_876], %swap3A_879 {strides = array<i32>} : memref<640x16xf32, #tpu.memory_space<vmem>>, vector<1x16xf32>,
      %mul3A_880 = arith.constant 16 : i32
      %mul3A_881 = arith.muli %scan3A_639, %mul3A_880 : i32
      %add3A_882 = arith.constant 14 : i32
      %add3A_883 = arith.addi %mul3A_881, %add3A_882 : i32
      %get3A_884 = arith.index_cast %add3A_883 : i32 to index
      %get3A_885 = arith.constant 0 : index
      %get3A_886 = tpu.vector_load %arg13[%get3A_884, %get3A_885] {strides = array<i32>} : memref<640x16xf32, #tpu.memory_space<vmem>>, vector<1x16xf32>,
      %get3A_887 = vector.shape_cast %get3A_886 : vector<1x16xf32> to vector<16xf32>
      %slice3A_888 = vector.extract_strided_slice %get3A_643 {offsets = [14], sizes = [1], strides = [1]} : vector<16xf32> to vector<1xf32>
      %squeeze3A_889 = vector.extract %slice3A_888[0] : f32 from vector<1xf32>
      %mul3A_890 = vector.broadcast %squeeze3A_889 : f32 to vector<16xf32>
      %mul3A_891 = arith.mulf %get3A_887, %mul3A_890 : vector<16xf32>
      %swap3A_892 = arith.index_cast %add3A_883 : i32 to index
      %swap3A_893 = arith.constant 0 : index
      %swap3A_894 = tpu.vector_load %arg13[%swap3A_892, %swap3A_893] {strides = array<i32>} : memref<640x16xf32, #tpu.memory_space<vmem>>, vector<1x16xf32>,
      %swap3A_895 = vector.shape_cast %swap3A_894 : vector<1x16xf32> to vector<16xf32>
      %swap3A_896 = vector.shape_cast %mul3A_891 : vector<16xf32> to vector<1x16xf32>
      tpu.vector_store %arg13[%swap3A_892, %swap3A_893], %swap3A_896 {strides = array<i32>} : memref<640x16xf32, #tpu.memory_space<vmem>>, vector<1x16xf32>,
      %mul3A_897 = arith.constant 16 : i32
      %mul3A_898 = arith.muli %scan3A_639, %mul3A_897 : i32
      %add3A_899 = arith.constant 15 : i32
      %add3A_900 = arith.addi %mul3A_898, %add3A_899 : i32
      %get3A_901 = arith.index_cast %add3A_900 : i32 to index
      %get3A_902 = arith.constant 0 : index
      %get3A_903 = tpu.vector_load %arg13[%get3A_901, %get3A_902] {strides = array<i32>} : memref<640x16xf32, #tpu.memory_space<vmem>>, vector<1x16xf32>,
      %get3A_904 = vector.shape_cast %get3A_903 : vector<1x16xf32> to vector<16xf32>
      %slice3A_905 = vector.extract_strided_slice %get3A_643 {offsets = [15], sizes = [1], strides = [1]} : vector<16xf32> to vector<1xf32>
      %squeeze3A_906 = vector.extract %slice3A_905[0] : f32 from vector<1xf32>
      %mul3A_907 = vector.broadcast %squeeze3A_906 : f32 to vector<16xf32>
      %mul3A_908 = arith.mulf %get3A_904, %mul3A_907 : vector<16xf32>
      %swap3A_909 = arith.index_cast %add3A_900 : i32 to index
      %swap3A_910 = arith.constant 0 : index
      %swap3A_911 = tpu.vector_load %arg13[%swap3A_909, %swap3A_910] {strides = array<i32>} : memref<640x16xf32, #tpu.memory_space<vmem>>, vector<1x16xf32>,
      %swap3A_912 = vector.shape_cast %swap3A_911 : vector<1x16xf32> to vector<16xf32>
      %swap3A_913 = vector.shape_cast %mul3A_908 : vector<16xf32> to vector<1x16xf32>
      tpu.vector_store %arg13[%swap3A_909, %swap3A_910], %swap3A_913 {strides = array<i32>} : memref<640x16xf32, #tpu.memory_space<vmem>>, vector<1x16xf32>,
    }
    %scan3A_188 = arith.constant 40 : i32
    "tpu.region"() ({
      %run_scoped3A = tpu.sem_alloc : memref<!tpu.dma_semaphore, #tpu.memory_space<semaphore_mem>>
      %dma_start3A_639 = tpu.memref_slice %arg18[%mul3A_0] : memref<10240xf32, #tpu.memory_space<vmem_shared>> -> memref<640xf32, #tpu.memory_space<vmem_shared>>
      %dma_start3A_640 = tpu.memref_slice %arg18[%mul3A_0] : memref<10240xf32, #tpu.memory_space<vmem_shared>> -> memref<640xf32, #tpu.memory_space<vmem_shared>>
      tpu.enqueue_dma source(%arg15 : memref<640xf32, #tpu.memory_space<vmem>>) target(%dma_start3A_640 : memref<640xf32, #tpu.memory_space<vmem_shared>>) target_semaphore(%run_scoped3A : memref<!tpu.dma_semaphore, #tpu.memory_space<semaphore_mem>>)
      %dma_wait3A_641 = tpu.memref_slice %arg18[%mul3A_0] : memref<10240xf32, #tpu.memory_space<vmem_shared>> -> memref<640xf32, #tpu.memory_space<vmem_shared>>
      %dma_wait3A_642 = tpu.memref_slice %arg18[%mul3A_0] : memref<10240xf32, #tpu.memory_space<vmem_shared>> -> memref<640xf32, #tpu.memory_space<vmem_shared>>
      tpu.wait_dma2 semaphore(%run_scoped3A : memref<!tpu.dma_semaphore, #tpu.memory_space<semaphore_mem>>) src(%arg15 : memref<640xf32, #tpu.memory_space<vmem>>) dst(%dma_wait3A_642 : memref<640xf32, #tpu.memory_space<vmem_shared>>)
      tpu.yield
    }) : () -> ()
    %dma_start3A_189 = arith.constant 0 : i32
    %dma_start3A_190 = tpu.memref_slice %arg7[%mul3A_0, %dma_start3A_189] : memref<10240x16xf32, #tpu.memory_space<hbm>> -> memref<640x16xf32, #tpu.memory_space<hbm>>
    %dma_start3A_191 = arith.constant 0 : i32
    %dma_start3A_192 = tpu.memref_slice %arg7[%mul3A_0, %dma_start3A_191] : memref<10240x16xf32, #tpu.memory_space<hbm>> -> memref<640x16xf32, #tpu.memory_space<hbm>>
    tpu.enqueue_dma source(%arg13 : memref<640x16xf32, #tpu.memory_space<vmem>>) target(%dma_start3A_192 : memref<640x16xf32, #tpu.memory_space<hbm>>) target_semaphore(%arg21 : memref<!tpu.dma_semaphore, #tpu.memory_space<semaphore_mem>>)
    %scan3A_193 = arith.constant 0 : i32
    %scan3A_194 = arith.constant 0 : i32
    %scan3A_195 = arith.constant 40 : i32
    %scan3A_196 = arith.addi %scan3A_194, %scan3A_195 : i32
    %scan3A_197 = arith.constant 1 : i32
    scf.for %scan3A_639 = %scan3A_194 to %scan3A_196 step %scan3A_197  : i32 {
      %mul3A_640 = arith.constant 16 : i32
      %mul3A_641 = arith.muli %scan3A_639, %mul3A_640 : i32
      %get3A = arith.index_cast %mul3A_641 : i32 to index
      %get3A_642 = tpu.vector_load %arg15[%get3A] {strides = array<i32>} : memref<640xf32, #tpu.memory_space<vmem>>, vector<16xf32>,
      %get3A_643 = vector.shape_cast %get3A_642 : vector<16xf32> to vector<16xf32>
      %mul3A_644 = arith.constant 16 : i32
      %mul3A_645 = arith.muli %scan3A_639, %mul3A_644 : i32
      %add3A_646 = arith.constant 0 : i32
      %add3A_647 = arith.addi %mul3A_645, %add3A_646 : i32
      %broadcast_in_dim3A_648 = arith.constant 1.000000e+00 : f32
      %broadcast_in_dim3A_649 = vector.broadcast %broadcast_in_dim3A_648 : f32 to vector<16xf32>
      %slice3A = vector.extract_strided_slice %get3A_643 {offsets = [0], sizes = [1], strides = [1]} : vector<16xf32> to vector<1xf32>
      %squeeze3A = vector.extract %slice3A[0] : f32 from vector<1xf32>
      %mul3A_650 = vector.broadcast %squeeze3A : f32 to vector<16xf32>
      %mul3A_651 = arith.mulf %broadcast_in_dim3A_649, %mul3A_650 : vector<16xf32>
      %swap3A_652 = arith.index_cast %add3A_647 : i32 to index
      %swap3A_653 = arith.constant 0 : index
      %swap3A_654 = tpu.vector_load %arg14[%swap3A_652, %swap3A_653] {strides = array<i32>} : memref<640x16xf32, #tpu.memory_space<vmem>>, vector<1x16xf32>,
      %swap3A_655 = vector.shape_cast %swap3A_654 : vector<1x16xf32> to vector<16xf32>
      %swap3A_656 = vector.shape_cast %mul3A_651 : vector<16xf32> to vector<1x16xf32>
      tpu.vector_store %arg14[%swap3A_652, %swap3A_653], %swap3A_656 {strides = array<i32>} : memref<640x16xf32, #tpu.memory_space<vmem>>, vector<1x16xf32>,
      %mul3A_657 = arith.constant 16 : i32
      %mul3A_658 = arith.muli %scan3A_639, %mul3A_657 : i32
      %add3A_659 = arith.constant 1 : i32
      %add3A_660 = arith.addi %mul3A_658, %add3A_659 : i32
      %broadcast_in_dim3A_661 = arith.constant 1.000000e+00 : f32
      %broadcast_in_dim3A_662 = vector.broadcast %broadcast_in_dim3A_661 : f32 to vector<16xf32>
      %slice3A_663 = vector.extract_strided_slice %get3A_643 {offsets = [1], sizes = [1], strides = [1]} : vector<16xf32> to vector<1xf32>
      %squeeze3A_664 = vector.extract %slice3A_663[0] : f32 from vector<1xf32>
      %mul3A_665 = vector.broadcast %squeeze3A_664 : f32 to vector<16xf32>
      %mul3A_666 = arith.mulf %broadcast_in_dim3A_662, %mul3A_665 : vector<16xf32>
      %swap3A_667 = arith.index_cast %add3A_660 : i32 to index
      %swap3A_668 = arith.constant 0 : index
      %swap3A_669 = tpu.vector_load %arg14[%swap3A_667, %swap3A_668] {strides = array<i32>} : memref<640x16xf32, #tpu.memory_space<vmem>>, vector<1x16xf32>,
      %swap3A_670 = vector.shape_cast %swap3A_669 : vector<1x16xf32> to vector<16xf32>
      %swap3A_671 = vector.shape_cast %mul3A_666 : vector<16xf32> to vector<1x16xf32>
      tpu.vector_store %arg14[%swap3A_667, %swap3A_668], %swap3A_671 {strides = array<i32>} : memref<640x16xf32, #tpu.memory_space<vmem>>, vector<1x16xf32>,
      %mul3A_672 = arith.constant 16 : i32
      %mul3A_673 = arith.muli %scan3A_639, %mul3A_672 : i32
      %add3A_674 = arith.constant 2 : i32
      %add3A_675 = arith.addi %mul3A_673, %add3A_674 : i32
      %broadcast_in_dim3A_676 = arith.constant 1.000000e+00 : f32
      %broadcast_in_dim3A_677 = vector.broadcast %broadcast_in_dim3A_676 : f32 to vector<16xf32>
      %slice3A_678 = vector.extract_strided_slice %get3A_643 {offsets = [2], sizes = [1], strides = [1]} : vector<16xf32> to vector<1xf32>
      %squeeze3A_679 = vector.extract %slice3A_678[0] : f32 from vector<1xf32>
      %mul3A_680 = vector.broadcast %squeeze3A_679 : f32 to vector<16xf32>
      %mul3A_681 = arith.mulf %broadcast_in_dim3A_677, %mul3A_680 : vector<16xf32>
      %swap3A_682 = arith.index_cast %add3A_675 : i32 to index
      %swap3A_683 = arith.constant 0 : index
      %swap3A_684 = tpu.vector_load %arg14[%swap3A_682, %swap3A_683] {strides = array<i32>} : memref<640x16xf32, #tpu.memory_space<vmem>>, vector<1x16xf32>,
      %swap3A_685 = vector.shape_cast %swap3A_684 : vector<1x16xf32> to vector<16xf32>
      %swap3A_686 = vector.shape_cast %mul3A_681 : vector<16xf32> to vector<1x16xf32>
      tpu.vector_store %arg14[%swap3A_682, %swap3A_683], %swap3A_686 {strides = array<i32>} : memref<640x16xf32, #tpu.memory_space<vmem>>, vector<1x16xf32>,
      %mul3A_687 = arith.constant 16 : i32
      %mul3A_688 = arith.muli %scan3A_639, %mul3A_687 : i32
      %add3A_689 = arith.constant 3 : i32
      %add3A_690 = arith.addi %mul3A_688, %add3A_689 : i32
      %broadcast_in_dim3A_691 = arith.constant 1.000000e+00 : f32
      %broadcast_in_dim3A_692 = vector.broadcast %broadcast_in_dim3A_691 : f32 to vector<16xf32>
      %slice3A_693 = vector.extract_strided_slice %get3A_643 {offsets = [3], sizes = [1], strides = [1]} : vector<16xf32> to vector<1xf32>
      %squeeze3A_694 = vector.extract %slice3A_693[0] : f32 from vector<1xf32>
      %mul3A_695 = vector.broadcast %squeeze3A_694 : f32 to vector<16xf32>
      %mul3A_696 = arith.mulf %broadcast_in_dim3A_692, %mul3A_695 : vector<16xf32>
      %swap3A_697 = arith.index_cast %add3A_690 : i32 to index
      %swap3A_698 = arith.constant 0 : index
      %swap3A_699 = tpu.vector_load %arg14[%swap3A_697, %swap3A_698] {strides = array<i32>} : memref<640x16xf32, #tpu.memory_space<vmem>>, vector<1x16xf32>,
      %swap3A_700 = vector.shape_cast %swap3A_699 : vector<1x16xf32> to vector<16xf32>
      %swap3A_701 = vector.shape_cast %mul3A_696 : vector<16xf32> to vector<1x16xf32>
      tpu.vector_store %arg14[%swap3A_697, %swap3A_698], %swap3A_701 {strides = array<i32>} : memref<640x16xf32, #tpu.memory_space<vmem>>, vector<1x16xf32>,
      %mul3A_702 = arith.constant 16 : i32
      %mul3A_703 = arith.muli %scan3A_639, %mul3A_702 : i32
      %add3A_704 = arith.constant 4 : i32
      %add3A_705 = arith.addi %mul3A_703, %add3A_704 : i32
      %broadcast_in_dim3A_706 = arith.constant 1.000000e+00 : f32
      %broadcast_in_dim3A_707 = vector.broadcast %broadcast_in_dim3A_706 : f32 to vector<16xf32>
      %slice3A_708 = vector.extract_strided_slice %get3A_643 {offsets = [4], sizes = [1], strides = [1]} : vector<16xf32> to vector<1xf32>
      %squeeze3A_709 = vector.extract %slice3A_708[0] : f32 from vector<1xf32>
      %mul3A_710 = vector.broadcast %squeeze3A_709 : f32 to vector<16xf32>
      %mul3A_711 = arith.mulf %broadcast_in_dim3A_707, %mul3A_710 : vector<16xf32>
      %swap3A_712 = arith.index_cast %add3A_705 : i32 to index
      %swap3A_713 = arith.constant 0 : index
      %swap3A_714 = tpu.vector_load %arg14[%swap3A_712, %swap3A_713] {strides = array<i32>} : memref<640x16xf32, #tpu.memory_space<vmem>>, vector<1x16xf32>,
      %swap3A_715 = vector.shape_cast %swap3A_714 : vector<1x16xf32> to vector<16xf32>
      %swap3A_716 = vector.shape_cast %mul3A_711 : vector<16xf32> to vector<1x16xf32>
      tpu.vector_store %arg14[%swap3A_712, %swap3A_713], %swap3A_716 {strides = array<i32>} : memref<640x16xf32, #tpu.memory_space<vmem>>, vector<1x16xf32>,
      %mul3A_717 = arith.constant 16 : i32
      %mul3A_718 = arith.muli %scan3A_639, %mul3A_717 : i32
      %add3A_719 = arith.constant 5 : i32
      %add3A_720 = arith.addi %mul3A_718, %add3A_719 : i32
      %broadcast_in_dim3A_721 = arith.constant 1.000000e+00 : f32
      %broadcast_in_dim3A_722 = vector.broadcast %broadcast_in_dim3A_721 : f32 to vector<16xf32>
      %slice3A_723 = vector.extract_strided_slice %get3A_643 {offsets = [5], sizes = [1], strides = [1]} : vector<16xf32> to vector<1xf32>
      %squeeze3A_724 = vector.extract %slice3A_723[0] : f32 from vector<1xf32>
      %mul3A_725 = vector.broadcast %squeeze3A_724 : f32 to vector<16xf32>
      %mul3A_726 = arith.mulf %broadcast_in_dim3A_722, %mul3A_725 : vector<16xf32>
      %swap3A_727 = arith.index_cast %add3A_720 : i32 to index
      %swap3A_728 = arith.constant 0 : index
      %swap3A_729 = tpu.vector_load %arg14[%swap3A_727, %swap3A_728] {strides = array<i32>} : memref<640x16xf32, #tpu.memory_space<vmem>>, vector<1x16xf32>,
      %swap3A_730 = vector.shape_cast %swap3A_729 : vector<1x16xf32> to vector<16xf32>
      %swap3A_731 = vector.shape_cast %mul3A_726 : vector<16xf32> to vector<1x16xf32>
      tpu.vector_store %arg14[%swap3A_727, %swap3A_728], %swap3A_731 {strides = array<i32>} : memref<640x16xf32, #tpu.memory_space<vmem>>, vector<1x16xf32>,
      %mul3A_732 = arith.constant 16 : i32
      %mul3A_733 = arith.muli %scan3A_639, %mul3A_732 : i32
      %add3A_734 = arith.constant 6 : i32
      %add3A_735 = arith.addi %mul3A_733, %add3A_734 : i32
      %broadcast_in_dim3A_736 = arith.constant 1.000000e+00 : f32
      %broadcast_in_dim3A_737 = vector.broadcast %broadcast_in_dim3A_736 : f32 to vector<16xf32>
      %slice3A_738 = vector.extract_strided_slice %get3A_643 {offsets = [6], sizes = [1], strides = [1]} : vector<16xf32> to vector<1xf32>
      %squeeze3A_739 = vector.extract %slice3A_738[0] : f32 from vector<1xf32>
      %mul3A_740 = vector.broadcast %squeeze3A_739 : f32 to vector<16xf32>
      %mul3A_741 = arith.mulf %broadcast_in_dim3A_737, %mul3A_740 : vector<16xf32>
      %swap3A_742 = arith.index_cast %add3A_735 : i32 to index
      %swap3A_743 = arith.constant 0 : index
      %swap3A_744 = tpu.vector_load %arg14[%swap3A_742, %swap3A_743] {strides = array<i32>} : memref<640x16xf32, #tpu.memory_space<vmem>>, vector<1x16xf32>,
      %swap3A_745 = vector.shape_cast %swap3A_744 : vector<1x16xf32> to vector<16xf32>
      %swap3A_746 = vector.shape_cast %mul3A_741 : vector<16xf32> to vector<1x16xf32>
      tpu.vector_store %arg14[%swap3A_742, %swap3A_743], %swap3A_746 {strides = array<i32>} : memref<640x16xf32, #tpu.memory_space<vmem>>, vector<1x16xf32>,
      %mul3A_747 = arith.constant 16 : i32
      %mul3A_748 = arith.muli %scan3A_639, %mul3A_747 : i32
      %add3A_749 = arith.constant 7 : i32
      %add3A_750 = arith.addi %mul3A_748, %add3A_749 : i32
      %broadcast_in_dim3A_751 = arith.constant 1.000000e+00 : f32
      %broadcast_in_dim3A_752 = vector.broadcast %broadcast_in_dim3A_751 : f32 to vector<16xf32>
      %slice3A_753 = vector.extract_strided_slice %get3A_643 {offsets = [7], sizes = [1], strides = [1]} : vector<16xf32> to vector<1xf32>
      %squeeze3A_754 = vector.extract %slice3A_753[0] : f32 from vector<1xf32>
      %mul3A_755 = vector.broadcast %squeeze3A_754 : f32 to vector<16xf32>
      %mul3A_756 = arith.mulf %broadcast_in_dim3A_752, %mul3A_755 : vector<16xf32>
      %swap3A_757 = arith.index_cast %add3A_750 : i32 to index
      %swap3A_758 = arith.constant 0 : index
      %swap3A_759 = tpu.vector_load %arg14[%swap3A_757, %swap3A_758] {strides = array<i32>} : memref<640x16xf32, #tpu.memory_space<vmem>>, vector<1x16xf32>,
      %swap3A_760 = vector.shape_cast %swap3A_759 : vector<1x16xf32> to vector<16xf32>
      %swap3A_761 = vector.shape_cast %mul3A_756 : vector<16xf32> to vector<1x16xf32>
      tpu.vector_store %arg14[%swap3A_757, %swap3A_758], %swap3A_761 {strides = array<i32>} : memref<640x16xf32, #tpu.memory_space<vmem>>, vector<1x16xf32>,
      %mul3A_762 = arith.constant 16 : i32
      %mul3A_763 = arith.muli %scan3A_639, %mul3A_762 : i32
      %add3A_764 = arith.constant 8 : i32
      %add3A_765 = arith.addi %mul3A_763, %add3A_764 : i32
      %broadcast_in_dim3A_766 = arith.constant 1.000000e+00 : f32
      %broadcast_in_dim3A_767 = vector.broadcast %broadcast_in_dim3A_766 : f32 to vector<16xf32>
      %slice3A_768 = vector.extract_strided_slice %get3A_643 {offsets = [8], sizes = [1], strides = [1]} : vector<16xf32> to vector<1xf32>
      %squeeze3A_769 = vector.extract %slice3A_768[0] : f32 from vector<1xf32>
      %mul3A_770 = vector.broadcast %squeeze3A_769 : f32 to vector<16xf32>
      %mul3A_771 = arith.mulf %broadcast_in_dim3A_767, %mul3A_770 : vector<16xf32>
      %swap3A_772 = arith.index_cast %add3A_765 : i32 to index
      %swap3A_773 = arith.constant 0 : index
      %swap3A_774 = tpu.vector_load %arg14[%swap3A_772, %swap3A_773] {strides = array<i32>} : memref<640x16xf32, #tpu.memory_space<vmem>>, vector<1x16xf32>,
      %swap3A_775 = vector.shape_cast %swap3A_774 : vector<1x16xf32> to vector<16xf32>
      %swap3A_776 = vector.shape_cast %mul3A_771 : vector<16xf32> to vector<1x16xf32>
      tpu.vector_store %arg14[%swap3A_772, %swap3A_773], %swap3A_776 {strides = array<i32>} : memref<640x16xf32, #tpu.memory_space<vmem>>, vector<1x16xf32>,
      %mul3A_777 = arith.constant 16 : i32
      %mul3A_778 = arith.muli %scan3A_639, %mul3A_777 : i32
      %add3A_779 = arith.constant 9 : i32
      %add3A_780 = arith.addi %mul3A_778, %add3A_779 : i32
      %broadcast_in_dim3A_781 = arith.constant 1.000000e+00 : f32
      %broadcast_in_dim3A_782 = vector.broadcast %broadcast_in_dim3A_781 : f32 to vector<16xf32>
      %slice3A_783 = vector.extract_strided_slice %get3A_643 {offsets = [9], sizes = [1], strides = [1]} : vector<16xf32> to vector<1xf32>
      %squeeze3A_784 = vector.extract %slice3A_783[0] : f32 from vector<1xf32>
      %mul3A_785 = vector.broadcast %squeeze3A_784 : f32 to vector<16xf32>
      %mul3A_786 = arith.mulf %broadcast_in_dim3A_782, %mul3A_785 : vector<16xf32>
      %swap3A_787 = arith.index_cast %add3A_780 : i32 to index
      %swap3A_788 = arith.constant 0 : index
      %swap3A_789 = tpu.vector_load %arg14[%swap3A_787, %swap3A_788] {strides = array<i32>} : memref<640x16xf32, #tpu.memory_space<vmem>>, vector<1x16xf32>,
      %swap3A_790 = vector.shape_cast %swap3A_789 : vector<1x16xf32> to vector<16xf32>
      %swap3A_791 = vector.shape_cast %mul3A_786 : vector<16xf32> to vector<1x16xf32>
      tpu.vector_store %arg14[%swap3A_787, %swap3A_788], %swap3A_791 {strides = array<i32>} : memref<640x16xf32, #tpu.memory_space<vmem>>, vector<1x16xf32>,
      %mul3A_792 = arith.constant 16 : i32
      %mul3A_793 = arith.muli %scan3A_639, %mul3A_792 : i32
      %add3A_794 = arith.constant 10 : i32
      %add3A_795 = arith.addi %mul3A_793, %add3A_794 : i32
      %broadcast_in_dim3A_796 = arith.constant 1.000000e+00 : f32
      %broadcast_in_dim3A_797 = vector.broadcast %broadcast_in_dim3A_796 : f32 to vector<16xf32>
      %slice3A_798 = vector.extract_strided_slice %get3A_643 {offsets = [10], sizes = [1], strides = [1]} : vector<16xf32> to vector<1xf32>
      %squeeze3A_799 = vector.extract %slice3A_798[0] : f32 from vector<1xf32>
      %mul3A_800 = vector.broadcast %squeeze3A_799 : f32 to vector<16xf32>
      %mul3A_801 = arith.mulf %broadcast_in_dim3A_797, %mul3A_800 : vector<16xf32>
      %swap3A_802 = arith.index_cast %add3A_795 : i32 to index
      %swap3A_803 = arith.constant 0 : index
      %swap3A_804 = tpu.vector_load %arg14[%swap3A_802, %swap3A_803] {strides = array<i32>} : memref<640x16xf32, #tpu.memory_space<vmem>>, vector<1x16xf32>,
      %swap3A_805 = vector.shape_cast %swap3A_804 : vector<1x16xf32> to vector<16xf32>
      %swap3A_806 = vector.shape_cast %mul3A_801 : vector<16xf32> to vector<1x16xf32>
      tpu.vector_store %arg14[%swap3A_802, %swap3A_803], %swap3A_806 {strides = array<i32>} : memref<640x16xf32, #tpu.memory_space<vmem>>, vector<1x16xf32>,
      %mul3A_807 = arith.constant 16 : i32
      %mul3A_808 = arith.muli %scan3A_639, %mul3A_807 : i32
      %add3A_809 = arith.constant 11 : i32
      %add3A_810 = arith.addi %mul3A_808, %add3A_809 : i32
      %broadcast_in_dim3A_811 = arith.constant 1.000000e+00 : f32
      %broadcast_in_dim3A_812 = vector.broadcast %broadcast_in_dim3A_811 : f32 to vector<16xf32>
      %slice3A_813 = vector.extract_strided_slice %get3A_643 {offsets = [11], sizes = [1], strides = [1]} : vector<16xf32> to vector<1xf32>
      %squeeze3A_814 = vector.extract %slice3A_813[0] : f32 from vector<1xf32>
      %mul3A_815 = vector.broadcast %squeeze3A_814 : f32 to vector<16xf32>
      %mul3A_816 = arith.mulf %broadcast_in_dim3A_812, %mul3A_815 : vector<16xf32>
      %swap3A_817 = arith.index_cast %add3A_810 : i32 to index
      %swap3A_818 = arith.constant 0 : index
      %swap3A_819 = tpu.vector_load %arg14[%swap3A_817, %swap3A_818] {strides = array<i32>} : memref<640x16xf32, #tpu.memory_space<vmem>>, vector<1x16xf32>,
      %swap3A_820 = vector.shape_cast %swap3A_819 : vector<1x16xf32> to vector<16xf32>
      %swap3A_821 = vector.shape_cast %mul3A_816 : vector<16xf32> to vector<1x16xf32>
      tpu.vector_store %arg14[%swap3A_817, %swap3A_818], %swap3A_821 {strides = array<i32>} : memref<640x16xf32, #tpu.memory_space<vmem>>, vector<1x16xf32>,
      %mul3A_822 = arith.constant 16 : i32
      %mul3A_823 = arith.muli %scan3A_639, %mul3A_822 : i32
      %add3A_824 = arith.constant 12 : i32
      %add3A_825 = arith.addi %mul3A_823, %add3A_824 : i32
      %broadcast_in_dim3A_826 = arith.constant 1.000000e+00 : f32
      %broadcast_in_dim3A_827 = vector.broadcast %broadcast_in_dim3A_826 : f32 to vector<16xf32>
      %slice3A_828 = vector.extract_strided_slice %get3A_643 {offsets = [12], sizes = [1], strides = [1]} : vector<16xf32> to vector<1xf32>
      %squeeze3A_829 = vector.extract %slice3A_828[0] : f32 from vector<1xf32>
      %mul3A_830 = vector.broadcast %squeeze3A_829 : f32 to vector<16xf32>
      %mul3A_831 = arith.mulf %broadcast_in_dim3A_827, %mul3A_830 : vector<16xf32>
      %swap3A_832 = arith.index_cast %add3A_825 : i32 to index
      %swap3A_833 = arith.constant 0 : index
      %swap3A_834 = tpu.vector_load %arg14[%swap3A_832, %swap3A_833] {strides = array<i32>} : memref<640x16xf32, #tpu.memory_space<vmem>>, vector<1x16xf32>,
      %swap3A_835 = vector.shape_cast %swap3A_834 : vector<1x16xf32> to vector<16xf32>
      %swap3A_836 = vector.shape_cast %mul3A_831 : vector<16xf32> to vector<1x16xf32>
      tpu.vector_store %arg14[%swap3A_832, %swap3A_833], %swap3A_836 {strides = array<i32>} : memref<640x16xf32, #tpu.memory_space<vmem>>, vector<1x16xf32>,
      %mul3A_837 = arith.constant 16 : i32
      %mul3A_838 = arith.muli %scan3A_639, %mul3A_837 : i32
      %add3A_839 = arith.constant 13 : i32
      %add3A_840 = arith.addi %mul3A_838, %add3A_839 : i32
      %broadcast_in_dim3A_841 = arith.constant 1.000000e+00 : f32
      %broadcast_in_dim3A_842 = vector.broadcast %broadcast_in_dim3A_841 : f32 to vector<16xf32>
      %slice3A_843 = vector.extract_strided_slice %get3A_643 {offsets = [13], sizes = [1], strides = [1]} : vector<16xf32> to vector<1xf32>
      %squeeze3A_844 = vector.extract %slice3A_843[0] : f32 from vector<1xf32>
      %mul3A_845 = vector.broadcast %squeeze3A_844 : f32 to vector<16xf32>
      %mul3A_846 = arith.mulf %broadcast_in_dim3A_842, %mul3A_845 : vector<16xf32>
      %swap3A_847 = arith.index_cast %add3A_840 : i32 to index
      %swap3A_848 = arith.constant 0 : index
      %swap3A_849 = tpu.vector_load %arg14[%swap3A_847, %swap3A_848] {strides = array<i32>} : memref<640x16xf32, #tpu.memory_space<vmem>>, vector<1x16xf32>,
      %swap3A_850 = vector.shape_cast %swap3A_849 : vector<1x16xf32> to vector<16xf32>
      %swap3A_851 = vector.shape_cast %mul3A_846 : vector<16xf32> to vector<1x16xf32>
      tpu.vector_store %arg14[%swap3A_847, %swap3A_848], %swap3A_851 {strides = array<i32>} : memref<640x16xf32, #tpu.memory_space<vmem>>, vector<1x16xf32>,
      %mul3A_852 = arith.constant 16 : i32
      %mul3A_853 = arith.muli %scan3A_639, %mul3A_852 : i32
      %add3A_854 = arith.constant 14 : i32
      %add3A_855 = arith.addi %mul3A_853, %add3A_854 : i32
      %broadcast_in_dim3A_856 = arith.constant 1.000000e+00 : f32
      %broadcast_in_dim3A_857 = vector.broadcast %broadcast_in_dim3A_856 : f32 to vector<16xf32>
      %slice3A_858 = vector.extract_strided_slice %get3A_643 {offsets = [14], sizes = [1], strides = [1]} : vector<16xf32> to vector<1xf32>
      %squeeze3A_859 = vector.extract %slice3A_858[0] : f32 from vector<1xf32>
      %mul3A_860 = vector.broadcast %squeeze3A_859 : f32 to vector<16xf32>
      %mul3A_861 = arith.mulf %broadcast_in_dim3A_857, %mul3A_860 : vector<16xf32>
      %swap3A_862 = arith.index_cast %add3A_855 : i32 to index
      %swap3A_863 = arith.constant 0 : index
      %swap3A_864 = tpu.vector_load %arg14[%swap3A_862, %swap3A_863] {strides = array<i32>} : memref<640x16xf32, #tpu.memory_space<vmem>>, vector<1x16xf32>,
      %swap3A_865 = vector.shape_cast %swap3A_864 : vector<1x16xf32> to vector<16xf32>
      %swap3A_866 = vector.shape_cast %mul3A_861 : vector<16xf32> to vector<1x16xf32>
      tpu.vector_store %arg14[%swap3A_862, %swap3A_863], %swap3A_866 {strides = array<i32>} : memref<640x16xf32, #tpu.memory_space<vmem>>, vector<1x16xf32>,
      %mul3A_867 = arith.constant 16 : i32
      %mul3A_868 = arith.muli %scan3A_639, %mul3A_867 : i32
      %add3A_869 = arith.constant 15 : i32
      %add3A_870 = arith.addi %mul3A_868, %add3A_869 : i32
      %broadcast_in_dim3A_871 = arith.constant 1.000000e+00 : f32
      %broadcast_in_dim3A_872 = vector.broadcast %broadcast_in_dim3A_871 : f32 to vector<16xf32>
      %slice3A_873 = vector.extract_strided_slice %get3A_643 {offsets = [15], sizes = [1], strides = [1]} : vector<16xf32> to vector<1xf32>
      %squeeze3A_874 = vector.extract %slice3A_873[0] : f32 from vector<1xf32>
      %mul3A_875 = vector.broadcast %squeeze3A_874 : f32 to vector<16xf32>
      %mul3A_876 = arith.mulf %broadcast_in_dim3A_872, %mul3A_875 : vector<16xf32>
      %swap3A_877 = arith.index_cast %add3A_870 : i32 to index
      %swap3A_878 = arith.constant 0 : index
      %swap3A_879 = tpu.vector_load %arg14[%swap3A_877, %swap3A_878] {strides = array<i32>} : memref<640x16xf32, #tpu.memory_space<vmem>>, vector<1x16xf32>,
      %swap3A_880 = vector.shape_cast %swap3A_879 : vector<1x16xf32> to vector<16xf32>
      %swap3A_881 = vector.shape_cast %mul3A_876 : vector<16xf32> to vector<1x16xf32>
      tpu.vector_store %arg14[%swap3A_877, %swap3A_878], %swap3A_881 {strides = array<i32>} : memref<640x16xf32, #tpu.memory_space<vmem>>, vector<1x16xf32>,
    }
    %scan3A_198 = arith.constant 40 : i32
    %dma_start3A_199 = arith.constant 0 : i32
    %dma_start3A_200 = tpu.memref_slice %arg8[%mul3A_0, %dma_start3A_199] : memref<10240x16xf32, #tpu.memory_space<hbm>> -> memref<640x16xf32, #tpu.memory_space<hbm>>
    %dma_start3A_201 = arith.constant 0 : i32
    %dma_start3A_202 = tpu.memref_slice %arg8[%mul3A_0, %dma_start3A_201] : memref<10240x16xf32, #tpu.memory_space<hbm>> -> memref<640x16xf32, #tpu.memory_space<hbm>>
    tpu.enqueue_dma source(%arg14 : memref<640x16xf32, #tpu.memory_space<vmem>>) target(%dma_start3A_202 : memref<640x16xf32, #tpu.memory_space<hbm>>) target_semaphore(%arg23 : memref<!tpu.dma_semaphore, #tpu.memory_space<semaphore_mem>>)
    %dma_wait3A_203 = arith.constant 0 : i32
    %dma_wait3A_204 = tpu.memref_slice %arg7[%mul3A_0, %dma_wait3A_203] : memref<10240x16xf32, #tpu.memory_space<hbm>> -> memref<640x16xf32, #tpu.memory_space<hbm>>
    %dma_wait3A_205 = arith.constant 0 : i32
    %dma_wait3A_206 = tpu.memref_slice %arg7[%mul3A_0, %dma_wait3A_205] : memref<10240x16xf32, #tpu.memory_space<hbm>> -> memref<640x16xf32, #tpu.memory_space<hbm>>
    tpu.wait_dma2 semaphore(%arg21 : memref<!tpu.dma_semaphore, #tpu.memory_space<semaphore_mem>>) src(%arg13 : memref<640x16xf32, #tpu.memory_space<vmem>>) dst(%dma_wait3A_206 : memref<640x16xf32, #tpu.memory_space<hbm>>)
    %barrier3A_207 = arith.constant 0 : index
    tpu.barrier barrier_id(%barrier3A_207)
    %scan3A_208 = arith.constant 0 : i32
    %scan3A_209 = arith.constant 0 : i32
    %scan3A_210 = arith.constant 88 : i32
    %scan3A_211 = arith.addi %scan3A_209, %scan3A_210 : i32
    %scan3A_212 = arith.constant 1 : i32
    scf.for %scan3A_639 = %scan3A_209 to %scan3A_211 step %scan3A_212  : i32 {
      %lt3A = arith.constant 80 : i32
      %lt3A_640 = arith.cmpi slt, %scan3A_639, %lt3A : i32
      %convert_element_type3A = arith.extui %lt3A_640 : i1 to i32
      %cond3A = arith.constant 0 : i32
      %cond3A_641 = arith.cmpi ne, %convert_element_type3A, %cond3A : i32
      scf.if %cond3A_641 {
        %ge3A_646 = arith.constant 16 : i32
        %ge3A_647 = arith.cmpi sge, %scan3A_639, %ge3A_646 : i32
        %convert_element_type3A_648 = arith.extui %ge3A_647 : i1 to i32
        %cond3A_649 = arith.constant 0 : i32
        %cond3A_650 = arith.cmpi ne, %convert_element_type3A_648, %cond3A_649 : i32
        scf.if %cond3A_650 {
          %sub3A_674 = arith.constant 16 : i32
          %sub3A_675 = arith.subi %scan3A_639, %sub3A_674 : i32
          %rem3A_676 = arith.constant 16 : i32
          %rem3A_677 = arith.remsi %sub3A_675, %rem3A_676 : i32
          %add3A_678 = arith.addi %sub3A_133, %sub3A_675 : i32
          %dma_wait3A_679 = arith.constant 1 : i32
          %dma_wait3A_680 = arith.constant 0 : i32
          %dma_wait3A_681 = arith.constant 0 : i32
          %dma_wait3A_682 = tpu.memref_slice %arg12[%rem3A_677, %dma_wait3A_680, %dma_wait3A_681] : memref<16x128x16xf32, #tpu.memory_space<vmem>> -> memref<1x128x16xf32, #tpu.memory_space<vmem>>
          %dma_wait3A_683 = tpu.memref_squeeze %dma_wait3A_682 : memref<1x128x16xf32, #tpu.memory_space<vmem>> -> memref<128x16xf32, #tpu.memory_space<vmem>>
          %dma_wait3A_684 = arith.constant 0 : i32
          %dma_wait3A_685 = tpu.memref_slice %arg9[%add3A_678, %dma_wait3A_679, %dma_wait3A_684] : memref<159x2x128xi32, #tpu.memory_space<vmem>> -> memref<1x1x128xi32, #tpu.memory_space<vmem>>
          %dma_wait3A_686 = tpu.memref_squeeze %dma_wait3A_685 : memref<1x1x128xi32, #tpu.memory_space<vmem>> -> memref<128xi32, #tpu.memory_space<vmem>>
          %dma_wait3A_687 = arith.constant 0 : i32
          %dma_wait3A_688 = arith.constant 0 : i32
          %dma_wait3A_689 = tpu.memref_slice %arg16[%dma_wait3A_687, %dma_wait3A_688] : memref<10240x16xf32, #tpu.memory_space<vmem_shared>> -> memref<10240x16xf32, #tpu.memory_space<vmem_shared>>
          tpu.wait_indirect_dma semaphore(%arg21 : memref<!tpu.dma_semaphore, #tpu.memory_space<semaphore_mem>>) src(%dma_wait3A_683 : memref<128x16xf32, #tpu.memory_space<vmem>>) dst(%dma_wait3A_689 : memref<10240x16xf32, #tpu.memory_space<vmem_shared>>)
          %dma_wait3A_690 = arith.constant 0 : i32
          %dma_wait3A_691 = arith.constant 0 : i32
          %dma_wait3A_692 = tpu.memref_slice %arg11[%rem3A_677, %dma_wait3A_691] : memref<16x128xf32, #tpu.memory_space<vmem>> -> memref<1x128xf32, #tpu.memory_space<vmem>>
          %dma_wait3A_693 = tpu.memref_squeeze %dma_wait3A_692 : memref<1x128xf32, #tpu.memory_space<vmem>> -> memref<128xf32, #tpu.memory_space<vmem>>
          %dma_wait3A_694 = arith.constant 0 : i32
          %dma_wait3A_695 = tpu.memref_slice %arg9[%add3A_678, %dma_wait3A_690, %dma_wait3A_694] : memref<159x2x128xi32, #tpu.memory_space<vmem>> -> memref<1x1x128xi32, #tpu.memory_space<vmem>>
          %dma_wait3A_696 = tpu.memref_squeeze %dma_wait3A_695 : memref<1x1x128xi32, #tpu.memory_space<vmem>> -> memref<128xi32, #tpu.memory_space<vmem>>
          %dma_wait3A_697 = arith.constant 0 : i32
          %dma_wait3A_698 = tpu.memref_slice %arg17[%dma_wait3A_697] : memref<10240xf32, #tpu.memory_space<vmem_shared>> -> memref<10240xf32, #tpu.memory_space<vmem_shared>>
          tpu.wait_indirect_dma semaphore(%arg22 : memref<!tpu.dma_semaphore, #tpu.memory_space<semaphore_mem>>) src(%dma_wait3A_693 : memref<128xf32, #tpu.memory_space<vmem>>) dst(%dma_wait3A_698 : memref<10240xf32, #tpu.memory_space<vmem_shared>>)
        } else {
        }
        %rem3A_651 = arith.constant 16 : i32
        %rem3A_652 = arith.remsi %scan3A_639, %rem3A_651 : i32
        %add3A_653 = arith.addi %sub3A_133, %scan3A_639 : i32
        %dma_start3A_654 = arith.constant 0 : i32
        %dma_start3A_655 = arith.constant 0 : i32
        %dma_start3A_656 = arith.constant 0 : i32
        %dma_start3A_657 = tpu.memref_slice %arg12[%rem3A_652, %dma_start3A_655, %dma_start3A_656] : memref<16x128x16xf32, #tpu.memory_space<vmem>> -> memref<1x128x16xf32, #tpu.memory_space<vmem>>
        %dma_start3A_658 = tpu.memref_squeeze %dma_start3A_657 : memref<1x128x16xf32, #tpu.memory_space<vmem>> -> memref<128x16xf32, #tpu.memory_space<vmem>>
        %dma_start3A_659 = arith.constant 0 : i32
        %dma_start3A_660 = tpu.memref_slice %arg9[%add3A_653, %dma_start3A_654, %dma_start3A_659] : memref<159x2x128xi32, #tpu.memory_space<vmem>> -> memref<1x1x128xi32, #tpu.memory_space<vmem>>
        %dma_start3A_661 = tpu.memref_squeeze %dma_start3A_660 : memref<1x1x128xi32, #tpu.memory_space<vmem>> -> memref<128xi32, #tpu.memory_space<vmem>>
        %dma_start3A_662 = arith.constant 0 : i32
        %dma_start3A_663 = arith.constant 0 : i32
        %dma_start3A_664 = tpu.memref_slice %arg7[%dma_start3A_662, %dma_start3A_663] : memref<10240x16xf32, #tpu.memory_space<hbm>> -> memref<10240x16xf32, #tpu.memory_space<hbm>>
        tpu.enqueue_indirect_dma source(%dma_start3A_664 : memref<10240x16xf32, #tpu.memory_space<hbm>>) target(%dma_start3A_658 : memref<128x16xf32, #tpu.memory_space<vmem>>) offsets(%dma_start3A_661 : memref<128xi32, #tpu.memory_space<vmem>>) semaphore(%arg19 : memref<!tpu.dma_semaphore, #tpu.memory_space<semaphore_mem>>)
        %dma_start3A_665 = arith.constant 1 : i32
        %dma_start3A_666 = arith.constant 0 : i32
        %dma_start3A_667 = tpu.memref_slice %arg11[%rem3A_652, %dma_start3A_666] : memref<16x128xf32, #tpu.memory_space<vmem>> -> memref<1x128xf32, #tpu.memory_space<vmem>>
        %dma_start3A_668 = tpu.memref_squeeze %dma_start3A_667 : memref<1x128xf32, #tpu.memory_space<vmem>> -> memref<128xf32, #tpu.memory_space<vmem>>
        %dma_start3A_669 = arith.constant 0 : i32
        %dma_start3A_670 = tpu.memref_slice %arg9[%add3A_653, %dma_start3A_665, %dma_start3A_669] : memref<159x2x128xi32, #tpu.memory_space<vmem>> -> memref<1x1x128xi32, #tpu.memory_space<vmem>>
        %dma_start3A_671 = tpu.memref_squeeze %dma_start3A_670 : memref<1x1x128xi32, #tpu.memory_space<vmem>> -> memref<128xi32, #tpu.memory_space<vmem>>
        %dma_start3A_672 = arith.constant 0 : i32
        %dma_start3A_673 = tpu.memref_slice %arg18[%dma_start3A_672] : memref<10240xf32, #tpu.memory_space<vmem_shared>> -> memref<10240xf32, #tpu.memory_space<vmem_shared>>
        tpu.enqueue_indirect_dma source(%dma_start3A_673 : memref<10240xf32, #tpu.memory_space<vmem_shared>>) target(%dma_start3A_668 : memref<128xf32, #tpu.memory_space<vmem>>) offsets(%dma_start3A_671 : memref<128xi32, #tpu.memory_space<vmem>>) semaphore(%arg20 : memref<!tpu.dma_semaphore, #tpu.memory_space<semaphore_mem>>)
      } else {
      }
      %ge3A = arith.constant 8 : i32
      %ge3A_642 = arith.cmpi sge, %scan3A_639, %ge3A : i32
      %convert_element_type3A_643 = arith.extui %ge3A_642 : i1 to i32
      %cond3A_644 = arith.constant 0 : i32
      %cond3A_645 = arith.cmpi ne, %convert_element_type3A_643, %cond3A_644 : i32
      scf.if %cond3A_645 {
        %sub3A_646 = arith.constant 8 : i32
        %sub3A_647 = arith.subi %scan3A_639, %sub3A_646 : i32
        %rem3A_648 = arith.constant 16 : i32
        %rem3A_649 = arith.remsi %sub3A_647, %rem3A_648 : i32
        %add3A_650 = arith.addi %sub3A_133, %sub3A_647 : i32
        %dma_wait3A_651 = arith.constant 0 : i32
        %dma_wait3A_652 = arith.constant 0 : i32
        %dma_wait3A_653 = arith.constant 0 : i32
        %dma_wait3A_654 = tpu.memref_slice %arg12[%rem3A_649, %dma_wait3A_652, %dma_wait3A_653] : memref<16x128x16xf32, #tpu.memory_space<vmem>> -> memref<1x128x16xf32, #tpu.memory_space<vmem>>
        %dma_wait3A_655 = tpu.memref_squeeze %dma_wait3A_654 : memref<1x128x16xf32, #tpu.memory_space<vmem>> -> memref<128x16xf32, #tpu.memory_space<vmem>>
        %dma_wait3A_656 = arith.constant 0 : i32
        %dma_wait3A_657 = tpu.memref_slice %arg9[%add3A_650, %dma_wait3A_651, %dma_wait3A_656] : memref<159x2x128xi32, #tpu.memory_space<vmem>> -> memref<1x1x128xi32, #tpu.memory_space<vmem>>
        %dma_wait3A_658 = tpu.memref_squeeze %dma_wait3A_657 : memref<1x1x128xi32, #tpu.memory_space<vmem>> -> memref<128xi32, #tpu.memory_space<vmem>>
        %dma_wait3A_659 = arith.constant 0 : i32
        %dma_wait3A_660 = arith.constant 0 : i32
        %dma_wait3A_661 = tpu.memref_slice %arg7[%dma_wait3A_659, %dma_wait3A_660] : memref<10240x16xf32, #tpu.memory_space<hbm>> -> memref<10240x16xf32, #tpu.memory_space<hbm>>
        tpu.wait_indirect_dma semaphore(%arg19 : memref<!tpu.dma_semaphore, #tpu.memory_space<semaphore_mem>>) src(%dma_wait3A_661 : memref<10240x16xf32, #tpu.memory_space<hbm>>) dst(%dma_wait3A_655 : memref<128x16xf32, #tpu.memory_space<vmem>>)
        %dma_wait3A_662 = arith.constant 1 : i32
        %dma_wait3A_663 = arith.constant 0 : i32
        %dma_wait3A_664 = tpu.memref_slice %arg11[%rem3A_649, %dma_wait3A_663] : memref<16x128xf32, #tpu.memory_space<vmem>> -> memref<1x128xf32, #tpu.memory_space<vmem>>
        %dma_wait3A_665 = tpu.memref_squeeze %dma_wait3A_664 : memref<1x128xf32, #tpu.memory_space<vmem>> -> memref<128xf32, #tpu.memory_space<vmem>>
        %dma_wait3A_666 = arith.constant 0 : i32
        %dma_wait3A_667 = tpu.memref_slice %arg9[%add3A_650, %dma_wait3A_662, %dma_wait3A_666] : memref<159x2x128xi32, #tpu.memory_space<vmem>> -> memref<1x1x128xi32, #tpu.memory_space<vmem>>
        %dma_wait3A_668 = tpu.memref_squeeze %dma_wait3A_667 : memref<1x1x128xi32, #tpu.memory_space<vmem>> -> memref<128xi32, #tpu.memory_space<vmem>>
        %dma_wait3A_669 = arith.constant 0 : i32
        %dma_wait3A_670 = tpu.memref_slice %arg18[%dma_wait3A_669] : memref<10240xf32, #tpu.memory_space<vmem_shared>> -> memref<10240xf32, #tpu.memory_space<vmem_shared>>
        tpu.wait_indirect_dma semaphore(%arg20 : memref<!tpu.dma_semaphore, #tpu.memory_space<semaphore_mem>>) src(%dma_wait3A_670 : memref<10240xf32, #tpu.memory_space<vmem_shared>>) dst(%dma_wait3A_665 : memref<128xf32, #tpu.memory_space<vmem>>)
        %sub3A_671 = arith.constant 8 : i32
        %sub3A_672 = arith.subi %scan3A_639, %sub3A_671 : i32
        %rem3A_673 = arith.constant 16 : i32
        %rem3A_674 = arith.remsi %sub3A_672, %rem3A_673 : i32
        %add3A_675 = arith.addi %sub3A_133, %sub3A_672 : i32
        %dma_start3A_676 = arith.constant 1 : i32
        %dma_start3A_677 = arith.constant 0 : i32
        %dma_start3A_678 = arith.constant 0 : i32
        %dma_start3A_679 = tpu.memref_slice %arg12[%rem3A_674, %dma_start3A_677, %dma_start3A_678] : memref<16x128x16xf32, #tpu.memory_space<vmem>> -> memref<1x128x16xf32, #tpu.memory_space<vmem>>
        %dma_start3A_680 = tpu.memref_squeeze %dma_start3A_679 : memref<1x128x16xf32, #tpu.memory_space<vmem>> -> memref<128x16xf32, #tpu.memory_space<vmem>>
        %dma_start3A_681 = arith.constant 0 : i32
        %dma_start3A_682 = tpu.memref_slice %arg9[%add3A_675, %dma_start3A_676, %dma_start3A_681] : memref<159x2x128xi32, #tpu.memory_space<vmem>> -> memref<1x1x128xi32, #tpu.memory_space<vmem>>
        %dma_start3A_683 = tpu.memref_squeeze %dma_start3A_682 : memref<1x1x128xi32, #tpu.memory_space<vmem>> -> memref<128xi32, #tpu.memory_space<vmem>>
        %dma_start3A_684 = arith.constant 0 : i32
        %dma_start3A_685 = arith.constant 0 : i32
        %dma_start3A_686 = tpu.memref_slice %arg16[%dma_start3A_684, %dma_start3A_685] : memref<10240x16xf32, #tpu.memory_space<vmem_shared>> -> memref<10240x16xf32, #tpu.memory_space<vmem_shared>>
        tpu.enqueue_indirect_dma source(%dma_start3A_680 : memref<128x16xf32, #tpu.memory_space<vmem>>) target(%dma_start3A_686 : memref<10240x16xf32, #tpu.memory_space<vmem_shared>>) offsets(%dma_start3A_683 : memref<128xi32, #tpu.memory_space<vmem>>) semaphore(%arg21 : memref<!tpu.dma_semaphore, #tpu.memory_space<semaphore_mem>>) {add = true}
        %dma_start3A_687 = arith.constant 0 : i32
        %dma_start3A_688 = arith.constant 0 : i32
        %dma_start3A_689 = tpu.memref_slice %arg11[%rem3A_674, %dma_start3A_688] : memref<16x128xf32, #tpu.memory_space<vmem>> -> memref<1x128xf32, #tpu.memory_space<vmem>>
        %dma_start3A_690 = tpu.memref_squeeze %dma_start3A_689 : memref<1x128xf32, #tpu.memory_space<vmem>> -> memref<128xf32, #tpu.memory_space<vmem>>
        %dma_start3A_691 = arith.constant 0 : i32
        %dma_start3A_692 = tpu.memref_slice %arg9[%add3A_675, %dma_start3A_687, %dma_start3A_691] : memref<159x2x128xi32, #tpu.memory_space<vmem>> -> memref<1x1x128xi32, #tpu.memory_space<vmem>>
        %dma_start3A_693 = tpu.memref_squeeze %dma_start3A_692 : memref<1x1x128xi32, #tpu.memory_space<vmem>> -> memref<128xi32, #tpu.memory_space<vmem>>
        %dma_start3A_694 = arith.constant 0 : i32
        %dma_start3A_695 = tpu.memref_slice %arg17[%dma_start3A_694] : memref<10240xf32, #tpu.memory_space<vmem_shared>> -> memref<10240xf32, #tpu.memory_space<vmem_shared>>
        tpu.enqueue_indirect_dma source(%dma_start3A_690 : memref<128xf32, #tpu.memory_space<vmem>>) target(%dma_start3A_695 : memref<10240xf32, #tpu.memory_space<vmem_shared>>) offsets(%dma_start3A_693 : memref<128xi32, #tpu.memory_space<vmem>>) semaphore(%arg22 : memref<!tpu.dma_semaphore, #tpu.memory_space<semaphore_mem>>) {add = true}
      } else {
      }
    }
    %scan3A_213 = arith.constant 88 : i32
    %rem3A_214 = arith.constant 64 : i32
    %rem3A_215 = arith.constant 16 : i32
    %rem3A_216 = arith.remsi %rem3A_214, %rem3A_215 : i32
    %add3A_217 = arith.constant 64 : i32
    %add3A_218 = arith.addi %sub3A_133, %add3A_217 : i32
    %dma_wait3A_219 = arith.constant 1 : i32
    %dma_wait3A_220 = arith.constant 0 : i32
    %dma_wait3A_221 = arith.constant 0 : i32
    %dma_wait3A_222 = tpu.memref_slice %arg12[%rem3A_216, %dma_wait3A_220, %dma_wait3A_221] : memref<16x128x16xf32, #tpu.memory_space<vmem>> -> memref<1x128x16xf32, #tpu.memory_space<vmem>>
    %dma_wait3A_223 = tpu.memref_squeeze %dma_wait3A_222 : memref<1x128x16xf32, #tpu.memory_space<vmem>> -> memref<128x16xf32, #tpu.memory_space<vmem>>
    %dma_wait3A_224 = arith.constant 0 : i32
    %dma_wait3A_225 = tpu.memref_slice %arg9[%add3A_218, %dma_wait3A_219, %dma_wait3A_224] : memref<159x2x128xi32, #tpu.memory_space<vmem>> -> memref<1x1x128xi32, #tpu.memory_space<vmem>>
    %dma_wait3A_226 = tpu.memref_squeeze %dma_wait3A_225 : memref<1x1x128xi32, #tpu.memory_space<vmem>> -> memref<128xi32, #tpu.memory_space<vmem>>
    %dma_wait3A_227 = arith.constant 0 : i32
    %dma_wait3A_228 = arith.constant 0 : i32
    %dma_wait3A_229 = tpu.memref_slice %arg16[%dma_wait3A_227, %dma_wait3A_228] : memref<10240x16xf32, #tpu.memory_space<vmem_shared>> -> memref<10240x16xf32, #tpu.memory_space<vmem_shared>>
    tpu.wait_indirect_dma semaphore(%arg21 : memref<!tpu.dma_semaphore, #tpu.memory_space<semaphore_mem>>) src(%dma_wait3A_223 : memref<128x16xf32, #tpu.memory_space<vmem>>) dst(%dma_wait3A_229 : memref<10240x16xf32, #tpu.memory_space<vmem_shared>>)
    %dma_wait3A_230 = arith.constant 0 : i32
    %dma_wait3A_231 = arith.constant 0 : i32
    %dma_wait3A_232 = tpu.memref_slice %arg11[%rem3A_216, %dma_wait3A_231] : memref<16x128xf32, #tpu.memory_space<vmem>> -> memref<1x128xf32, #tpu.memory_space<vmem>>
    %dma_wait3A_233 = tpu.memref_squeeze %dma_wait3A_232 : memref<1x128xf32, #tpu.memory_space<vmem>> -> memref<128xf32, #tpu.memory_space<vmem>>
    %dma_wait3A_234 = arith.constant 0 : i32
    %dma_wait3A_235 = tpu.memref_slice %arg9[%add3A_218, %dma_wait3A_230, %dma_wait3A_234] : memref<159x2x128xi32, #tpu.memory_space<vmem>> -> memref<1x1x128xi32, #tpu.memory_space<vmem>>
    %dma_wait3A_236 = tpu.memref_squeeze %dma_wait3A_235 : memref<1x1x128xi32, #tpu.memory_space<vmem>> -> memref<128xi32, #tpu.memory_space<vmem>>
    %dma_wait3A_237 = arith.constant 0 : i32
    %dma_wait3A_238 = tpu.memref_slice %arg17[%dma_wait3A_237] : memref<10240xf32, #tpu.memory_space<vmem_shared>> -> memref<10240xf32, #tpu.memory_space<vmem_shared>>
    tpu.wait_indirect_dma semaphore(%arg22 : memref<!tpu.dma_semaphore, #tpu.memory_space<semaphore_mem>>) src(%dma_wait3A_233 : memref<128xf32, #tpu.memory_space<vmem>>) dst(%dma_wait3A_238 : memref<10240xf32, #tpu.memory_space<vmem_shared>>)
    %rem3A_239 = arith.constant 65 : i32
    %rem3A_240 = arith.constant 16 : i32
    %rem3A_241 = arith.remsi %rem3A_239, %rem3A_240 : i32
    %add3A_242 = arith.constant 65 : i32
    %add3A_243 = arith.addi %sub3A_133, %add3A_242 : i32
    %dma_wait3A_244 = arith.constant 1 : i32
    %dma_wait3A_245 = arith.constant 0 : i32
    %dma_wait3A_246 = arith.constant 0 : i32
    %dma_wait3A_247 = tpu.memref_slice %arg12[%rem3A_241, %dma_wait3A_245, %dma_wait3A_246] : memref<16x128x16xf32, #tpu.memory_space<vmem>> -> memref<1x128x16xf32, #tpu.memory_space<vmem>>
    %dma_wait3A_248 = tpu.memref_squeeze %dma_wait3A_247 : memref<1x128x16xf32, #tpu.memory_space<vmem>> -> memref<128x16xf32, #tpu.memory_space<vmem>>
    %dma_wait3A_249 = arith.constant 0 : i32
    %dma_wait3A_250 = tpu.memref_slice %arg9[%add3A_243, %dma_wait3A_244, %dma_wait3A_249] : memref<159x2x128xi32, #tpu.memory_space<vmem>> -> memref<1x1x128xi32, #tpu.memory_space<vmem>>
    %dma_wait3A_251 = tpu.memref_squeeze %dma_wait3A_250 : memref<1x1x128xi32, #tpu.memory_space<vmem>> -> memref<128xi32, #tpu.memory_space<vmem>>
    %dma_wait3A_252 = arith.constant 0 : i32
    %dma_wait3A_253 = arith.constant 0 : i32
    %dma_wait3A_254 = tpu.memref_slice %arg16[%dma_wait3A_252, %dma_wait3A_253] : memref<10240x16xf32, #tpu.memory_space<vmem_shared>> -> memref<10240x16xf32, #tpu.memory_space<vmem_shared>>
    tpu.wait_indirect_dma semaphore(%arg21 : memref<!tpu.dma_semaphore, #tpu.memory_space<semaphore_mem>>) src(%dma_wait3A_248 : memref<128x16xf32, #tpu.memory_space<vmem>>) dst(%dma_wait3A_254 : memref<10240x16xf32, #tpu.memory_space<vmem_shared>>)
    %dma_wait3A_255 = arith.constant 0 : i32
    %dma_wait3A_256 = arith.constant 0 : i32
    %dma_wait3A_257 = tpu.memref_slice %arg11[%rem3A_241, %dma_wait3A_256] : memref<16x128xf32, #tpu.memory_space<vmem>> -> memref<1x128xf32, #tpu.memory_space<vmem>>
    %dma_wait3A_258 = tpu.memref_squeeze %dma_wait3A_257 : memref<1x128xf32, #tpu.memory_space<vmem>> -> memref<128xf32, #tpu.memory_space<vmem>>
    %dma_wait3A_259 = arith.constant 0 : i32
    %dma_wait3A_260 = tpu.memref_slice %arg9[%add3A_243, %dma_wait3A_255, %dma_wait3A_259] : memref<159x2x128xi32, #tpu.memory_space<vmem>> -> memref<1x1x128xi32, #tpu.memory_space<vmem>>
    %dma_wait3A_261 = tpu.memref_squeeze %dma_wait3A_260 : memref<1x1x128xi32, #tpu.memory_space<vmem>> -> memref<128xi32, #tpu.memory_space<vmem>>
    %dma_wait3A_262 = arith.constant 0 : i32
    %dma_wait3A_263 = tpu.memref_slice %arg17[%dma_wait3A_262] : memref<10240xf32, #tpu.memory_space<vmem_shared>> -> memref<10240xf32, #tpu.memory_space<vmem_shared>>
    tpu.wait_indirect_dma semaphore(%arg22 : memref<!tpu.dma_semaphore, #tpu.memory_space<semaphore_mem>>) src(%dma_wait3A_258 : memref<128xf32, #tpu.memory_space<vmem>>) dst(%dma_wait3A_263 : memref<10240xf32, #tpu.memory_space<vmem_shared>>)
    %rem3A_264 = arith.constant 66 : i32
    %rem3A_265 = arith.constant 16 : i32
    %rem3A_266 = arith.remsi %rem3A_264, %rem3A_265 : i32
    %add3A_267 = arith.constant 66 : i32
    %add3A_268 = arith.addi %sub3A_133, %add3A_267 : i32
    %dma_wait3A_269 = arith.constant 1 : i32
    %dma_wait3A_270 = arith.constant 0 : i32
    %dma_wait3A_271 = arith.constant 0 : i32
    %dma_wait3A_272 = tpu.memref_slice %arg12[%rem3A_266, %dma_wait3A_270, %dma_wait3A_271] : memref<16x128x16xf32, #tpu.memory_space<vmem>> -> memref<1x128x16xf32, #tpu.memory_space<vmem>>
    %dma_wait3A_273 = tpu.memref_squeeze %dma_wait3A_272 : memref<1x128x16xf32, #tpu.memory_space<vmem>> -> memref<128x16xf32, #tpu.memory_space<vmem>>
    %dma_wait3A_274 = arith.constant 0 : i32
    %dma_wait3A_275 = tpu.memref_slice %arg9[%add3A_268, %dma_wait3A_269, %dma_wait3A_274] : memref<159x2x128xi32, #tpu.memory_space<vmem>> -> memref<1x1x128xi32, #tpu.memory_space<vmem>>
    %dma_wait3A_276 = tpu.memref_squeeze %dma_wait3A_275 : memref<1x1x128xi32, #tpu.memory_space<vmem>> -> memref<128xi32, #tpu.memory_space<vmem>>
    %dma_wait3A_277 = arith.constant 0 : i32
    %dma_wait3A_278 = arith.constant 0 : i32
    %dma_wait3A_279 = tpu.memref_slice %arg16[%dma_wait3A_277, %dma_wait3A_278] : memref<10240x16xf32, #tpu.memory_space<vmem_shared>> -> memref<10240x16xf32, #tpu.memory_space<vmem_shared>>
    tpu.wait_indirect_dma semaphore(%arg21 : memref<!tpu.dma_semaphore, #tpu.memory_space<semaphore_mem>>) src(%dma_wait3A_273 : memref<128x16xf32, #tpu.memory_space<vmem>>) dst(%dma_wait3A_279 : memref<10240x16xf32, #tpu.memory_space<vmem_shared>>)
    %dma_wait3A_280 = arith.constant 0 : i32
    %dma_wait3A_281 = arith.constant 0 : i32
    %dma_wait3A_282 = tpu.memref_slice %arg11[%rem3A_266, %dma_wait3A_281] : memref<16x128xf32, #tpu.memory_space<vmem>> -> memref<1x128xf32, #tpu.memory_space<vmem>>
    %dma_wait3A_283 = tpu.memref_squeeze %dma_wait3A_282 : memref<1x128xf32, #tpu.memory_space<vmem>> -> memref<128xf32, #tpu.memory_space<vmem>>
    %dma_wait3A_284 = arith.constant 0 : i32
    %dma_wait3A_285 = tpu.memref_slice %arg9[%add3A_268, %dma_wait3A_280, %dma_wait3A_284] : memref<159x2x128xi32, #tpu.memory_space<vmem>> -> memref<1x1x128xi32, #tpu.memory_space<vmem>>
    %dma_wait3A_286 = tpu.memref_squeeze %dma_wait3A_285 : memref<1x1x128xi32, #tpu.memory_space<vmem>> -> memref<128xi32, #tpu.memory_space<vmem>>
    %dma_wait3A_287 = arith.constant 0 : i32
    %dma_wait3A_288 = tpu.memref_slice %arg17[%dma_wait3A_287] : memref<10240xf32, #tpu.memory_space<vmem_shared>> -> memref<10240xf32, #tpu.memory_space<vmem_shared>>
    tpu.wait_indirect_dma semaphore(%arg22 : memref<!tpu.dma_semaphore, #tpu.memory_space<semaphore_mem>>) src(%dma_wait3A_283 : memref<128xf32, #tpu.memory_space<vmem>>) dst(%dma_wait3A_288 : memref<10240xf32, #tpu.memory_space<vmem_shared>>)
    %rem3A_289 = arith.constant 67 : i32
    %rem3A_290 = arith.constant 16 : i32
    %rem3A_291 = arith.remsi %rem3A_289, %rem3A_290 : i32
    %add3A_292 = arith.constant 67 : i32
    %add3A_293 = arith.addi %sub3A_133, %add3A_292 : i32
    %dma_wait3A_294 = arith.constant 1 : i32
    %dma_wait3A_295 = arith.constant 0 : i32
    %dma_wait3A_296 = arith.constant 0 : i32
    %dma_wait3A_297 = tpu.memref_slice %arg12[%rem3A_291, %dma_wait3A_295, %dma_wait3A_296] : memref<16x128x16xf32, #tpu.memory_space<vmem>> -> memref<1x128x16xf32, #tpu.memory_space<vmem>>
    %dma_wait3A_298 = tpu.memref_squeeze %dma_wait3A_297 : memref<1x128x16xf32, #tpu.memory_space<vmem>> -> memref<128x16xf32, #tpu.memory_space<vmem>>
    %dma_wait3A_299 = arith.constant 0 : i32
    %dma_wait3A_300 = tpu.memref_slice %arg9[%add3A_293, %dma_wait3A_294, %dma_wait3A_299] : memref<159x2x128xi32, #tpu.memory_space<vmem>> -> memref<1x1x128xi32, #tpu.memory_space<vmem>>
    %dma_wait3A_301 = tpu.memref_squeeze %dma_wait3A_300 : memref<1x1x128xi32, #tpu.memory_space<vmem>> -> memref<128xi32, #tpu.memory_space<vmem>>
    %dma_wait3A_302 = arith.constant 0 : i32
    %dma_wait3A_303 = arith.constant 0 : i32
    %dma_wait3A_304 = tpu.memref_slice %arg16[%dma_wait3A_302, %dma_wait3A_303] : memref<10240x16xf32, #tpu.memory_space<vmem_shared>> -> memref<10240x16xf32, #tpu.memory_space<vmem_shared>>
    tpu.wait_indirect_dma semaphore(%arg21 : memref<!tpu.dma_semaphore, #tpu.memory_space<semaphore_mem>>) src(%dma_wait3A_298 : memref<128x16xf32, #tpu.memory_space<vmem>>) dst(%dma_wait3A_304 : memref<10240x16xf32, #tpu.memory_space<vmem_shared>>)
    %dma_wait3A_305 = arith.constant 0 : i32
    %dma_wait3A_306 = arith.constant 0 : i32
    %dma_wait3A_307 = tpu.memref_slice %arg11[%rem3A_291, %dma_wait3A_306] : memref<16x128xf32, #tpu.memory_space<vmem>> -> memref<1x128xf32, #tpu.memory_space<vmem>>
    %dma_wait3A_308 = tpu.memref_squeeze %dma_wait3A_307 : memref<1x128xf32, #tpu.memory_space<vmem>> -> memref<128xf32, #tpu.memory_space<vmem>>
    %dma_wait3A_309 = arith.constant 0 : i32
    %dma_wait3A_310 = tpu.memref_slice %arg9[%add3A_293, %dma_wait3A_305, %dma_wait3A_309] : memref<159x2x128xi32, #tpu.memory_space<vmem>> -> memref<1x1x128xi32, #tpu.memory_space<vmem>>
    %dma_wait3A_311 = tpu.memref_squeeze %dma_wait3A_310 : memref<1x1x128xi32, #tpu.memory_space<vmem>> -> memref<128xi32, #tpu.memory_space<vmem>>
    %dma_wait3A_312 = arith.constant 0 : i32
    %dma_wait3A_313 = tpu.memref_slice %arg17[%dma_wait3A_312] : memref<10240xf32, #tpu.memory_space<vmem_shared>> -> memref<10240xf32, #tpu.memory_space<vmem_shared>>
    tpu.wait_indirect_dma semaphore(%arg22 : memref<!tpu.dma_semaphore, #tpu.memory_space<semaphore_mem>>) src(%dma_wait3A_308 : memref<128xf32, #tpu.memory_space<vmem>>) dst(%dma_wait3A_313 : memref<10240xf32, #tpu.memory_space<vmem_shared>>)
    %rem3A_314 = arith.constant 68 : i32
    %rem3A_315 = arith.constant 16 : i32
    %rem3A_316 = arith.remsi %rem3A_314, %rem3A_315 : i32
    %add3A_317 = arith.constant 68 : i32
    %add3A_318 = arith.addi %sub3A_133, %add3A_317 : i32
    %dma_wait3A_319 = arith.constant 1 : i32
    %dma_wait3A_320 = arith.constant 0 : i32
    %dma_wait3A_321 = arith.constant 0 : i32
    %dma_wait3A_322 = tpu.memref_slice %arg12[%rem3A_316, %dma_wait3A_320, %dma_wait3A_321] : memref<16x128x16xf32, #tpu.memory_space<vmem>> -> memref<1x128x16xf32, #tpu.memory_space<vmem>>
    %dma_wait3A_323 = tpu.memref_squeeze %dma_wait3A_322 : memref<1x128x16xf32, #tpu.memory_space<vmem>> -> memref<128x16xf32, #tpu.memory_space<vmem>>
    %dma_wait3A_324 = arith.constant 0 : i32
    %dma_wait3A_325 = tpu.memref_slice %arg9[%add3A_318, %dma_wait3A_319, %dma_wait3A_324] : memref<159x2x128xi32, #tpu.memory_space<vmem>> -> memref<1x1x128xi32, #tpu.memory_space<vmem>>
    %dma_wait3A_326 = tpu.memref_squeeze %dma_wait3A_325 : memref<1x1x128xi32, #tpu.memory_space<vmem>> -> memref<128xi32, #tpu.memory_space<vmem>>
    %dma_wait3A_327 = arith.constant 0 : i32
    %dma_wait3A_328 = arith.constant 0 : i32
    %dma_wait3A_329 = tpu.memref_slice %arg16[%dma_wait3A_327, %dma_wait3A_328] : memref<10240x16xf32, #tpu.memory_space<vmem_shared>> -> memref<10240x16xf32, #tpu.memory_space<vmem_shared>>
    tpu.wait_indirect_dma semaphore(%arg21 : memref<!tpu.dma_semaphore, #tpu.memory_space<semaphore_mem>>) src(%dma_wait3A_323 : memref<128x16xf32, #tpu.memory_space<vmem>>) dst(%dma_wait3A_329 : memref<10240x16xf32, #tpu.memory_space<vmem_shared>>)
    %dma_wait3A_330 = arith.constant 0 : i32
    %dma_wait3A_331 = arith.constant 0 : i32
    %dma_wait3A_332 = tpu.memref_slice %arg11[%rem3A_316, %dma_wait3A_331] : memref<16x128xf32, #tpu.memory_space<vmem>> -> memref<1x128xf32, #tpu.memory_space<vmem>>
    %dma_wait3A_333 = tpu.memref_squeeze %dma_wait3A_332 : memref<1x128xf32, #tpu.memory_space<vmem>> -> memref<128xf32, #tpu.memory_space<vmem>>
    %dma_wait3A_334 = arith.constant 0 : i32
    %dma_wait3A_335 = tpu.memref_slice %arg9[%add3A_318, %dma_wait3A_330, %dma_wait3A_334] : memref<159x2x128xi32, #tpu.memory_space<vmem>> -> memref<1x1x128xi32, #tpu.memory_space<vmem>>
    %dma_wait3A_336 = tpu.memref_squeeze %dma_wait3A_335 : memref<1x1x128xi32, #tpu.memory_space<vmem>> -> memref<128xi32, #tpu.memory_space<vmem>>
    %dma_wait3A_337 = arith.constant 0 : i32
    %dma_wait3A_338 = tpu.memref_slice %arg17[%dma_wait3A_337] : memref<10240xf32, #tpu.memory_space<vmem_shared>> -> memref<10240xf32, #tpu.memory_space<vmem_shared>>
    tpu.wait_indirect_dma semaphore(%arg22 : memref<!tpu.dma_semaphore, #tpu.memory_space<semaphore_mem>>) src(%dma_wait3A_333 : memref<128xf32, #tpu.memory_space<vmem>>) dst(%dma_wait3A_338 : memref<10240xf32, #tpu.memory_space<vmem_shared>>)
    %rem3A_339 = arith.constant 69 : i32
    %rem3A_340 = arith.constant 16 : i32
    %rem3A_341 = arith.remsi %rem3A_339, %rem3A_340 : i32
    %add3A_342 = arith.constant 69 : i32
    %add3A_343 = arith.addi %sub3A_133, %add3A_342 : i32
    %dma_wait3A_344 = arith.constant 1 : i32
    %dma_wait3A_345 = arith.constant 0 : i32
    %dma_wait3A_346 = arith.constant 0 : i32
    %dma_wait3A_347 = tpu.memref_slice %arg12[%rem3A_341, %dma_wait3A_345, %dma_wait3A_346] : memref<16x128x16xf32, #tpu.memory_space<vmem>> -> memref<1x128x16xf32, #tpu.memory_space<vmem>>
    %dma_wait3A_348 = tpu.memref_squeeze %dma_wait3A_347 : memref<1x128x16xf32, #tpu.memory_space<vmem>> -> memref<128x16xf32, #tpu.memory_space<vmem>>
    %dma_wait3A_349 = arith.constant 0 : i32
    %dma_wait3A_350 = tpu.memref_slice %arg9[%add3A_343, %dma_wait3A_344, %dma_wait3A_349] : memref<159x2x128xi32, #tpu.memory_space<vmem>> -> memref<1x1x128xi32, #tpu.memory_space<vmem>>
    %dma_wait3A_351 = tpu.memref_squeeze %dma_wait3A_350 : memref<1x1x128xi32, #tpu.memory_space<vmem>> -> memref<128xi32, #tpu.memory_space<vmem>>
    %dma_wait3A_352 = arith.constant 0 : i32
    %dma_wait3A_353 = arith.constant 0 : i32
    %dma_wait3A_354 = tpu.memref_slice %arg16[%dma_wait3A_352, %dma_wait3A_353] : memref<10240x16xf32, #tpu.memory_space<vmem_shared>> -> memref<10240x16xf32, #tpu.memory_space<vmem_shared>>
    tpu.wait_indirect_dma semaphore(%arg21 : memref<!tpu.dma_semaphore, #tpu.memory_space<semaphore_mem>>) src(%dma_wait3A_348 : memref<128x16xf32, #tpu.memory_space<vmem>>) dst(%dma_wait3A_354 : memref<10240x16xf32, #tpu.memory_space<vmem_shared>>)
    %dma_wait3A_355 = arith.constant 0 : i32
    %dma_wait3A_356 = arith.constant 0 : i32
    %dma_wait3A_357 = tpu.memref_slice %arg11[%rem3A_341, %dma_wait3A_356] : memref<16x128xf32, #tpu.memory_space<vmem>> -> memref<1x128xf32, #tpu.memory_space<vmem>>
    %dma_wait3A_358 = tpu.memref_squeeze %dma_wait3A_357 : memref<1x128xf32, #tpu.memory_space<vmem>> -> memref<128xf32, #tpu.memory_space<vmem>>
    %dma_wait3A_359 = arith.constant 0 : i32
    %dma_wait3A_360 = tpu.memref_slice %arg9[%add3A_343, %dma_wait3A_355, %dma_wait3A_359] : memref<159x2x128xi32, #tpu.memory_space<vmem>> -> memref<1x1x128xi32, #tpu.memory_space<vmem>>
    %dma_wait3A_361 = tpu.memref_squeeze %dma_wait3A_360 : memref<1x1x128xi32, #tpu.memory_space<vmem>> -> memref<128xi32, #tpu.memory_space<vmem>>
    %dma_wait3A_362 = arith.constant 0 : i32
    %dma_wait3A_363 = tpu.memref_slice %arg17[%dma_wait3A_362] : memref<10240xf32, #tpu.memory_space<vmem_shared>> -> memref<10240xf32, #tpu.memory_space<vmem_shared>>
    tpu.wait_indirect_dma semaphore(%arg22 : memref<!tpu.dma_semaphore, #tpu.memory_space<semaphore_mem>>) src(%dma_wait3A_358 : memref<128xf32, #tpu.memory_space<vmem>>) dst(%dma_wait3A_363 : memref<10240xf32, #tpu.memory_space<vmem_shared>>)
    %rem3A_364 = arith.constant 70 : i32
    %rem3A_365 = arith.constant 16 : i32
    %rem3A_366 = arith.remsi %rem3A_364, %rem3A_365 : i32
    %add3A_367 = arith.constant 70 : i32
    %add3A_368 = arith.addi %sub3A_133, %add3A_367 : i32
    %dma_wait3A_369 = arith.constant 1 : i32
    %dma_wait3A_370 = arith.constant 0 : i32
    %dma_wait3A_371 = arith.constant 0 : i32
    %dma_wait3A_372 = tpu.memref_slice %arg12[%rem3A_366, %dma_wait3A_370, %dma_wait3A_371] : memref<16x128x16xf32, #tpu.memory_space<vmem>> -> memref<1x128x16xf32, #tpu.memory_space<vmem>>
    %dma_wait3A_373 = tpu.memref_squeeze %dma_wait3A_372 : memref<1x128x16xf32, #tpu.memory_space<vmem>> -> memref<128x16xf32, #tpu.memory_space<vmem>>
    %dma_wait3A_374 = arith.constant 0 : i32
    %dma_wait3A_375 = tpu.memref_slice %arg9[%add3A_368, %dma_wait3A_369, %dma_wait3A_374] : memref<159x2x128xi32, #tpu.memory_space<vmem>> -> memref<1x1x128xi32, #tpu.memory_space<vmem>>
    %dma_wait3A_376 = tpu.memref_squeeze %dma_wait3A_375 : memref<1x1x128xi32, #tpu.memory_space<vmem>> -> memref<128xi32, #tpu.memory_space<vmem>>
    %dma_wait3A_377 = arith.constant 0 : i32
    %dma_wait3A_378 = arith.constant 0 : i32
    %dma_wait3A_379 = tpu.memref_slice %arg16[%dma_wait3A_377, %dma_wait3A_378] : memref<10240x16xf32, #tpu.memory_space<vmem_shared>> -> memref<10240x16xf32, #tpu.memory_space<vmem_shared>>
    tpu.wait_indirect_dma semaphore(%arg21 : memref<!tpu.dma_semaphore, #tpu.memory_space<semaphore_mem>>) src(%dma_wait3A_373 : memref<128x16xf32, #tpu.memory_space<vmem>>) dst(%dma_wait3A_379 : memref<10240x16xf32, #tpu.memory_space<vmem_shared>>)
    %dma_wait3A_380 = arith.constant 0 : i32
    %dma_wait3A_381 = arith.constant 0 : i32
    %dma_wait3A_382 = tpu.memref_slice %arg11[%rem3A_366, %dma_wait3A_381] : memref<16x128xf32, #tpu.memory_space<vmem>> -> memref<1x128xf32, #tpu.memory_space<vmem>>
    %dma_wait3A_383 = tpu.memref_squeeze %dma_wait3A_382 : memref<1x128xf32, #tpu.memory_space<vmem>> -> memref<128xf32, #tpu.memory_space<vmem>>
    %dma_wait3A_384 = arith.constant 0 : i32
    %dma_wait3A_385 = tpu.memref_slice %arg9[%add3A_368, %dma_wait3A_380, %dma_wait3A_384] : memref<159x2x128xi32, #tpu.memory_space<vmem>> -> memref<1x1x128xi32, #tpu.memory_space<vmem>>
    %dma_wait3A_386 = tpu.memref_squeeze %dma_wait3A_385 : memref<1x1x128xi32, #tpu.memory_space<vmem>> -> memref<128xi32, #tpu.memory_space<vmem>>
    %dma_wait3A_387 = arith.constant 0 : i32
    %dma_wait3A_388 = tpu.memref_slice %arg17[%dma_wait3A_387] : memref<10240xf32, #tpu.memory_space<vmem_shared>> -> memref<10240xf32, #tpu.memory_space<vmem_shared>>
    tpu.wait_indirect_dma semaphore(%arg22 : memref<!tpu.dma_semaphore, #tpu.memory_space<semaphore_mem>>) src(%dma_wait3A_383 : memref<128xf32, #tpu.memory_space<vmem>>) dst(%dma_wait3A_388 : memref<10240xf32, #tpu.memory_space<vmem_shared>>)
    %rem3A_389 = arith.constant 71 : i32
    %rem3A_390 = arith.constant 16 : i32
    %rem3A_391 = arith.remsi %rem3A_389, %rem3A_390 : i32
    %add3A_392 = arith.constant 71 : i32
    %add3A_393 = arith.addi %sub3A_133, %add3A_392 : i32
    %dma_wait3A_394 = arith.constant 1 : i32
    %dma_wait3A_395 = arith.constant 0 : i32
    %dma_wait3A_396 = arith.constant 0 : i32
    %dma_wait3A_397 = tpu.memref_slice %arg12[%rem3A_391, %dma_wait3A_395, %dma_wait3A_396] : memref<16x128x16xf32, #tpu.memory_space<vmem>> -> memref<1x128x16xf32, #tpu.memory_space<vmem>>
    %dma_wait3A_398 = tpu.memref_squeeze %dma_wait3A_397 : memref<1x128x16xf32, #tpu.memory_space<vmem>> -> memref<128x16xf32, #tpu.memory_space<vmem>>
    %dma_wait3A_399 = arith.constant 0 : i32
    %dma_wait3A_400 = tpu.memref_slice %arg9[%add3A_393, %dma_wait3A_394, %dma_wait3A_399] : memref<159x2x128xi32, #tpu.memory_space<vmem>> -> memref<1x1x128xi32, #tpu.memory_space<vmem>>
    %dma_wait3A_401 = tpu.memref_squeeze %dma_wait3A_400 : memref<1x1x128xi32, #tpu.memory_space<vmem>> -> memref<128xi32, #tpu.memory_space<vmem>>
    %dma_wait3A_402 = arith.constant 0 : i32
    %dma_wait3A_403 = arith.constant 0 : i32
    %dma_wait3A_404 = tpu.memref_slice %arg16[%dma_wait3A_402, %dma_wait3A_403] : memref<10240x16xf32, #tpu.memory_space<vmem_shared>> -> memref<10240x16xf32, #tpu.memory_space<vmem_shared>>
    tpu.wait_indirect_dma semaphore(%arg21 : memref<!tpu.dma_semaphore, #tpu.memory_space<semaphore_mem>>) src(%dma_wait3A_398 : memref<128x16xf32, #tpu.memory_space<vmem>>) dst(%dma_wait3A_404 : memref<10240x16xf32, #tpu.memory_space<vmem_shared>>)
    %dma_wait3A_405 = arith.constant 0 : i32
    %dma_wait3A_406 = arith.constant 0 : i32
    %dma_wait3A_407 = tpu.memref_slice %arg11[%rem3A_391, %dma_wait3A_406] : memref<16x128xf32, #tpu.memory_space<vmem>> -> memref<1x128xf32, #tpu.memory_space<vmem>>
    %dma_wait3A_408 = tpu.memref_squeeze %dma_wait3A_407 : memref<1x128xf32, #tpu.memory_space<vmem>> -> memref<128xf32, #tpu.memory_space<vmem>>
    %dma_wait3A_409 = arith.constant 0 : i32
    %dma_wait3A_410 = tpu.memref_slice %arg9[%add3A_393, %dma_wait3A_405, %dma_wait3A_409] : memref<159x2x128xi32, #tpu.memory_space<vmem>> -> memref<1x1x128xi32, #tpu.memory_space<vmem>>
    %dma_wait3A_411 = tpu.memref_squeeze %dma_wait3A_410 : memref<1x1x128xi32, #tpu.memory_space<vmem>> -> memref<128xi32, #tpu.memory_space<vmem>>
    %dma_wait3A_412 = arith.constant 0 : i32
    %dma_wait3A_413 = tpu.memref_slice %arg17[%dma_wait3A_412] : memref<10240xf32, #tpu.memory_space<vmem_shared>> -> memref<10240xf32, #tpu.memory_space<vmem_shared>>
    tpu.wait_indirect_dma semaphore(%arg22 : memref<!tpu.dma_semaphore, #tpu.memory_space<semaphore_mem>>) src(%dma_wait3A_408 : memref<128xf32, #tpu.memory_space<vmem>>) dst(%dma_wait3A_413 : memref<10240xf32, #tpu.memory_space<vmem_shared>>)
    %rem3A_414 = arith.constant 72 : i32
    %rem3A_415 = arith.constant 16 : i32
    %rem3A_416 = arith.remsi %rem3A_414, %rem3A_415 : i32
    %add3A_417 = arith.constant 72 : i32
    %add3A_418 = arith.addi %sub3A_133, %add3A_417 : i32
    %dma_wait3A_419 = arith.constant 1 : i32
    %dma_wait3A_420 = arith.constant 0 : i32
    %dma_wait3A_421 = arith.constant 0 : i32
    %dma_wait3A_422 = tpu.memref_slice %arg12[%rem3A_416, %dma_wait3A_420, %dma_wait3A_421] : memref<16x128x16xf32, #tpu.memory_space<vmem>> -> memref<1x128x16xf32, #tpu.memory_space<vmem>>
    %dma_wait3A_423 = tpu.memref_squeeze %dma_wait3A_422 : memref<1x128x16xf32, #tpu.memory_space<vmem>> -> memref<128x16xf32, #tpu.memory_space<vmem>>
    %dma_wait3A_424 = arith.constant 0 : i32
    %dma_wait3A_425 = tpu.memref_slice %arg9[%add3A_418, %dma_wait3A_419, %dma_wait3A_424] : memref<159x2x128xi32, #tpu.memory_space<vmem>> -> memref<1x1x128xi32, #tpu.memory_space<vmem>>
    %dma_wait3A_426 = tpu.memref_squeeze %dma_wait3A_425 : memref<1x1x128xi32, #tpu.memory_space<vmem>> -> memref<128xi32, #tpu.memory_space<vmem>>
    %dma_wait3A_427 = arith.constant 0 : i32
    %dma_wait3A_428 = arith.constant 0 : i32
    %dma_wait3A_429 = tpu.memref_slice %arg16[%dma_wait3A_427, %dma_wait3A_428] : memref<10240x16xf32, #tpu.memory_space<vmem_shared>> -> memref<10240x16xf32, #tpu.memory_space<vmem_shared>>
    tpu.wait_indirect_dma semaphore(%arg21 : memref<!tpu.dma_semaphore, #tpu.memory_space<semaphore_mem>>) src(%dma_wait3A_423 : memref<128x16xf32, #tpu.memory_space<vmem>>) dst(%dma_wait3A_429 : memref<10240x16xf32, #tpu.memory_space<vmem_shared>>)
    %dma_wait3A_430 = arith.constant 0 : i32
    %dma_wait3A_431 = arith.constant 0 : i32
    %dma_wait3A_432 = tpu.memref_slice %arg11[%rem3A_416, %dma_wait3A_431] : memref<16x128xf32, #tpu.memory_space<vmem>> -> memref<1x128xf32, #tpu.memory_space<vmem>>
    %dma_wait3A_433 = tpu.memref_squeeze %dma_wait3A_432 : memref<1x128xf32, #tpu.memory_space<vmem>> -> memref<128xf32, #tpu.memory_space<vmem>>
    %dma_wait3A_434 = arith.constant 0 : i32
    %dma_wait3A_435 = tpu.memref_slice %arg9[%add3A_418, %dma_wait3A_430, %dma_wait3A_434] : memref<159x2x128xi32, #tpu.memory_space<vmem>> -> memref<1x1x128xi32, #tpu.memory_space<vmem>>
    %dma_wait3A_436 = tpu.memref_squeeze %dma_wait3A_435 : memref<1x1x128xi32, #tpu.memory_space<vmem>> -> memref<128xi32, #tpu.memory_space<vmem>>
    %dma_wait3A_437 = arith.constant 0 : i32
    %dma_wait3A_438 = tpu.memref_slice %arg17[%dma_wait3A_437] : memref<10240xf32, #tpu.memory_space<vmem_shared>> -> memref<10240xf32, #tpu.memory_space<vmem_shared>>
    tpu.wait_indirect_dma semaphore(%arg22 : memref<!tpu.dma_semaphore, #tpu.memory_space<semaphore_mem>>) src(%dma_wait3A_433 : memref<128xf32, #tpu.memory_space<vmem>>) dst(%dma_wait3A_438 : memref<10240xf32, #tpu.memory_space<vmem_shared>>)
    %rem3A_439 = arith.constant 73 : i32
    %rem3A_440 = arith.constant 16 : i32
    %rem3A_441 = arith.remsi %rem3A_439, %rem3A_440 : i32
    %add3A_442 = arith.constant 73 : i32
    %add3A_443 = arith.addi %sub3A_133, %add3A_442 : i32
    %dma_wait3A_444 = arith.constant 1 : i32
    %dma_wait3A_445 = arith.constant 0 : i32
    %dma_wait3A_446 = arith.constant 0 : i32
    %dma_wait3A_447 = tpu.memref_slice %arg12[%rem3A_441, %dma_wait3A_445, %dma_wait3A_446] : memref<16x128x16xf32, #tpu.memory_space<vmem>> -> memref<1x128x16xf32, #tpu.memory_space<vmem>>
    %dma_wait3A_448 = tpu.memref_squeeze %dma_wait3A_447 : memref<1x128x16xf32, #tpu.memory_space<vmem>> -> memref<128x16xf32, #tpu.memory_space<vmem>>
    %dma_wait3A_449 = arith.constant 0 : i32
    %dma_wait3A_450 = tpu.memref_slice %arg9[%add3A_443, %dma_wait3A_444, %dma_wait3A_449] : memref<159x2x128xi32, #tpu.memory_space<vmem>> -> memref<1x1x128xi32, #tpu.memory_space<vmem>>
    %dma_wait3A_451 = tpu.memref_squeeze %dma_wait3A_450 : memref<1x1x128xi32, #tpu.memory_space<vmem>> -> memref<128xi32, #tpu.memory_space<vmem>>
    %dma_wait3A_452 = arith.constant 0 : i32
    %dma_wait3A_453 = arith.constant 0 : i32
    %dma_wait3A_454 = tpu.memref_slice %arg16[%dma_wait3A_452, %dma_wait3A_453] : memref<10240x16xf32, #tpu.memory_space<vmem_shared>> -> memref<10240x16xf32, #tpu.memory_space<vmem_shared>>
    tpu.wait_indirect_dma semaphore(%arg21 : memref<!tpu.dma_semaphore, #tpu.memory_space<semaphore_mem>>) src(%dma_wait3A_448 : memref<128x16xf32, #tpu.memory_space<vmem>>) dst(%dma_wait3A_454 : memref<10240x16xf32, #tpu.memory_space<vmem_shared>>)
    %dma_wait3A_455 = arith.constant 0 : i32
    %dma_wait3A_456 = arith.constant 0 : i32
    %dma_wait3A_457 = tpu.memref_slice %arg11[%rem3A_441, %dma_wait3A_456] : memref<16x128xf32, #tpu.memory_space<vmem>> -> memref<1x128xf32, #tpu.memory_space<vmem>>
    %dma_wait3A_458 = tpu.memref_squeeze %dma_wait3A_457 : memref<1x128xf32, #tpu.memory_space<vmem>> -> memref<128xf32, #tpu.memory_space<vmem>>
    %dma_wait3A_459 = arith.constant 0 : i32
    %dma_wait3A_460 = tpu.memref_slice %arg9[%add3A_443, %dma_wait3A_455, %dma_wait3A_459] : memref<159x2x128xi32, #tpu.memory_space<vmem>> -> memref<1x1x128xi32, #tpu.memory_space<vmem>>
    %dma_wait3A_461 = tpu.memref_squeeze %dma_wait3A_460 : memref<1x1x128xi32, #tpu.memory_space<vmem>> -> memref<128xi32, #tpu.memory_space<vmem>>
    %dma_wait3A_462 = arith.constant 0 : i32
    %dma_wait3A_463 = tpu.memref_slice %arg17[%dma_wait3A_462] : memref<10240xf32, #tpu.memory_space<vmem_shared>> -> memref<10240xf32, #tpu.memory_space<vmem_shared>>
    tpu.wait_indirect_dma semaphore(%arg22 : memref<!tpu.dma_semaphore, #tpu.memory_space<semaphore_mem>>) src(%dma_wait3A_458 : memref<128xf32, #tpu.memory_space<vmem>>) dst(%dma_wait3A_463 : memref<10240xf32, #tpu.memory_space<vmem_shared>>)
    %rem3A_464 = arith.constant 74 : i32
    %rem3A_465 = arith.constant 16 : i32
    %rem3A_466 = arith.remsi %rem3A_464, %rem3A_465 : i32
    %add3A_467 = arith.constant 74 : i32
    %add3A_468 = arith.addi %sub3A_133, %add3A_467 : i32
    %dma_wait3A_469 = arith.constant 1 : i32
    %dma_wait3A_470 = arith.constant 0 : i32
    %dma_wait3A_471 = arith.constant 0 : i32
    %dma_wait3A_472 = tpu.memref_slice %arg12[%rem3A_466, %dma_wait3A_470, %dma_wait3A_471] : memref<16x128x16xf32, #tpu.memory_space<vmem>> -> memref<1x128x16xf32, #tpu.memory_space<vmem>>
    %dma_wait3A_473 = tpu.memref_squeeze %dma_wait3A_472 : memref<1x128x16xf32, #tpu.memory_space<vmem>> -> memref<128x16xf32, #tpu.memory_space<vmem>>
    %dma_wait3A_474 = arith.constant 0 : i32
    %dma_wait3A_475 = tpu.memref_slice %arg9[%add3A_468, %dma_wait3A_469, %dma_wait3A_474] : memref<159x2x128xi32, #tpu.memory_space<vmem>> -> memref<1x1x128xi32, #tpu.memory_space<vmem>>
    %dma_wait3A_476 = tpu.memref_squeeze %dma_wait3A_475 : memref<1x1x128xi32, #tpu.memory_space<vmem>> -> memref<128xi32, #tpu.memory_space<vmem>>
    %dma_wait3A_477 = arith.constant 0 : i32
    %dma_wait3A_478 = arith.constant 0 : i32
    %dma_wait3A_479 = tpu.memref_slice %arg16[%dma_wait3A_477, %dma_wait3A_478] : memref<10240x16xf32, #tpu.memory_space<vmem_shared>> -> memref<10240x16xf32, #tpu.memory_space<vmem_shared>>
    tpu.wait_indirect_dma semaphore(%arg21 : memref<!tpu.dma_semaphore, #tpu.memory_space<semaphore_mem>>) src(%dma_wait3A_473 : memref<128x16xf32, #tpu.memory_space<vmem>>) dst(%dma_wait3A_479 : memref<10240x16xf32, #tpu.memory_space<vmem_shared>>)
    %dma_wait3A_480 = arith.constant 0 : i32
    %dma_wait3A_481 = arith.constant 0 : i32
    %dma_wait3A_482 = tpu.memref_slice %arg11[%rem3A_466, %dma_wait3A_481] : memref<16x128xf32, #tpu.memory_space<vmem>> -> memref<1x128xf32, #tpu.memory_space<vmem>>
    %dma_wait3A_483 = tpu.memref_squeeze %dma_wait3A_482 : memref<1x128xf32, #tpu.memory_space<vmem>> -> memref<128xf32, #tpu.memory_space<vmem>>
    %dma_wait3A_484 = arith.constant 0 : i32
    %dma_wait3A_485 = tpu.memref_slice %arg9[%add3A_468, %dma_wait3A_480, %dma_wait3A_484] : memref<159x2x128xi32, #tpu.memory_space<vmem>> -> memref<1x1x128xi32, #tpu.memory_space<vmem>>
    %dma_wait3A_486 = tpu.memref_squeeze %dma_wait3A_485 : memref<1x1x128xi32, #tpu.memory_space<vmem>> -> memref<128xi32, #tpu.memory_space<vmem>>
    %dma_wait3A_487 = arith.constant 0 : i32
    %dma_wait3A_488 = tpu.memref_slice %arg17[%dma_wait3A_487] : memref<10240xf32, #tpu.memory_space<vmem_shared>> -> memref<10240xf32, #tpu.memory_space<vmem_shared>>
    tpu.wait_indirect_dma semaphore(%arg22 : memref<!tpu.dma_semaphore, #tpu.memory_space<semaphore_mem>>) src(%dma_wait3A_483 : memref<128xf32, #tpu.memory_space<vmem>>) dst(%dma_wait3A_488 : memref<10240xf32, #tpu.memory_space<vmem_shared>>)
    %rem3A_489 = arith.constant 75 : i32
    %rem3A_490 = arith.constant 16 : i32
    %rem3A_491 = arith.remsi %rem3A_489, %rem3A_490 : i32
    %add3A_492 = arith.constant 75 : i32
    %add3A_493 = arith.addi %sub3A_133, %add3A_492 : i32
    %dma_wait3A_494 = arith.constant 1 : i32
    %dma_wait3A_495 = arith.constant 0 : i32
    %dma_wait3A_496 = arith.constant 0 : i32
    %dma_wait3A_497 = tpu.memref_slice %arg12[%rem3A_491, %dma_wait3A_495, %dma_wait3A_496] : memref<16x128x16xf32, #tpu.memory_space<vmem>> -> memref<1x128x16xf32, #tpu.memory_space<vmem>>
    %dma_wait3A_498 = tpu.memref_squeeze %dma_wait3A_497 : memref<1x128x16xf32, #tpu.memory_space<vmem>> -> memref<128x16xf32, #tpu.memory_space<vmem>>
    %dma_wait3A_499 = arith.constant 0 : i32
    %dma_wait3A_500 = tpu.memref_slice %arg9[%add3A_493, %dma_wait3A_494, %dma_wait3A_499] : memref<159x2x128xi32, #tpu.memory_space<vmem>> -> memref<1x1x128xi32, #tpu.memory_space<vmem>>
    %dma_wait3A_501 = tpu.memref_squeeze %dma_wait3A_500 : memref<1x1x128xi32, #tpu.memory_space<vmem>> -> memref<128xi32, #tpu.memory_space<vmem>>
    %dma_wait3A_502 = arith.constant 0 : i32
    %dma_wait3A_503 = arith.constant 0 : i32
    %dma_wait3A_504 = tpu.memref_slice %arg16[%dma_wait3A_502, %dma_wait3A_503] : memref<10240x16xf32, #tpu.memory_space<vmem_shared>> -> memref<10240x16xf32, #tpu.memory_space<vmem_shared>>
    tpu.wait_indirect_dma semaphore(%arg21 : memref<!tpu.dma_semaphore, #tpu.memory_space<semaphore_mem>>) src(%dma_wait3A_498 : memref<128x16xf32, #tpu.memory_space<vmem>>) dst(%dma_wait3A_504 : memref<10240x16xf32, #tpu.memory_space<vmem_shared>>)
    %dma_wait3A_505 = arith.constant 0 : i32
    %dma_wait3A_506 = arith.constant 0 : i32
    %dma_wait3A_507 = tpu.memref_slice %arg11[%rem3A_491, %dma_wait3A_506] : memref<16x128xf32, #tpu.memory_space<vmem>> -> memref<1x128xf32, #tpu.memory_space<vmem>>
    %dma_wait3A_508 = tpu.memref_squeeze %dma_wait3A_507 : memref<1x128xf32, #tpu.memory_space<vmem>> -> memref<128xf32, #tpu.memory_space<vmem>>
    %dma_wait3A_509 = arith.constant 0 : i32
    %dma_wait3A_510 = tpu.memref_slice %arg9[%add3A_493, %dma_wait3A_505, %dma_wait3A_509] : memref<159x2x128xi32, #tpu.memory_space<vmem>> -> memref<1x1x128xi32, #tpu.memory_space<vmem>>
    %dma_wait3A_511 = tpu.memref_squeeze %dma_wait3A_510 : memref<1x1x128xi32, #tpu.memory_space<vmem>> -> memref<128xi32, #tpu.memory_space<vmem>>
    %dma_wait3A_512 = arith.constant 0 : i32
    %dma_wait3A_513 = tpu.memref_slice %arg17[%dma_wait3A_512] : memref<10240xf32, #tpu.memory_space<vmem_shared>> -> memref<10240xf32, #tpu.memory_space<vmem_shared>>
    tpu.wait_indirect_dma semaphore(%arg22 : memref<!tpu.dma_semaphore, #tpu.memory_space<semaphore_mem>>) src(%dma_wait3A_508 : memref<128xf32, #tpu.memory_space<vmem>>) dst(%dma_wait3A_513 : memref<10240xf32, #tpu.memory_space<vmem_shared>>)
    %rem3A_514 = arith.constant 76 : i32
    %rem3A_515 = arith.constant 16 : i32
    %rem3A_516 = arith.remsi %rem3A_514, %rem3A_515 : i32
    %add3A_517 = arith.constant 76 : i32
    %add3A_518 = arith.addi %sub3A_133, %add3A_517 : i32
    %dma_wait3A_519 = arith.constant 1 : i32
    %dma_wait3A_520 = arith.constant 0 : i32
    %dma_wait3A_521 = arith.constant 0 : i32
    %dma_wait3A_522 = tpu.memref_slice %arg12[%rem3A_516, %dma_wait3A_520, %dma_wait3A_521] : memref<16x128x16xf32, #tpu.memory_space<vmem>> -> memref<1x128x16xf32, #tpu.memory_space<vmem>>
    %dma_wait3A_523 = tpu.memref_squeeze %dma_wait3A_522 : memref<1x128x16xf32, #tpu.memory_space<vmem>> -> memref<128x16xf32, #tpu.memory_space<vmem>>
    %dma_wait3A_524 = arith.constant 0 : i32
    %dma_wait3A_525 = tpu.memref_slice %arg9[%add3A_518, %dma_wait3A_519, %dma_wait3A_524] : memref<159x2x128xi32, #tpu.memory_space<vmem>> -> memref<1x1x128xi32, #tpu.memory_space<vmem>>
    %dma_wait3A_526 = tpu.memref_squeeze %dma_wait3A_525 : memref<1x1x128xi32, #tpu.memory_space<vmem>> -> memref<128xi32, #tpu.memory_space<vmem>>
    %dma_wait3A_527 = arith.constant 0 : i32
    %dma_wait3A_528 = arith.constant 0 : i32
    %dma_wait3A_529 = tpu.memref_slice %arg16[%dma_wait3A_527, %dma_wait3A_528] : memref<10240x16xf32, #tpu.memory_space<vmem_shared>> -> memref<10240x16xf32, #tpu.memory_space<vmem_shared>>
    tpu.wait_indirect_dma semaphore(%arg21 : memref<!tpu.dma_semaphore, #tpu.memory_space<semaphore_mem>>) src(%dma_wait3A_523 : memref<128x16xf32, #tpu.memory_space<vmem>>) dst(%dma_wait3A_529 : memref<10240x16xf32, #tpu.memory_space<vmem_shared>>)
    %dma_wait3A_530 = arith.constant 0 : i32
    %dma_wait3A_531 = arith.constant 0 : i32
    %dma_wait3A_532 = tpu.memref_slice %arg11[%rem3A_516, %dma_wait3A_531] : memref<16x128xf32, #tpu.memory_space<vmem>> -> memref<1x128xf32, #tpu.memory_space<vmem>>
    %dma_wait3A_533 = tpu.memref_squeeze %dma_wait3A_532 : memref<1x128xf32, #tpu.memory_space<vmem>> -> memref<128xf32, #tpu.memory_space<vmem>>
    %dma_wait3A_534 = arith.constant 0 : i32
    %dma_wait3A_535 = tpu.memref_slice %arg9[%add3A_518, %dma_wait3A_530, %dma_wait3A_534] : memref<159x2x128xi32, #tpu.memory_space<vmem>> -> memref<1x1x128xi32, #tpu.memory_space<vmem>>
    %dma_wait3A_536 = tpu.memref_squeeze %dma_wait3A_535 : memref<1x1x128xi32, #tpu.memory_space<vmem>> -> memref<128xi32, #tpu.memory_space<vmem>>
    %dma_wait3A_537 = arith.constant 0 : i32
    %dma_wait3A_538 = tpu.memref_slice %arg17[%dma_wait3A_537] : memref<10240xf32, #tpu.memory_space<vmem_shared>> -> memref<10240xf32, #tpu.memory_space<vmem_shared>>
    tpu.wait_indirect_dma semaphore(%arg22 : memref<!tpu.dma_semaphore, #tpu.memory_space<semaphore_mem>>) src(%dma_wait3A_533 : memref<128xf32, #tpu.memory_space<vmem>>) dst(%dma_wait3A_538 : memref<10240xf32, #tpu.memory_space<vmem_shared>>)
    %rem3A_539 = arith.constant 77 : i32
    %rem3A_540 = arith.constant 16 : i32
    %rem3A_541 = arith.remsi %rem3A_539, %rem3A_540 : i32
    %add3A_542 = arith.constant 77 : i32
    %add3A_543 = arith.addi %sub3A_133, %add3A_542 : i32
    %dma_wait3A_544 = arith.constant 1 : i32
    %dma_wait3A_545 = arith.constant 0 : i32
    %dma_wait3A_546 = arith.constant 0 : i32
    %dma_wait3A_547 = tpu.memref_slice %arg12[%rem3A_541, %dma_wait3A_545, %dma_wait3A_546] : memref<16x128x16xf32, #tpu.memory_space<vmem>> -> memref<1x128x16xf32, #tpu.memory_space<vmem>>
    %dma_wait3A_548 = tpu.memref_squeeze %dma_wait3A_547 : memref<1x128x16xf32, #tpu.memory_space<vmem>> -> memref<128x16xf32, #tpu.memory_space<vmem>>
    %dma_wait3A_549 = arith.constant 0 : i32
    %dma_wait3A_550 = tpu.memref_slice %arg9[%add3A_543, %dma_wait3A_544, %dma_wait3A_549] : memref<159x2x128xi32, #tpu.memory_space<vmem>> -> memref<1x1x128xi32, #tpu.memory_space<vmem>>
    %dma_wait3A_551 = tpu.memref_squeeze %dma_wait3A_550 : memref<1x1x128xi32, #tpu.memory_space<vmem>> -> memref<128xi32, #tpu.memory_space<vmem>>
    %dma_wait3A_552 = arith.constant 0 : i32
    %dma_wait3A_553 = arith.constant 0 : i32
    %dma_wait3A_554 = tpu.memref_slice %arg16[%dma_wait3A_552, %dma_wait3A_553] : memref<10240x16xf32, #tpu.memory_space<vmem_shared>> -> memref<10240x16xf32, #tpu.memory_space<vmem_shared>>
    tpu.wait_indirect_dma semaphore(%arg21 : memref<!tpu.dma_semaphore, #tpu.memory_space<semaphore_mem>>) src(%dma_wait3A_548 : memref<128x16xf32, #tpu.memory_space<vmem>>) dst(%dma_wait3A_554 : memref<10240x16xf32, #tpu.memory_space<vmem_shared>>)
    %dma_wait3A_555 = arith.constant 0 : i32
    %dma_wait3A_556 = arith.constant 0 : i32
    %dma_wait3A_557 = tpu.memref_slice %arg11[%rem3A_541, %dma_wait3A_556] : memref<16x128xf32, #tpu.memory_space<vmem>> -> memref<1x128xf32, #tpu.memory_space<vmem>>
    %dma_wait3A_558 = tpu.memref_squeeze %dma_wait3A_557 : memref<1x128xf32, #tpu.memory_space<vmem>> -> memref<128xf32, #tpu.memory_space<vmem>>
    %dma_wait3A_559 = arith.constant 0 : i32
    %dma_wait3A_560 = tpu.memref_slice %arg9[%add3A_543, %dma_wait3A_555, %dma_wait3A_559] : memref<159x2x128xi32, #tpu.memory_space<vmem>> -> memref<1x1x128xi32, #tpu.memory_space<vmem>>
    %dma_wait3A_561 = tpu.memref_squeeze %dma_wait3A_560 : memref<1x1x128xi32, #tpu.memory_space<vmem>> -> memref<128xi32, #tpu.memory_space<vmem>>
    %dma_wait3A_562 = arith.constant 0 : i32
    %dma_wait3A_563 = tpu.memref_slice %arg17[%dma_wait3A_562] : memref<10240xf32, #tpu.memory_space<vmem_shared>> -> memref<10240xf32, #tpu.memory_space<vmem_shared>>
    tpu.wait_indirect_dma semaphore(%arg22 : memref<!tpu.dma_semaphore, #tpu.memory_space<semaphore_mem>>) src(%dma_wait3A_558 : memref<128xf32, #tpu.memory_space<vmem>>) dst(%dma_wait3A_563 : memref<10240xf32, #tpu.memory_space<vmem_shared>>)
    %rem3A_564 = arith.constant 78 : i32
    %rem3A_565 = arith.constant 16 : i32
    %rem3A_566 = arith.remsi %rem3A_564, %rem3A_565 : i32
    %add3A_567 = arith.constant 78 : i32
    %add3A_568 = arith.addi %sub3A_133, %add3A_567 : i32
    %dma_wait3A_569 = arith.constant 1 : i32
    %dma_wait3A_570 = arith.constant 0 : i32
    %dma_wait3A_571 = arith.constant 0 : i32
    %dma_wait3A_572 = tpu.memref_slice %arg12[%rem3A_566, %dma_wait3A_570, %dma_wait3A_571] : memref<16x128x16xf32, #tpu.memory_space<vmem>> -> memref<1x128x16xf32, #tpu.memory_space<vmem>>
    %dma_wait3A_573 = tpu.memref_squeeze %dma_wait3A_572 : memref<1x128x16xf32, #tpu.memory_space<vmem>> -> memref<128x16xf32, #tpu.memory_space<vmem>>
    %dma_wait3A_574 = arith.constant 0 : i32
    %dma_wait3A_575 = tpu.memref_slice %arg9[%add3A_568, %dma_wait3A_569, %dma_wait3A_574] : memref<159x2x128xi32, #tpu.memory_space<vmem>> -> memref<1x1x128xi32, #tpu.memory_space<vmem>>
    %dma_wait3A_576 = tpu.memref_squeeze %dma_wait3A_575 : memref<1x1x128xi32, #tpu.memory_space<vmem>> -> memref<128xi32, #tpu.memory_space<vmem>>
    %dma_wait3A_577 = arith.constant 0 : i32
    %dma_wait3A_578 = arith.constant 0 : i32
    %dma_wait3A_579 = tpu.memref_slice %arg16[%dma_wait3A_577, %dma_wait3A_578] : memref<10240x16xf32, #tpu.memory_space<vmem_shared>> -> memref<10240x16xf32, #tpu.memory_space<vmem_shared>>
    tpu.wait_indirect_dma semaphore(%arg21 : memref<!tpu.dma_semaphore, #tpu.memory_space<semaphore_mem>>) src(%dma_wait3A_573 : memref<128x16xf32, #tpu.memory_space<vmem>>) dst(%dma_wait3A_579 : memref<10240x16xf32, #tpu.memory_space<vmem_shared>>)
    %dma_wait3A_580 = arith.constant 0 : i32
    %dma_wait3A_581 = arith.constant 0 : i32
    %dma_wait3A_582 = tpu.memref_slice %arg11[%rem3A_566, %dma_wait3A_581] : memref<16x128xf32, #tpu.memory_space<vmem>> -> memref<1x128xf32, #tpu.memory_space<vmem>>
    %dma_wait3A_583 = tpu.memref_squeeze %dma_wait3A_582 : memref<1x128xf32, #tpu.memory_space<vmem>> -> memref<128xf32, #tpu.memory_space<vmem>>
    %dma_wait3A_584 = arith.constant 0 : i32
    %dma_wait3A_585 = tpu.memref_slice %arg9[%add3A_568, %dma_wait3A_580, %dma_wait3A_584] : memref<159x2x128xi32, #tpu.memory_space<vmem>> -> memref<1x1x128xi32, #tpu.memory_space<vmem>>
    %dma_wait3A_586 = tpu.memref_squeeze %dma_wait3A_585 : memref<1x1x128xi32, #tpu.memory_space<vmem>> -> memref<128xi32, #tpu.memory_space<vmem>>
    %dma_wait3A_587 = arith.constant 0 : i32
    %dma_wait3A_588 = tpu.memref_slice %arg17[%dma_wait3A_587] : memref<10240xf32, #tpu.memory_space<vmem_shared>> -> memref<10240xf32, #tpu.memory_space<vmem_shared>>
    tpu.wait_indirect_dma semaphore(%arg22 : memref<!tpu.dma_semaphore, #tpu.memory_space<semaphore_mem>>) src(%dma_wait3A_583 : memref<128xf32, #tpu.memory_space<vmem>>) dst(%dma_wait3A_588 : memref<10240xf32, #tpu.memory_space<vmem_shared>>)
    %rem3A_589 = arith.constant 79 : i32
    %rem3A_590 = arith.constant 16 : i32
    %rem3A_591 = arith.remsi %rem3A_589, %rem3A_590 : i32
    %add3A_592 = arith.constant 79 : i32
    %add3A_593 = arith.addi %sub3A_133, %add3A_592 : i32
    %dma_wait3A_594 = arith.constant 1 : i32
    %dma_wait3A_595 = arith.constant 0 : i32
    %dma_wait3A_596 = arith.constant 0 : i32
    %dma_wait3A_597 = tpu.memref_slice %arg12[%rem3A_591, %dma_wait3A_595, %dma_wait3A_596] : memref<16x128x16xf32, #tpu.memory_space<vmem>> -> memref<1x128x16xf32, #tpu.memory_space<vmem>>
    %dma_wait3A_598 = tpu.memref_squeeze %dma_wait3A_597 : memref<1x128x16xf32, #tpu.memory_space<vmem>> -> memref<128x16xf32, #tpu.memory_space<vmem>>
    %dma_wait3A_599 = arith.constant 0 : i32
    %dma_wait3A_600 = tpu.memref_slice %arg9[%add3A_593, %dma_wait3A_594, %dma_wait3A_599] : memref<159x2x128xi32, #tpu.memory_space<vmem>> -> memref<1x1x128xi32, #tpu.memory_space<vmem>>
    %dma_wait3A_601 = tpu.memref_squeeze %dma_wait3A_600 : memref<1x1x128xi32, #tpu.memory_space<vmem>> -> memref<128xi32, #tpu.memory_space<vmem>>
    %dma_wait3A_602 = arith.constant 0 : i32
    %dma_wait3A_603 = arith.constant 0 : i32
    %dma_wait3A_604 = tpu.memref_slice %arg16[%dma_wait3A_602, %dma_wait3A_603] : memref<10240x16xf32, #tpu.memory_space<vmem_shared>> -> memref<10240x16xf32, #tpu.memory_space<vmem_shared>>
    tpu.wait_indirect_dma semaphore(%arg21 : memref<!tpu.dma_semaphore, #tpu.memory_space<semaphore_mem>>) src(%dma_wait3A_598 : memref<128x16xf32, #tpu.memory_space<vmem>>) dst(%dma_wait3A_604 : memref<10240x16xf32, #tpu.memory_space<vmem_shared>>)
    %dma_wait3A_605 = arith.constant 0 : i32
    %dma_wait3A_606 = arith.constant 0 : i32
    %dma_wait3A_607 = tpu.memref_slice %arg11[%rem3A_591, %dma_wait3A_606] : memref<16x128xf32, #tpu.memory_space<vmem>> -> memref<1x128xf32, #tpu.memory_space<vmem>>
    %dma_wait3A_608 = tpu.memref_squeeze %dma_wait3A_607 : memref<1x128xf32, #tpu.memory_space<vmem>> -> memref<128xf32, #tpu.memory_space<vmem>>
    %dma_wait3A_609 = arith.constant 0 : i32
    %dma_wait3A_610 = tpu.memref_slice %arg9[%add3A_593, %dma_wait3A_605, %dma_wait3A_609] : memref<159x2x128xi32, #tpu.memory_space<vmem>> -> memref<1x1x128xi32, #tpu.memory_space<vmem>>
    %dma_wait3A_611 = tpu.memref_squeeze %dma_wait3A_610 : memref<1x1x128xi32, #tpu.memory_space<vmem>> -> memref<128xi32, #tpu.memory_space<vmem>>
    %dma_wait3A_612 = arith.constant 0 : i32
    %dma_wait3A_613 = tpu.memref_slice %arg17[%dma_wait3A_612] : memref<10240xf32, #tpu.memory_space<vmem_shared>> -> memref<10240xf32, #tpu.memory_space<vmem_shared>>
    tpu.wait_indirect_dma semaphore(%arg22 : memref<!tpu.dma_semaphore, #tpu.memory_space<semaphore_mem>>) src(%dma_wait3A_608 : memref<128xf32, #tpu.memory_space<vmem>>) dst(%dma_wait3A_613 : memref<10240xf32, #tpu.memory_space<vmem_shared>>)
    %barrier3A_614 = arith.constant 0 : index
    tpu.barrier barrier_id(%barrier3A_614)
    "tpu.region"() ({
      %run_scoped3A = tpu.sem_alloc : memref<!tpu.dma_semaphore, #tpu.memory_space<semaphore_mem>>
      %dma_start3A_639 = arith.constant 0 : i32
      %dma_start3A_640 = tpu.memref_slice %arg16[%mul3A_0, %dma_start3A_639] : memref<10240x16xf32, #tpu.memory_space<vmem_shared>> -> memref<640x16xf32, #tpu.memory_space<vmem_shared>>
      %dma_start3A_641 = arith.constant 0 : i32
      %dma_start3A_642 = tpu.memref_slice %arg16[%mul3A_0, %dma_start3A_641] : memref<10240x16xf32, #tpu.memory_space<vmem_shared>> -> memref<640x16xf32, #tpu.memory_space<vmem_shared>>
      tpu.enqueue_dma source(%dma_start3A_642 : memref<640x16xf32, #tpu.memory_space<vmem_shared>>) target(%arg13 : memref<640x16xf32, #tpu.memory_space<vmem>>) target_semaphore(%run_scoped3A : memref<!tpu.dma_semaphore, #tpu.memory_space<semaphore_mem>>)
      %dma_wait3A_643 = arith.constant 0 : i32
      %dma_wait3A_644 = tpu.memref_slice %arg16[%mul3A_0, %dma_wait3A_643] : memref<10240x16xf32, #tpu.memory_space<vmem_shared>> -> memref<640x16xf32, #tpu.memory_space<vmem_shared>>
      %dma_wait3A_645 = arith.constant 0 : i32
      %dma_wait3A_646 = tpu.memref_slice %arg16[%mul3A_0, %dma_wait3A_645] : memref<10240x16xf32, #tpu.memory_space<vmem_shared>> -> memref<640x16xf32, #tpu.memory_space<vmem_shared>>
      tpu.wait_dma2 semaphore(%run_scoped3A : memref<!tpu.dma_semaphore, #tpu.memory_space<semaphore_mem>>) src(%dma_wait3A_646 : memref<640x16xf32, #tpu.memory_space<vmem_shared>>) dst(%arg13 : memref<640x16xf32, #tpu.memory_space<vmem>>)
      tpu.yield
    }) : () -> ()
    %mul3A_615 = arith.constant 10240 : i32
    %mul3A_616 = arith.muli %arg0, %mul3A_615 : i32
    %add3A_617 = arith.addi %mul3A_616, %mul3A_0 : i32
    %dma_start3A_618 = arith.constant 0 : i32
    %dma_start3A_619 = tpu.memref_slice %arg5[%add3A_617, %dma_start3A_618] : memref<20480x16xf32, #tpu.memory_space<hbm>> -> memref<640x16xf32, #tpu.memory_space<hbm>>
    %dma_start3A_620 = arith.constant 0 : i32
    %dma_start3A_621 = tpu.memref_slice %arg5[%add3A_617, %dma_start3A_620] : memref<20480x16xf32, #tpu.memory_space<hbm>> -> memref<640x16xf32, #tpu.memory_space<hbm>>
    tpu.enqueue_dma source(%arg13 : memref<640x16xf32, #tpu.memory_space<vmem>>) target(%dma_start3A_621 : memref<640x16xf32, #tpu.memory_space<hbm>>) target_semaphore(%arg21 : memref<!tpu.dma_semaphore, #tpu.memory_space<semaphore_mem>>)
    "tpu.region"() ({
      %run_scoped3A = tpu.sem_alloc : memref<!tpu.dma_semaphore, #tpu.memory_space<semaphore_mem>>
      %dma_start3A_639 = tpu.memref_slice %arg17[%mul3A_0] : memref<10240xf32, #tpu.memory_space<vmem_shared>> -> memref<640xf32, #tpu.memory_space<vmem_shared>>
      %dma_start3A_640 = tpu.memref_slice %arg17[%mul3A_0] : memref<10240xf32, #tpu.memory_space<vmem_shared>> -> memref<640xf32, #tpu.memory_space<vmem_shared>>
      tpu.enqueue_dma source(%dma_start3A_640 : memref<640xf32, #tpu.memory_space<vmem_shared>>) target(%arg15 : memref<640xf32, #tpu.memory_space<vmem>>) target_semaphore(%run_scoped3A : memref<!tpu.dma_semaphore, #tpu.memory_space<semaphore_mem>>)
      %dma_wait3A_641 = tpu.memref_slice %arg17[%mul3A_0] : memref<10240xf32, #tpu.memory_space<vmem_shared>> -> memref<640xf32, #tpu.memory_space<vmem_shared>>
      %dma_wait3A_642 = tpu.memref_slice %arg17[%mul3A_0] : memref<10240xf32, #tpu.memory_space<vmem_shared>> -> memref<640xf32, #tpu.memory_space<vmem_shared>>
      tpu.wait_dma2 semaphore(%run_scoped3A : memref<!tpu.dma_semaphore, #tpu.memory_space<semaphore_mem>>) src(%dma_wait3A_642 : memref<640xf32, #tpu.memory_space<vmem_shared>>) dst(%arg15 : memref<640xf32, #tpu.memory_space<vmem>>)
      tpu.yield
    }) : () -> ()
    %dma_wait3A_622 = arith.constant 0 : i32
    %dma_wait3A_623 = tpu.memref_slice %arg8[%mul3A_0, %dma_wait3A_622] : memref<10240x16xf32, #tpu.memory_space<hbm>> -> memref<640x16xf32, #tpu.memory_space<hbm>>
    %dma_wait3A_624 = arith.constant 0 : i32
    %dma_wait3A_625 = tpu.memref_slice %arg8[%mul3A_0, %dma_wait3A_624] : memref<10240x16xf32, #tpu.memory_space<hbm>> -> memref<640x16xf32, #tpu.memory_space<hbm>>
    tpu.wait_dma2 semaphore(%arg23 : memref<!tpu.dma_semaphore, #tpu.memory_space<semaphore_mem>>) src(%arg14 : memref<640x16xf32, #tpu.memory_space<vmem>>) dst(%dma_wait3A_625 : memref<640x16xf32, #tpu.memory_space<hbm>>)
    %scan3A_626 = arith.constant 0 : i32
    %scan3A_627 = arith.constant 0 : i32
    %scan3A_628 = arith.constant 40 : i32
    %scan3A_629 = arith.addi %scan3A_627, %scan3A_628 : i32
    %scan3A_630 = arith.constant 1 : i32
    scf.for %scan3A_639 = %scan3A_627 to %scan3A_629 step %scan3A_630  : i32 {
      %mul3A_640 = arith.constant 16 : i32
      %mul3A_641 = arith.muli %scan3A_639, %mul3A_640 : i32
      %get3A = arith.index_cast %mul3A_641 : i32 to index
      %get3A_642 = tpu.vector_load %arg15[%get3A] {strides = array<i32>} : memref<640xf32, #tpu.memory_space<vmem>>, vector<16xf32>,
      %get3A_643 = vector.shape_cast %get3A_642 : vector<16xf32> to vector<16xf32>
      %mul3A_644 = arith.constant 16 : i32
      %mul3A_645 = arith.muli %scan3A_639, %mul3A_644 : i32
      %add3A_646 = arith.constant 0 : i32
      %add3A_647 = arith.addi %mul3A_645, %add3A_646 : i32
      %broadcast_in_dim3A_648 = arith.constant 1.000000e+00 : f32
      %broadcast_in_dim3A_649 = vector.broadcast %broadcast_in_dim3A_648 : f32 to vector<16xf32>
      %slice3A = vector.extract_strided_slice %get3A_643 {offsets = [0], sizes = [1], strides = [1]} : vector<16xf32> to vector<1xf32>
      %squeeze3A = vector.extract %slice3A[0] : f32 from vector<1xf32>
      %mul3A_650 = vector.broadcast %squeeze3A : f32 to vector<16xf32>
      %mul3A_651 = arith.mulf %broadcast_in_dim3A_649, %mul3A_650 : vector<16xf32>
      %swap3A_652 = arith.index_cast %add3A_647 : i32 to index
      %swap3A_653 = arith.constant 0 : index
      %swap3A_654 = tpu.vector_load %arg14[%swap3A_652, %swap3A_653] {strides = array<i32>} : memref<640x16xf32, #tpu.memory_space<vmem>>, vector<1x16xf32>,
      %swap3A_655 = vector.shape_cast %swap3A_654 : vector<1x16xf32> to vector<16xf32>
      %swap3A_656 = vector.shape_cast %mul3A_651 : vector<16xf32> to vector<1x16xf32>
      tpu.vector_store %arg14[%swap3A_652, %swap3A_653], %swap3A_656 {strides = array<i32>} : memref<640x16xf32, #tpu.memory_space<vmem>>, vector<1x16xf32>,
      %mul3A_657 = arith.constant 16 : i32
      %mul3A_658 = arith.muli %scan3A_639, %mul3A_657 : i32
      %add3A_659 = arith.constant 1 : i32
      %add3A_660 = arith.addi %mul3A_658, %add3A_659 : i32
      %broadcast_in_dim3A_661 = arith.constant 1.000000e+00 : f32
      %broadcast_in_dim3A_662 = vector.broadcast %broadcast_in_dim3A_661 : f32 to vector<16xf32>
      %slice3A_663 = vector.extract_strided_slice %get3A_643 {offsets = [1], sizes = [1], strides = [1]} : vector<16xf32> to vector<1xf32>
      %squeeze3A_664 = vector.extract %slice3A_663[0] : f32 from vector<1xf32>
      %mul3A_665 = vector.broadcast %squeeze3A_664 : f32 to vector<16xf32>
      %mul3A_666 = arith.mulf %broadcast_in_dim3A_662, %mul3A_665 : vector<16xf32>
      %swap3A_667 = arith.index_cast %add3A_660 : i32 to index
      %swap3A_668 = arith.constant 0 : index
      %swap3A_669 = tpu.vector_load %arg14[%swap3A_667, %swap3A_668] {strides = array<i32>} : memref<640x16xf32, #tpu.memory_space<vmem>>, vector<1x16xf32>,
      %swap3A_670 = vector.shape_cast %swap3A_669 : vector<1x16xf32> to vector<16xf32>
      %swap3A_671 = vector.shape_cast %mul3A_666 : vector<16xf32> to vector<1x16xf32>
      tpu.vector_store %arg14[%swap3A_667, %swap3A_668], %swap3A_671 {strides = array<i32>} : memref<640x16xf32, #tpu.memory_space<vmem>>, vector<1x16xf32>,
      %mul3A_672 = arith.constant 16 : i32
      %mul3A_673 = arith.muli %scan3A_639, %mul3A_672 : i32
      %add3A_674 = arith.constant 2 : i32
      %add3A_675 = arith.addi %mul3A_673, %add3A_674 : i32
      %broadcast_in_dim3A_676 = arith.constant 1.000000e+00 : f32
      %broadcast_in_dim3A_677 = vector.broadcast %broadcast_in_dim3A_676 : f32 to vector<16xf32>
      %slice3A_678 = vector.extract_strided_slice %get3A_643 {offsets = [2], sizes = [1], strides = [1]} : vector<16xf32> to vector<1xf32>
      %squeeze3A_679 = vector.extract %slice3A_678[0] : f32 from vector<1xf32>
      %mul3A_680 = vector.broadcast %squeeze3A_679 : f32 to vector<16xf32>
      %mul3A_681 = arith.mulf %broadcast_in_dim3A_677, %mul3A_680 : vector<16xf32>
      %swap3A_682 = arith.index_cast %add3A_675 : i32 to index
      %swap3A_683 = arith.constant 0 : index
      %swap3A_684 = tpu.vector_load %arg14[%swap3A_682, %swap3A_683] {strides = array<i32>} : memref<640x16xf32, #tpu.memory_space<vmem>>, vector<1x16xf32>,
      %swap3A_685 = vector.shape_cast %swap3A_684 : vector<1x16xf32> to vector<16xf32>
      %swap3A_686 = vector.shape_cast %mul3A_681 : vector<16xf32> to vector<1x16xf32>
      tpu.vector_store %arg14[%swap3A_682, %swap3A_683], %swap3A_686 {strides = array<i32>} : memref<640x16xf32, #tpu.memory_space<vmem>>, vector<1x16xf32>,
      %mul3A_687 = arith.constant 16 : i32
      %mul3A_688 = arith.muli %scan3A_639, %mul3A_687 : i32
      %add3A_689 = arith.constant 3 : i32
      %add3A_690 = arith.addi %mul3A_688, %add3A_689 : i32
      %broadcast_in_dim3A_691 = arith.constant 1.000000e+00 : f32
      %broadcast_in_dim3A_692 = vector.broadcast %broadcast_in_dim3A_691 : f32 to vector<16xf32>
      %slice3A_693 = vector.extract_strided_slice %get3A_643 {offsets = [3], sizes = [1], strides = [1]} : vector<16xf32> to vector<1xf32>
      %squeeze3A_694 = vector.extract %slice3A_693[0] : f32 from vector<1xf32>
      %mul3A_695 = vector.broadcast %squeeze3A_694 : f32 to vector<16xf32>
      %mul3A_696 = arith.mulf %broadcast_in_dim3A_692, %mul3A_695 : vector<16xf32>
      %swap3A_697 = arith.index_cast %add3A_690 : i32 to index
      %swap3A_698 = arith.constant 0 : index
      %swap3A_699 = tpu.vector_load %arg14[%swap3A_697, %swap3A_698] {strides = array<i32>} : memref<640x16xf32, #tpu.memory_space<vmem>>, vector<1x16xf32>,
      %swap3A_700 = vector.shape_cast %swap3A_699 : vector<1x16xf32> to vector<16xf32>
      %swap3A_701 = vector.shape_cast %mul3A_696 : vector<16xf32> to vector<1x16xf32>
      tpu.vector_store %arg14[%swap3A_697, %swap3A_698], %swap3A_701 {strides = array<i32>} : memref<640x16xf32, #tpu.memory_space<vmem>>, vector<1x16xf32>,
      %mul3A_702 = arith.constant 16 : i32
      %mul3A_703 = arith.muli %scan3A_639, %mul3A_702 : i32
      %add3A_704 = arith.constant 4 : i32
      %add3A_705 = arith.addi %mul3A_703, %add3A_704 : i32
      %broadcast_in_dim3A_706 = arith.constant 1.000000e+00 : f32
      %broadcast_in_dim3A_707 = vector.broadcast %broadcast_in_dim3A_706 : f32 to vector<16xf32>
      %slice3A_708 = vector.extract_strided_slice %get3A_643 {offsets = [4], sizes = [1], strides = [1]} : vector<16xf32> to vector<1xf32>
      %squeeze3A_709 = vector.extract %slice3A_708[0] : f32 from vector<1xf32>
      %mul3A_710 = vector.broadcast %squeeze3A_709 : f32 to vector<16xf32>
      %mul3A_711 = arith.mulf %broadcast_in_dim3A_707, %mul3A_710 : vector<16xf32>
      %swap3A_712 = arith.index_cast %add3A_705 : i32 to index
      %swap3A_713 = arith.constant 0 : index
      %swap3A_714 = tpu.vector_load %arg14[%swap3A_712, %swap3A_713] {strides = array<i32>} : memref<640x16xf32, #tpu.memory_space<vmem>>, vector<1x16xf32>,
      %swap3A_715 = vector.shape_cast %swap3A_714 : vector<1x16xf32> to vector<16xf32>
      %swap3A_716 = vector.shape_cast %mul3A_711 : vector<16xf32> to vector<1x16xf32>
      tpu.vector_store %arg14[%swap3A_712, %swap3A_713], %swap3A_716 {strides = array<i32>} : memref<640x16xf32, #tpu.memory_space<vmem>>, vector<1x16xf32>,
      %mul3A_717 = arith.constant 16 : i32
      %mul3A_718 = arith.muli %scan3A_639, %mul3A_717 : i32
      %add3A_719 = arith.constant 5 : i32
      %add3A_720 = arith.addi %mul3A_718, %add3A_719 : i32
      %broadcast_in_dim3A_721 = arith.constant 1.000000e+00 : f32
      %broadcast_in_dim3A_722 = vector.broadcast %broadcast_in_dim3A_721 : f32 to vector<16xf32>
      %slice3A_723 = vector.extract_strided_slice %get3A_643 {offsets = [5], sizes = [1], strides = [1]} : vector<16xf32> to vector<1xf32>
      %squeeze3A_724 = vector.extract %slice3A_723[0] : f32 from vector<1xf32>
      %mul3A_725 = vector.broadcast %squeeze3A_724 : f32 to vector<16xf32>
      %mul3A_726 = arith.mulf %broadcast_in_dim3A_722, %mul3A_725 : vector<16xf32>
      %swap3A_727 = arith.index_cast %add3A_720 : i32 to index
      %swap3A_728 = arith.constant 0 : index
      %swap3A_729 = tpu.vector_load %arg14[%swap3A_727, %swap3A_728] {strides = array<i32>} : memref<640x16xf32, #tpu.memory_space<vmem>>, vector<1x16xf32>,
      %swap3A_730 = vector.shape_cast %swap3A_729 : vector<1x16xf32> to vector<16xf32>
      %swap3A_731 = vector.shape_cast %mul3A_726 : vector<16xf32> to vector<1x16xf32>
      tpu.vector_store %arg14[%swap3A_727, %swap3A_728], %swap3A_731 {strides = array<i32>} : memref<640x16xf32, #tpu.memory_space<vmem>>, vector<1x16xf32>,
      %mul3A_732 = arith.constant 16 : i32
      %mul3A_733 = arith.muli %scan3A_639, %mul3A_732 : i32
      %add3A_734 = arith.constant 6 : i32
      %add3A_735 = arith.addi %mul3A_733, %add3A_734 : i32
      %broadcast_in_dim3A_736 = arith.constant 1.000000e+00 : f32
      %broadcast_in_dim3A_737 = vector.broadcast %broadcast_in_dim3A_736 : f32 to vector<16xf32>
      %slice3A_738 = vector.extract_strided_slice %get3A_643 {offsets = [6], sizes = [1], strides = [1]} : vector<16xf32> to vector<1xf32>
      %squeeze3A_739 = vector.extract %slice3A_738[0] : f32 from vector<1xf32>
      %mul3A_740 = vector.broadcast %squeeze3A_739 : f32 to vector<16xf32>
      %mul3A_741 = arith.mulf %broadcast_in_dim3A_737, %mul3A_740 : vector<16xf32>
      %swap3A_742 = arith.index_cast %add3A_735 : i32 to index
      %swap3A_743 = arith.constant 0 : index
      %swap3A_744 = tpu.vector_load %arg14[%swap3A_742, %swap3A_743] {strides = array<i32>} : memref<640x16xf32, #tpu.memory_space<vmem>>, vector<1x16xf32>,
      %swap3A_745 = vector.shape_cast %swap3A_744 : vector<1x16xf32> to vector<16xf32>
      %swap3A_746 = vector.shape_cast %mul3A_741 : vector<16xf32> to vector<1x16xf32>
      tpu.vector_store %arg14[%swap3A_742, %swap3A_743], %swap3A_746 {strides = array<i32>} : memref<640x16xf32, #tpu.memory_space<vmem>>, vector<1x16xf32>,
      %mul3A_747 = arith.constant 16 : i32
      %mul3A_748 = arith.muli %scan3A_639, %mul3A_747 : i32
      %add3A_749 = arith.constant 7 : i32
      %add3A_750 = arith.addi %mul3A_748, %add3A_749 : i32
      %broadcast_in_dim3A_751 = arith.constant 1.000000e+00 : f32
      %broadcast_in_dim3A_752 = vector.broadcast %broadcast_in_dim3A_751 : f32 to vector<16xf32>
      %slice3A_753 = vector.extract_strided_slice %get3A_643 {offsets = [7], sizes = [1], strides = [1]} : vector<16xf32> to vector<1xf32>
      %squeeze3A_754 = vector.extract %slice3A_753[0] : f32 from vector<1xf32>
      %mul3A_755 = vector.broadcast %squeeze3A_754 : f32 to vector<16xf32>
      %mul3A_756 = arith.mulf %broadcast_in_dim3A_752, %mul3A_755 : vector<16xf32>
      %swap3A_757 = arith.index_cast %add3A_750 : i32 to index
      %swap3A_758 = arith.constant 0 : index
      %swap3A_759 = tpu.vector_load %arg14[%swap3A_757, %swap3A_758] {strides = array<i32>} : memref<640x16xf32, #tpu.memory_space<vmem>>, vector<1x16xf32>,
      %swap3A_760 = vector.shape_cast %swap3A_759 : vector<1x16xf32> to vector<16xf32>
      %swap3A_761 = vector.shape_cast %mul3A_756 : vector<16xf32> to vector<1x16xf32>
      tpu.vector_store %arg14[%swap3A_757, %swap3A_758], %swap3A_761 {strides = array<i32>} : memref<640x16xf32, #tpu.memory_space<vmem>>, vector<1x16xf32>,
      %mul3A_762 = arith.constant 16 : i32
      %mul3A_763 = arith.muli %scan3A_639, %mul3A_762 : i32
      %add3A_764 = arith.constant 8 : i32
      %add3A_765 = arith.addi %mul3A_763, %add3A_764 : i32
      %broadcast_in_dim3A_766 = arith.constant 1.000000e+00 : f32
      %broadcast_in_dim3A_767 = vector.broadcast %broadcast_in_dim3A_766 : f32 to vector<16xf32>
      %slice3A_768 = vector.extract_strided_slice %get3A_643 {offsets = [8], sizes = [1], strides = [1]} : vector<16xf32> to vector<1xf32>
      %squeeze3A_769 = vector.extract %slice3A_768[0] : f32 from vector<1xf32>
      %mul3A_770 = vector.broadcast %squeeze3A_769 : f32 to vector<16xf32>
      %mul3A_771 = arith.mulf %broadcast_in_dim3A_767, %mul3A_770 : vector<16xf32>
      %swap3A_772 = arith.index_cast %add3A_765 : i32 to index
      %swap3A_773 = arith.constant 0 : index
      %swap3A_774 = tpu.vector_load %arg14[%swap3A_772, %swap3A_773] {strides = array<i32>} : memref<640x16xf32, #tpu.memory_space<vmem>>, vector<1x16xf32>,
      %swap3A_775 = vector.shape_cast %swap3A_774 : vector<1x16xf32> to vector<16xf32>
      %swap3A_776 = vector.shape_cast %mul3A_771 : vector<16xf32> to vector<1x16xf32>
      tpu.vector_store %arg14[%swap3A_772, %swap3A_773], %swap3A_776 {strides = array<i32>} : memref<640x16xf32, #tpu.memory_space<vmem>>, vector<1x16xf32>,
      %mul3A_777 = arith.constant 16 : i32
      %mul3A_778 = arith.muli %scan3A_639, %mul3A_777 : i32
      %add3A_779 = arith.constant 9 : i32
      %add3A_780 = arith.addi %mul3A_778, %add3A_779 : i32
      %broadcast_in_dim3A_781 = arith.constant 1.000000e+00 : f32
      %broadcast_in_dim3A_782 = vector.broadcast %broadcast_in_dim3A_781 : f32 to vector<16xf32>
      %slice3A_783 = vector.extract_strided_slice %get3A_643 {offsets = [9], sizes = [1], strides = [1]} : vector<16xf32> to vector<1xf32>
      %squeeze3A_784 = vector.extract %slice3A_783[0] : f32 from vector<1xf32>
      %mul3A_785 = vector.broadcast %squeeze3A_784 : f32 to vector<16xf32>
      %mul3A_786 = arith.mulf %broadcast_in_dim3A_782, %mul3A_785 : vector<16xf32>
      %swap3A_787 = arith.index_cast %add3A_780 : i32 to index
      %swap3A_788 = arith.constant 0 : index
      %swap3A_789 = tpu.vector_load %arg14[%swap3A_787, %swap3A_788] {strides = array<i32>} : memref<640x16xf32, #tpu.memory_space<vmem>>, vector<1x16xf32>,
      %swap3A_790 = vector.shape_cast %swap3A_789 : vector<1x16xf32> to vector<16xf32>
      %swap3A_791 = vector.shape_cast %mul3A_786 : vector<16xf32> to vector<1x16xf32>
      tpu.vector_store %arg14[%swap3A_787, %swap3A_788], %swap3A_791 {strides = array<i32>} : memref<640x16xf32, #tpu.memory_space<vmem>>, vector<1x16xf32>,
      %mul3A_792 = arith.constant 16 : i32
      %mul3A_793 = arith.muli %scan3A_639, %mul3A_792 : i32
      %add3A_794 = arith.constant 10 : i32
      %add3A_795 = arith.addi %mul3A_793, %add3A_794 : i32
      %broadcast_in_dim3A_796 = arith.constant 1.000000e+00 : f32
      %broadcast_in_dim3A_797 = vector.broadcast %broadcast_in_dim3A_796 : f32 to vector<16xf32>
      %slice3A_798 = vector.extract_strided_slice %get3A_643 {offsets = [10], sizes = [1], strides = [1]} : vector<16xf32> to vector<1xf32>
      %squeeze3A_799 = vector.extract %slice3A_798[0] : f32 from vector<1xf32>
      %mul3A_800 = vector.broadcast %squeeze3A_799 : f32 to vector<16xf32>
      %mul3A_801 = arith.mulf %broadcast_in_dim3A_797, %mul3A_800 : vector<16xf32>
      %swap3A_802 = arith.index_cast %add3A_795 : i32 to index
      %swap3A_803 = arith.constant 0 : index
      %swap3A_804 = tpu.vector_load %arg14[%swap3A_802, %swap3A_803] {strides = array<i32>} : memref<640x16xf32, #tpu.memory_space<vmem>>, vector<1x16xf32>,
      %swap3A_805 = vector.shape_cast %swap3A_804 : vector<1x16xf32> to vector<16xf32>
      %swap3A_806 = vector.shape_cast %mul3A_801 : vector<16xf32> to vector<1x16xf32>
      tpu.vector_store %arg14[%swap3A_802, %swap3A_803], %swap3A_806 {strides = array<i32>} : memref<640x16xf32, #tpu.memory_space<vmem>>, vector<1x16xf32>,
      %mul3A_807 = arith.constant 16 : i32
      %mul3A_808 = arith.muli %scan3A_639, %mul3A_807 : i32
      %add3A_809 = arith.constant 11 : i32
      %add3A_810 = arith.addi %mul3A_808, %add3A_809 : i32
      %broadcast_in_dim3A_811 = arith.constant 1.000000e+00 : f32
      %broadcast_in_dim3A_812 = vector.broadcast %broadcast_in_dim3A_811 : f32 to vector<16xf32>
      %slice3A_813 = vector.extract_strided_slice %get3A_643 {offsets = [11], sizes = [1], strides = [1]} : vector<16xf32> to vector<1xf32>
      %squeeze3A_814 = vector.extract %slice3A_813[0] : f32 from vector<1xf32>
      %mul3A_815 = vector.broadcast %squeeze3A_814 : f32 to vector<16xf32>
      %mul3A_816 = arith.mulf %broadcast_in_dim3A_812, %mul3A_815 : vector<16xf32>
      %swap3A_817 = arith.index_cast %add3A_810 : i32 to index
      %swap3A_818 = arith.constant 0 : index
      %swap3A_819 = tpu.vector_load %arg14[%swap3A_817, %swap3A_818] {strides = array<i32>} : memref<640x16xf32, #tpu.memory_space<vmem>>, vector<1x16xf32>,
      %swap3A_820 = vector.shape_cast %swap3A_819 : vector<1x16xf32> to vector<16xf32>
      %swap3A_821 = vector.shape_cast %mul3A_816 : vector<16xf32> to vector<1x16xf32>
      tpu.vector_store %arg14[%swap3A_817, %swap3A_818], %swap3A_821 {strides = array<i32>} : memref<640x16xf32, #tpu.memory_space<vmem>>, vector<1x16xf32>,
      %mul3A_822 = arith.constant 16 : i32
      %mul3A_823 = arith.muli %scan3A_639, %mul3A_822 : i32
      %add3A_824 = arith.constant 12 : i32
      %add3A_825 = arith.addi %mul3A_823, %add3A_824 : i32
      %broadcast_in_dim3A_826 = arith.constant 1.000000e+00 : f32
      %broadcast_in_dim3A_827 = vector.broadcast %broadcast_in_dim3A_826 : f32 to vector<16xf32>
      %slice3A_828 = vector.extract_strided_slice %get3A_643 {offsets = [12], sizes = [1], strides = [1]} : vector<16xf32> to vector<1xf32>
      %squeeze3A_829 = vector.extract %slice3A_828[0] : f32 from vector<1xf32>
      %mul3A_830 = vector.broadcast %squeeze3A_829 : f32 to vector<16xf32>
      %mul3A_831 = arith.mulf %broadcast_in_dim3A_827, %mul3A_830 : vector<16xf32>
      %swap3A_832 = arith.index_cast %add3A_825 : i32 to index
      %swap3A_833 = arith.constant 0 : index
      %swap3A_834 = tpu.vector_load %arg14[%swap3A_832, %swap3A_833] {strides = array<i32>} : memref<640x16xf32, #tpu.memory_space<vmem>>, vector<1x16xf32>,
      %swap3A_835 = vector.shape_cast %swap3A_834 : vector<1x16xf32> to vector<16xf32>
      %swap3A_836 = vector.shape_cast %mul3A_831 : vector<16xf32> to vector<1x16xf32>
      tpu.vector_store %arg14[%swap3A_832, %swap3A_833], %swap3A_836 {strides = array<i32>} : memref<640x16xf32, #tpu.memory_space<vmem>>, vector<1x16xf32>,
      %mul3A_837 = arith.constant 16 : i32
      %mul3A_838 = arith.muli %scan3A_639, %mul3A_837 : i32
      %add3A_839 = arith.constant 13 : i32
      %add3A_840 = arith.addi %mul3A_838, %add3A_839 : i32
      %broadcast_in_dim3A_841 = arith.constant 1.000000e+00 : f32
      %broadcast_in_dim3A_842 = vector.broadcast %broadcast_in_dim3A_841 : f32 to vector<16xf32>
      %slice3A_843 = vector.extract_strided_slice %get3A_643 {offsets = [13], sizes = [1], strides = [1]} : vector<16xf32> to vector<1xf32>
      %squeeze3A_844 = vector.extract %slice3A_843[0] : f32 from vector<1xf32>
      %mul3A_845 = vector.broadcast %squeeze3A_844 : f32 to vector<16xf32>
      %mul3A_846 = arith.mulf %broadcast_in_dim3A_842, %mul3A_845 : vector<16xf32>
      %swap3A_847 = arith.index_cast %add3A_840 : i32 to index
      %swap3A_848 = arith.constant 0 : index
      %swap3A_849 = tpu.vector_load %arg14[%swap3A_847, %swap3A_848] {strides = array<i32>} : memref<640x16xf32, #tpu.memory_space<vmem>>, vector<1x16xf32>,
      %swap3A_850 = vector.shape_cast %swap3A_849 : vector<1x16xf32> to vector<16xf32>
      %swap3A_851 = vector.shape_cast %mul3A_846 : vector<16xf32> to vector<1x16xf32>
      tpu.vector_store %arg14[%swap3A_847, %swap3A_848], %swap3A_851 {strides = array<i32>} : memref<640x16xf32, #tpu.memory_space<vmem>>, vector<1x16xf32>,
      %mul3A_852 = arith.constant 16 : i32
      %mul3A_853 = arith.muli %scan3A_639, %mul3A_852 : i32
      %add3A_854 = arith.constant 14 : i32
      %add3A_855 = arith.addi %mul3A_853, %add3A_854 : i32
      %broadcast_in_dim3A_856 = arith.constant 1.000000e+00 : f32
      %broadcast_in_dim3A_857 = vector.broadcast %broadcast_in_dim3A_856 : f32 to vector<16xf32>
      %slice3A_858 = vector.extract_strided_slice %get3A_643 {offsets = [14], sizes = [1], strides = [1]} : vector<16xf32> to vector<1xf32>
      %squeeze3A_859 = vector.extract %slice3A_858[0] : f32 from vector<1xf32>
      %mul3A_860 = vector.broadcast %squeeze3A_859 : f32 to vector<16xf32>
      %mul3A_861 = arith.mulf %broadcast_in_dim3A_857, %mul3A_860 : vector<16xf32>
      %swap3A_862 = arith.index_cast %add3A_855 : i32 to index
      %swap3A_863 = arith.constant 0 : index
      %swap3A_864 = tpu.vector_load %arg14[%swap3A_862, %swap3A_863] {strides = array<i32>} : memref<640x16xf32, #tpu.memory_space<vmem>>, vector<1x16xf32>,
      %swap3A_865 = vector.shape_cast %swap3A_864 : vector<1x16xf32> to vector<16xf32>
      %swap3A_866 = vector.shape_cast %mul3A_861 : vector<16xf32> to vector<1x16xf32>
      tpu.vector_store %arg14[%swap3A_862, %swap3A_863], %swap3A_866 {strides = array<i32>} : memref<640x16xf32, #tpu.memory_space<vmem>>, vector<1x16xf32>,
      %mul3A_867 = arith.constant 16 : i32
      %mul3A_868 = arith.muli %scan3A_639, %mul3A_867 : i32
      %add3A_869 = arith.constant 15 : i32
      %add3A_870 = arith.addi %mul3A_868, %add3A_869 : i32
      %broadcast_in_dim3A_871 = arith.constant 1.000000e+00 : f32
      %broadcast_in_dim3A_872 = vector.broadcast %broadcast_in_dim3A_871 : f32 to vector<16xf32>
      %slice3A_873 = vector.extract_strided_slice %get3A_643 {offsets = [15], sizes = [1], strides = [1]} : vector<16xf32> to vector<1xf32>
      %squeeze3A_874 = vector.extract %slice3A_873[0] : f32 from vector<1xf32>
      %mul3A_875 = vector.broadcast %squeeze3A_874 : f32 to vector<16xf32>
      %mul3A_876 = arith.mulf %broadcast_in_dim3A_872, %mul3A_875 : vector<16xf32>
      %swap3A_877 = arith.index_cast %add3A_870 : i32 to index
      %swap3A_878 = arith.constant 0 : index
      %swap3A_879 = tpu.vector_load %arg14[%swap3A_877, %swap3A_878] {strides = array<i32>} : memref<640x16xf32, #tpu.memory_space<vmem>>, vector<1x16xf32>,
      %swap3A_880 = vector.shape_cast %swap3A_879 : vector<1x16xf32> to vector<16xf32>
      %swap3A_881 = vector.shape_cast %mul3A_876 : vector<16xf32> to vector<1x16xf32>
      tpu.vector_store %arg14[%swap3A_877, %swap3A_878], %swap3A_881 {strides = array<i32>} : memref<640x16xf32, #tpu.memory_space<vmem>>, vector<1x16xf32>,
    }
    %scan3A_631 = arith.constant 40 : i32
    %dma_wait3A_632 = arith.constant 0 : i32
    %dma_wait3A_633 = tpu.memref_slice %arg5[%add3A_617, %dma_wait3A_632] : memref<20480x16xf32, #tpu.memory_space<hbm>> -> memref<640x16xf32, #tpu.memory_space<hbm>>
    %dma_wait3A_634 = arith.constant 0 : i32
    %dma_wait3A_635 = tpu.memref_slice %arg5[%add3A_617, %dma_wait3A_634] : memref<20480x16xf32, #tpu.memory_space<hbm>> -> memref<640x16xf32, #tpu.memory_space<hbm>>
    tpu.wait_dma2 semaphore(%arg21 : memref<!tpu.dma_semaphore, #tpu.memory_space<semaphore_mem>>) src(%arg13 : memref<640x16xf32, #tpu.memory_space<vmem>>) dst(%dma_wait3A_635 : memref<640x16xf32, #tpu.memory_space<hbm>>)
    %mul3A_636 = arith.constant 10240 : i32
    %mul3A_637 = arith.muli %arg0, %mul3A_636 : i32
    %add3A_638 = arith.addi %mul3A_637, %mul3A_0 : i32
    "tpu.region"() ({
      %run_scoped3A = tpu.sem_alloc : memref<!tpu.dma_semaphore, #tpu.memory_space<semaphore_mem>>
      %dma_start3A_639 = arith.constant 0 : i32
      %dma_start3A_640 = tpu.memref_slice %arg6[%add3A_638, %dma_start3A_639] : memref<20480x16xf32, #tpu.memory_space<hbm>> -> memref<640x16xf32, #tpu.memory_space<hbm>>
      %dma_start3A_641 = arith.constant 0 : i32
      %dma_start3A_642 = tpu.memref_slice %arg6[%add3A_638, %dma_start3A_641] : memref<20480x16xf32, #tpu.memory_space<hbm>> -> memref<640x16xf32, #tpu.memory_space<hbm>>
      tpu.enqueue_dma source(%arg14 : memref<640x16xf32, #tpu.memory_space<vmem>>) target(%dma_start3A_642 : memref<640x16xf32, #tpu.memory_space<hbm>>) target_semaphore(%run_scoped3A : memref<!tpu.dma_semaphore, #tpu.memory_space<semaphore_mem>>)
      %dma_wait3A_643 = arith.constant 0 : i32
      %dma_wait3A_644 = tpu.memref_slice %arg6[%add3A_638, %dma_wait3A_643] : memref<20480x16xf32, #tpu.memory_space<hbm>> -> memref<640x16xf32, #tpu.memory_space<hbm>>
      %dma_wait3A_645 = arith.constant 0 : i32
      %dma_wait3A_646 = tpu.memref_slice %arg6[%add3A_638, %dma_wait3A_645] : memref<20480x16xf32, #tpu.memory_space<hbm>> -> memref<640x16xf32, #tpu.memory_space<hbm>>
      tpu.wait_dma2 semaphore(%run_scoped3A : memref<!tpu.dma_semaphore, #tpu.memory_space<semaphore_mem>>) src(%arg14 : memref<640x16xf32, #tpu.memory_space<vmem>>) dst(%dma_wait3A_646 : memref<640x16xf32, #tpu.memory_space<hbm>>)
      tpu.yield
    }) : () -> ()
    return
  }
}

module attributes {stable_mosaic.version = 14 : i64} {
  func.func @_tc1_body(%arg0: memref<10000x128xf32, #tpu.memory_space<vmem>>, %arg1: memref<128x16xf32, #tpu.memory_space<vmem>>, %arg2: memref<163840xf32, #tpu.memory_space<vmem>>) attributes {dimension_semantics = [], scalar_prefetch = 0 : i64, scratch_operands = 0 : i64, tpu.core_type = #tpu.core_type<tc>} {
    %get3A = arith.constant 0 : index
    %get3A_0 = arith.constant 0 : index
    %get3A_1 = vector.load %arg1[%get3A, %get3A_0] : memref<128x16xf32, #tpu.memory_space<vmem>>, vector<128x16xf32>
    %concatenate3A = tpu.concatenate %get3A_1, %get3A_1, %get3A_1, %get3A_1, %get3A_1, %get3A_1, %get3A_1, %get3A_1 in 0 : vector<128x16xf32>, vector<128x16xf32>, vector<128x16xf32>, vector<128x16xf32>, vector<128x16xf32>, vector<128x16xf32>, vector<128x16xf32>, vector<128x16xf32> -> vector<1024x16xf32>
    %concatenate3A_2 = tpu.concatenate %concatenate3A, %concatenate3A, %concatenate3A, %concatenate3A, %concatenate3A, %concatenate3A, %concatenate3A, %concatenate3A in 1 : vector<1024x16xf32>, vector<1024x16xf32>, vector<1024x16xf32>, vector<1024x16xf32>, vector<1024x16xf32>, vector<1024x16xf32>, vector<1024x16xf32>, vector<1024x16xf32> -> vector<1024x128xf32>
    %iota3A = tpu.iota {dimensions = array<i32: 0>} : vector<1024x128xi32>
    %jit3A = arith.constant 128 : i32
    %div3A = vector.broadcast %jit3A : i32 to vector<1024x128xi32>
    %div3A_3 = arith.divsi %iota3A, %div3A : vector<1024x128xi32>
    %sign3A = arith.constant 0 : i32
    %sign3A_4 = vector.broadcast %sign3A : i32 to vector<1024x128xi32>
    %sign3A_5 = arith.cmpi sgt, %iota3A, %sign3A_4 : vector<1024x128xi32>
    %sign3A_6 = arith.extui %sign3A_5 : vector<1024x128xi1> to vector<1024x128xi32>
    %sign3A_7 = arith.constant 0 : i32
    %sign3A_8 = vector.broadcast %sign3A_7 : i32 to vector<1024x128xi32>
    %sign3A_9 = arith.cmpi slt, %iota3A, %sign3A_8 : vector<1024x128xi32>
    %sign3A_10 = arith.extui %sign3A_9 : vector<1024x128xi1> to vector<1024x128xi32>
    %sign3A_11 = arith.subi %sign3A_6, %sign3A_10 : vector<1024x128xi32>
    %sign3A_12 = arith.constant 0 : i32
    %sign3A_13 = arith.cmpi sgt, %jit3A, %sign3A_12 : i32
    %sign3A_14 = arith.extui %sign3A_13 : i1 to i32
    %sign3A_15 = arith.constant 0 : i32
    %sign3A_16 = arith.cmpi slt, %jit3A, %sign3A_15 : i32
    %sign3A_17 = arith.extui %sign3A_16 : i1 to i32
    %sign3A_18 = arith.subi %sign3A_14, %sign3A_17 : i32
    %ne3A = vector.broadcast %sign3A_18 : i32 to vector<1024x128xi32>
    %ne3A_19 = arith.cmpi ne, %sign3A_11, %ne3A : vector<1024x128xi32>
    %rem3A = vector.broadcast %jit3A : i32 to vector<1024x128xi32>
    %rem3A_20 = arith.remsi %iota3A, %rem3A : vector<1024x128xi32>
    %ne3A_21 = arith.constant 0 : i32
    %ne3A_22 = vector.broadcast %ne3A_21 : i32 to vector<1024x128xi32>
    %ne3A_23 = arith.cmpi ne, %rem3A_20, %ne3A_22 : vector<1024x128xi32>
    %and3A = arith.andi %ne3A_19, %ne3A_23 : vector<1024x128xi1>
    %sub3A = arith.constant 1 : i32
    %sub3A_24 = vector.broadcast %sub3A : i32 to vector<1024x128xi32>
    %sub3A_25 = arith.subi %div3A_3, %sub3A_24 : vector<1024x128xi32>
    %select_n3A = arith.select %and3A, %sub3A_25, %div3A_3 : vector<1024x128xi1>, vector<1024x128xi32>
    %iota3A_26 = tpu.iota {dimensions = array<i32: 1>} : vector<1024x128xi32>
    %jit3A_27 = arith.constant 16 : i32
    %div3A_28 = vector.broadcast %jit3A_27 : i32 to vector<1024x128xi32>
    %div3A_29 = arith.divsi %iota3A_26, %div3A_28 : vector<1024x128xi32>
    %sign3A_30 = arith.constant 0 : i32
    %sign3A_31 = vector.broadcast %sign3A_30 : i32 to vector<1024x128xi32>
    %sign3A_32 = arith.cmpi sgt, %iota3A_26, %sign3A_31 : vector<1024x128xi32>
    %sign3A_33 = arith.extui %sign3A_32 : vector<1024x128xi1> to vector<1024x128xi32>
    %sign3A_34 = arith.constant 0 : i32
    %sign3A_35 = vector.broadcast %sign3A_34 : i32 to vector<1024x128xi32>
    %sign3A_36 = arith.cmpi slt, %iota3A_26, %sign3A_35 : vector<1024x128xi32>
    %sign3A_37 = arith.extui %sign3A_36 : vector<1024x128xi1> to vector<1024x128xi32>
    %sign3A_38 = arith.subi %sign3A_33, %sign3A_37 : vector<1024x128xi32>
    %sign3A_39 = arith.constant 0 : i32
    %sign3A_40 = arith.cmpi sgt, %jit3A_27, %sign3A_39 : i32
    %sign3A_41 = arith.extui %sign3A_40 : i1 to i32
    %sign3A_42 = arith.constant 0 : i32
    %sign3A_43 = arith.cmpi slt, %jit3A_27, %sign3A_42 : i32
    %sign3A_44 = arith.extui %sign3A_43 : i1 to i32
    %sign3A_45 = arith.subi %sign3A_41, %sign3A_44 : i32
    %ne3A_46 = vector.broadcast %sign3A_45 : i32 to vector<1024x128xi32>
    %ne3A_47 = arith.cmpi ne, %sign3A_38, %ne3A_46 : vector<1024x128xi32>
    %rem3A_48 = vector.broadcast %jit3A_27 : i32 to vector<1024x128xi32>
    %rem3A_49 = arith.remsi %iota3A_26, %rem3A_48 : vector<1024x128xi32>
    %ne3A_50 = arith.constant 0 : i32
    %ne3A_51 = vector.broadcast %ne3A_50 : i32 to vector<1024x128xi32>
    %ne3A_52 = arith.cmpi ne, %rem3A_49, %ne3A_51 : vector<1024x128xi32>
    %and3A_53 = arith.andi %ne3A_47, %ne3A_52 : vector<1024x128xi1>
    %sub3A_54 = arith.constant 1 : i32
    %sub3A_55 = vector.broadcast %sub3A_54 : i32 to vector<1024x128xi32>
    %sub3A_56 = arith.subi %div3A_29, %sub3A_55 : vector<1024x128xi32>
    %select_n3A_57 = arith.select %and3A_53, %sub3A_56, %div3A_29 : vector<1024x128xi1>, vector<1024x128xi32>
    %eq3A = arith.cmpi eq, %select_n3A, %select_n3A_57 : vector<1024x128xi32>
    %jit3A_58 = arith.constant 0.000000e+00 : f32
    %broadcast_in_dim3A = vector.broadcast %jit3A_58 : f32 to vector<1024x128xf32>
    %select_n3A_59 = arith.select %eq3A, %concatenate3A_2, %broadcast_in_dim3A : vector<1024x128xi1>, vector<1024x128xf32>
    %get3A_60 = arith.constant 0 : index
    %get3A_61 = arith.constant 0 : index
    %get3A_62 = vector.load %arg0[%get3A_60, %get3A_61] : memref<10000x128xf32, #tpu.memory_space<vmem>>, vector<10000x128xf32>
    %reshape3A = vector.shape_cast %get3A_62 : vector<10000x128xf32> to vector<1250x1024xf32>
    %dot_general3A = arith.constant dense<0.000000e+00> : vector<1250x128xf32>
    %dot_general3A_63 = tpu.matmul %reshape3A, %select_n3A_59, %dot_general3A {dimension_numbers = #tpu.dot_dimension_numbers<[1], [0], [0], [1], [0, 0, 1, 1], [], []>, transpose_lhs_hint = false} : vector<1250x1024xf32>, vector<1024x128xf32>, vector<1250x128xf32> -> vector<1250x128xf32>
    %reshape3A_64 = vector.shape_cast %dot_general3A_63 : vector<1250x128xf32> to vector<160000xf32>
    %swap3A = arith.constant 0 : index
    %swap3A_65 = vector.load %arg2[%swap3A] : memref<163840xf32, #tpu.memory_space<vmem>>, vector<160000xf32>
    tpu.vector_store %arg2[%swap3A], %reshape3A_64 {strides = array<i32>} : memref<163840xf32, #tpu.memory_space<vmem>>, vector<160000xf32>,
    %broadcast_in_dim3A_66 = arith.constant 0.000000e+00 : f32
    %broadcast_in_dim3A_67 = vector.broadcast %broadcast_in_dim3A_66 : f32 to vector<3840xf32>
    %swap3A_68 = arith.constant 160000 : index
    %swap3A_69 = vector.load %arg2[%swap3A_68] : memref<163840xf32, #tpu.memory_space<vmem>>, vector<3840xf32>
    tpu.vector_store %arg2[%swap3A_68], %broadcast_in_dim3A_67 {strides = array<i32>} : memref<163840xf32, #tpu.memory_space<vmem>>, vector<3840xf32>,
    return
  }
}

module attributes {stable_mosaic.version = 14 : i64} {
  func.func @_tc2_body(%arg0: memref<327680xf32, #tpu.memory_space<vmem>>, %arg1: memref<327680xf32, #tpu.memory_space<vmem>>, %arg2: memref<163840xf32, #tpu.memory_space<vmem>>, %arg3: memref<163840xf32, #tpu.memory_space<vmem>>, %arg4: memref<16xf32, #tpu.memory_space<vmem>>, %arg5: memref<16x16xf32, #tpu.memory_space<vmem>>, %arg6: memref<16xf32, #tpu.memory_space<vmem>>, %arg7: memref<16xf32, #tpu.memory_space<vmem>>) attributes {dimension_semantics = [], scalar_prefetch = 0 : i64, scratch_operands = 0 : i64, tpu.core_type = #tpu.core_type<tc>} {
    %get3A = arith.constant 0 : index
    %get3A_0 = vector.load %arg0[%get3A] : memref<327680xf32, #tpu.memory_space<vmem>>, vector<327680xf32>
    %reshape3A = vector.shape_cast %get3A_0 : vector<327680xf32> to vector<2560x128xf32>
    %get3A_1 = arith.constant 0 : index
    %get3A_2 = vector.load %arg1[%get3A_1] : memref<327680xf32, #tpu.memory_space<vmem>>, vector<327680xf32>
    %reshape3A_3 = vector.shape_cast %get3A_2 : vector<327680xf32> to vector<2560x128xf32>
    %get3A_4 = arith.constant 0 : index
    %get3A_5 = vector.load %arg2[%get3A_4] : memref<163840xf32, #tpu.memory_space<vmem>>, vector<163840xf32>
    %reshape3A_6 = vector.shape_cast %get3A_5 : vector<163840xf32> to vector<1280x128xf32>
    %get3A_7 = arith.constant 0 : index
    %get3A_8 = vector.load %arg3[%get3A_7] : memref<163840xf32, #tpu.memory_space<vmem>>, vector<163840xf32>
    %reshape3A_9 = vector.shape_cast %get3A_8 : vector<163840xf32> to vector<1280x128xf32>
    %get3A_10 = arith.constant 0 : index
    %get3A_11 = vector.load %arg4[%get3A_10] : memref<16xf32, #tpu.memory_space<vmem>>, vector<16xf32>
    %concatenate3A = tpu.concatenate %get3A_11, %get3A_11, %get3A_11, %get3A_11, %get3A_11, %get3A_11, %get3A_11, %get3A_11 in 0 : vector<16xf32>, vector<16xf32>, vector<16xf32>, vector<16xf32>, vector<16xf32>, vector<16xf32>, vector<16xf32>, vector<16xf32> -> vector<128xf32>
    %slice3A = vector.extract_strided_slice %reshape3A {offsets = [0, 0], sizes = [1280, 128], strides = [1, 1]} : vector<2560x128xf32> to vector<1280x128xf32>
    %slice3A_12 = vector.extract_strided_slice %reshape3A {offsets = [1280, 0], sizes = [1280, 128], strides = [1, 1]} : vector<2560x128xf32> to vector<1280x128xf32>
    %add3A = arith.addf %slice3A, %slice3A_12 : vector<1280x128xf32>
    %add3A_13 = arith.addf %add3A, %reshape3A_6 : vector<1280x128xf32>
    %mul3A = arith.mulf %add3A_13, %reshape3A_9 : vector<1280x128xf32>
    %broadcast_in_dim3A = vector.shape_cast %concatenate3A : vector<128xf32> to vector<1x128xf32>
    %add3A_14 = vector.broadcast %broadcast_in_dim3A : vector<1x128xf32> to vector<1280x128xf32>
    %add3A_15 = arith.addf %mul3A, %add3A_14 : vector<1280x128xf32>
    %max3A = arith.constant 0.000000e+00 : f32
    %max3A_16 = vector.broadcast %max3A : f32 to vector<1280x128xf32>
    %max3A_17 = arith.maximumf %add3A_15, %max3A_16 : vector<1280x128xf32>
    %slice3A_18 = vector.extract_strided_slice %reshape3A_3 {offsets = [0, 0], sizes = [1280, 128], strides = [1, 1]} : vector<2560x128xf32> to vector<1280x128xf32>
    %slice3A_19 = vector.extract_strided_slice %reshape3A_3 {offsets = [1280, 0], sizes = [1280, 128], strides = [1, 1]} : vector<2560x128xf32> to vector<1280x128xf32>
    %add3A_20 = arith.addf %slice3A_18, %slice3A_19 : vector<1280x128xf32>
    %add3A_21 = arith.addf %add3A_20, %reshape3A_9 : vector<1280x128xf32>
    %mul3A_22 = arith.mulf %reshape3A_9, %add3A_21 : vector<1280x128xf32>
    %mul3A_23 = arith.mulf %max3A_17, %mul3A_22 : vector<1280x128xf32>
    %iota3A = tpu.iota {dimensions = array<i32: 0>} : vector<1280x128xi32>
    %lt3A = arith.constant 1250 : i32
    %lt3A_24 = vector.broadcast %lt3A : i32 to vector<1280x128xi32>
    %lt3A_25 = arith.cmpi slt, %iota3A, %lt3A_24 : vector<1280x128xi32>
    %jit3A = arith.constant 0.000000e+00 : f32
    %broadcast_in_dim3A_26 = vector.broadcast %jit3A : f32 to vector<1280x128xf32>
    %select_n3A = arith.select %lt3A_25, %mul3A_23, %broadcast_in_dim3A_26 : vector<1280x128xi1>, vector<1280x128xf32>
    %reduce_sum3A = arith.constant dense<0.000000e+00> : vector<128xf32>
    %reduce_sum3A_27 = vector.multi_reduction <add>, %select_n3A, %reduce_sum3A [0] : vector<1280x128xf32> to vector<128xf32>
    %slice3A_28 = vector.extract_strided_slice %reduce_sum3A_27 {offsets = [0], sizes = [16], strides = [1]} : vector<128xf32> to vector<16xf32>
    %slice3A_29 = vector.extract_strided_slice %reduce_sum3A_27 {offsets = [16], sizes = [16], strides = [1]} : vector<128xf32> to vector<16xf32>
    %add3A_30 = arith.addf %slice3A_28, %slice3A_29 : vector<16xf32>
    %slice3A_31 = vector.extract_strided_slice %reduce_sum3A_27 {offsets = [32], sizes = [16], strides = [1]} : vector<128xf32> to vector<16xf32>
    %add3A_32 = arith.addf %add3A_30, %slice3A_31 : vector<16xf32>
    %slice3A_33 = vector.extract_strided_slice %reduce_sum3A_27 {offsets = [48], sizes = [16], strides = [1]} : vector<128xf32> to vector<16xf32>
    %add3A_34 = arith.addf %add3A_32, %slice3A_33 : vector<16xf32>
    %slice3A_35 = vector.extract_strided_slice %reduce_sum3A_27 {offsets = [64], sizes = [16], strides = [1]} : vector<128xf32> to vector<16xf32>
    %add3A_36 = arith.addf %add3A_34, %slice3A_35 : vector<16xf32>
    %slice3A_37 = vector.extract_strided_slice %reduce_sum3A_27 {offsets = [80], sizes = [16], strides = [1]} : vector<128xf32> to vector<16xf32>
    %add3A_38 = arith.addf %add3A_36, %slice3A_37 : vector<16xf32>
    %slice3A_39 = vector.extract_strided_slice %reduce_sum3A_27 {offsets = [96], sizes = [16], strides = [1]} : vector<128xf32> to vector<16xf32>
    %add3A_40 = arith.addf %add3A_38, %slice3A_39 : vector<16xf32>
    %slice3A_41 = vector.extract_strided_slice %reduce_sum3A_27 {offsets = [112], sizes = [16], strides = [1]} : vector<128xf32> to vector<16xf32>
    %add3A_42 = arith.addf %add3A_40, %slice3A_41 : vector<16xf32>
    %get3A_43 = arith.constant 0 : index
    %get3A_44 = arith.constant 0 : index
    %get3A_45 = vector.load %arg5[%get3A_43, %get3A_44] : memref<16x16xf32, #tpu.memory_space<vmem>>, vector<16x16xf32>
    %broadcast_in_dim3A_46 = vector.shape_cast %add3A_42 : vector<16xf32> to vector<16x1xf32>
    %mul3A_47 = vector.broadcast %broadcast_in_dim3A_46 : vector<16x1xf32> to vector<16x16xf32>
    %mul3A_48 = arith.mulf %get3A_45, %mul3A_47 : vector<16x16xf32>
    %reduce_sum3A_49 = arith.constant dense<0.000000e+00> : vector<16xf32>
    %reduce_sum3A_50 = vector.multi_reduction <add>, %mul3A_48, %reduce_sum3A_49 [0] : vector<16x16xf32> to vector<16xf32>
    %mul3A_51 = arith.constant 9.99999974E-5 : f32
    %mul3A_52 = vector.broadcast %mul3A_51 : f32 to vector<16xf32>
    %mul3A_53 = arith.mulf %reduce_sum3A_50, %mul3A_52 : vector<16xf32>
    %get3A_54 = arith.constant 0 : index
    %get3A_55 = vector.load %arg6[%get3A_54] : memref<16xf32, #tpu.memory_space<vmem>>, vector<16xf32>
    %add3A_56 = arith.addf %mul3A_53, %get3A_55 : vector<16xf32>
    %swap3A = arith.constant 0 : index
    %swap3A_57 = vector.load %arg7[%swap3A] : memref<16xf32, #tpu.memory_space<vmem>>, vector<16xf32>
    tpu.vector_store %arg7[%swap3A], %add3A_56 {strides = array<i32>} : memref<16xf32, #tpu.memory_space<vmem>>, vector<16xf32>,
    return
  }
}

</mosaic_0001>

<sc_bundles>
// kernel: kernel.5.cloned.1.call-start
scs
__scs_entry_jumppad:
0x0: {  	(pc) =	sbr.rel $0x88, $3  }
0x1: {  	(tag) =	ssettag $0x0;
	lr =	simm.s32 $0x1  }
0x2: {  	[smem:$0x3F9B] =	sst lr;
	_ =	strace $0xD0000000  }
0x3: {  	_ = 	snop  }
0x4: {  	_ = 	snop  }
0x5: {  	_ = 	snop  }
0x6: {  	_ = 	snop  }
0x7: {  	_ = 	snop  }
__scs_overlays_trampoline_lowered:
0x8: {  	[smem:$0x3FAA] =	sst s0  }
0x9: {  	[smem:$0x3FAB] =	sst s1  }
0xa: {  	[smem:$0x3FAC] =	sst s2  }
0xb: {  	[smem:$0x3FAD] =	sst s3  }
0xc: {  	[smem:$0x3FAE] =	sst s4  }
0xd: {  	[smem:$0x3FAF] =	sst s5  }
0xe: {  	[smem:$0x3FB0] =	sst s6  }
0xf: {  	[smem:$0x3FB1] =	sst s7  }
0x10: {  	[smem:$0x3FB2] =	sst s8  }
0x11: {  	[smem:$0x3FB3] =	sst s9;
	s0 =	simm.s32 @!p0 $0x0  }
0x12: {  	s1 =	sld [smem:$0x3F99];
	s0 =	simm.s32 @p0 $0x1  }
0x13: {  	[smem:$0x3FB4] =	sst s0;
	s0 =	simm.s32 @!p1 $0x0  }
0x14: {  	s2 =	sld [smem:$0x3F98];
	s0 =	simm.s32 @p1 $0x1  }
0x15: {  	[smem:$0x3FB5] =	sst s0;
	s0 =	simm.s32 @!p2 $0x0  }
0x16: {  	s3 =	sld [smem:$0x3FDB];
	s0 =	simm.s32 @p2 $0x1  }
0x17: {  	s4 =	simm.s32 $0x1BF5;
	[smem:$0x3FB7] =	sst s0  }
0x18: {  	s0 =	sld [smem:$0x3F9A];
	_ =	swait.ge [sflag:s4], $0x0  }
0x19: {  	s7 =	sld [smem:$0x3F9B]  }
0x1a: {  	s8 =	sadd.s32 $0xFFFFE003, lr  }
0x1b: {  	s9 =	sadd.s32 $0xFFFFFEF7, lr;
	s5 =	simm.s32 $0xFFFFFFFF;
	p2 =	slt.u32 s8, $0xFFFFF086  }
0x1c: {  	p1 =	slt.u32 s9, $0xF7A;
	s5 =	simm.s32 @!p2 $0x0  }
0x1d: {  	s5 =	simm.s32 @p1 $0x1;
	p0 =	seq.s32 s7, s2  }
0x1e: {  	s7 =	smul.u32 @!p0 $0xF7A, s2;
	p2 =	seq.s32 @!p0 s5, $0x0  }
0x1f: {  	s9 =	smul.u32 $0xF7A, s1;
	s8 =	simm.s32 @!p0 $0x1BF5;
	p2 =	por !p2, p0  }
0x20: {  	[sflag:s8] =	ssyncset.s32 @!p0 $0xFFFFF086;
	s6 =	sadd.s32 @!p0 s3, s7;
	s7 =	simm.s32 @!p0 $0x108  }
0x21: {  	s3 =	sadd.s32 s3, s9;
	s6 =	sadd.s32 @!p0 $0x88, s6;
	s7 =	simm.s32 @p2 $0x1082  }
0x22: {  	[simem:s7], [sflag:s8] =	dma.local @!p0 [hbm:s6], $0xF7A  }
0x23: {  	s9 =	sor.u32 $0xD0000000, s2;
	s6 =	simm.s32 $0x108;
	_ =	swait.ge @!p0 [sflag:s8], $0x0  }
0x24: {  	s3 =	sadd.s32 $0x88, s3;
	s6 =	simm.s32 @!p1 $0x1082;
	[sflag:s4] =	ssyncset.s32 $0xFFFFF086  }
0x25: {  	[simem:s6], [sflag:s4] =	dma.local [hbm:s3], $0xF7A  }
0x26: {  	[smem:$0x3F9B] =	sst s1;
	(tag) =	ssettag s2;
	_ =	strace s9  }
0x27: {  	s1 =	sld [smem:$0x3FAB]  }
0x28: {  	s2 =	sld [smem:$0x3FAC]  }
0x29: {  	s4 =	sld [smem:$0x3FAE]  }
0x2a: {  	p0 =	seq.s32 s5, $0x0;
	s5 =	sld [smem:$0x3FAF]  }
0x2b: {  	s6 =	sld [smem:$0x3FB0]  }
0x2c: {  	s7 =	sld [smem:$0x3FB1]  }
0x2d: {  	s3 =	simm.s32 $0x108;
	s8 =	sld [smem:$0x3FB2]  }
0x2e: {  	s3 =	simm.s32 @!p0 $0x1082;
	s9 =	sld [smem:$0x3FB3]  }
0x2f: {  	lr =	sadd.s32 s0, s3;
	s0 =	sld [smem:$0x3FAA]  }
0x30: {  	s3 =	sld [smem:$0x3FAD]  }
0x31: {  	[smem:$0x3FB6] =	sst s10  }
0x32: {  	s10 =	sld [smem:$0x3FB4];
	_ =	sdelay $0x3  }
0x33: {  	p0 =	seq.s32 s10, $0x1;
	s10 =	sld [smem:$0x3FB6];
	_ =	sdelay $0x3  }
0x34: {  	[smem:$0x3FB6] =	sst s10  }
0x35: {  	s10 =	sld [smem:$0x3FB5];
	_ =	sdelay $0x3  }
0x36: {  	p1 =	seq.s32 s10, $0x1;
	s10 =	sld [smem:$0x3FB6];
	_ =	sdelay $0x3  }
0x37: {  	[smem:$0x3FB6] =	sst s10  }
0x38: {  	s10 =	sld [smem:$0x3FB7]  }
0x39: {  	_ = 	snop;
	(pc) =	sbr.ind lr, $3  }
0x3a: {  	_ = 	snop  }
0x3b: {  	_ = 	snop  }
0x3c: {  	p2 =	seq.s32 s10, $0x1;
	s10 =	sld [smem:$0x3FB6]  }
0x3d: {  	_ =	shalt  }
0x3e: {  	_ =	shalt  }
0x3f: {  	_ =	shalt  }
0x40: {  	_ =	shalt  }
0x41: {  	_ =	shalt  }
0x42: {  	_ =	shalt  }
0x43: {  	_ =	shalt  }
0x44: {  	_ =	shalt  }
0x45: {  	_ =	shalt  }
0x46: {  	_ =	shalt  }
0x47: {  	_ =	shalt  }
0x48: {  	_ =	shalt  }
0x49: {  	_ =	shalt  }
0x4a: {  	_ =	shalt  }
0x4b: {  	_ =	shalt  }
0x4c: {  	_ =	shalt  }
0x4d: {  	_ =	shalt  }
0x4e: {  	_ =	shalt  }
0x4f: {  	_ =	shalt  }
0x50: {  	_ =	shalt  }
0x51: {  	_ =	shalt  }
0x52: {  	_ =	shalt  }
0x53: {  	_ =	shalt  }
0x54: {  	_ =	shalt  }
0x55: {  	_ =	shalt  }
0x56: {  	_ =	shalt  }
0x57: {  	_ =	shalt  }
0x58: {  	_ =	shalt  }
0x59: {  	_ =	shalt  }
0x5a: {  	_ =	shalt  }
0x5b: {  	_ =	shalt  }
0x5c: {  	_ =	shalt  }
0x5d: {  	_ =	shalt  }
0x5e: {  	_ =	shalt  }
0x5f: {  	_ =	shalt  }
0x60: {  	_ =	shalt  }
0x61: {  	_ =	shalt  }
0x62: {  	_ =	shalt  }
0x63: {  	_ =	shalt  }
0x64: {  	_ =	shalt  }
0x65: {  	_ =	shalt  }
0x66: {  	_ =	shalt  }
0x67: {  	_ =	shalt  }
0x68: {  	_ =	shalt  }
0x69: {  	_ =	shalt  }
0x6a: {  	_ =	shalt  }
0x6b: {  	_ =	shalt  }
0x6c: {  	_ =	shalt  }
0x6d: {  	_ =	shalt  }
0x6e: {  	_ =	shalt  }
0x6f: {  	_ =	shalt  }
0x70: {  	_ =	shalt  }
0x71: {  	_ =	shalt  }
0x72: {  	_ =	shalt  }
0x73: {  	_ =	shalt  }
0x74: {  	_ =	shalt  }
0x75: {  	_ =	shalt  }
0x76: {  	_ =	shalt  }
0x77: {  	_ =	shalt  }
0x78: {  	_ =	shalt  }
0x79: {  	_ =	shalt  }
0x7a: {  	_ =	shalt  }
0x7b: {  	_ =	shalt  }
0x7c: {  	_ =	shalt  }
0x7d: {  	_ =	shalt  }
0x7e: {  	_ =	shalt  }
0x7f: {  	_ =	shalt  }
0x80: {  	_ =	shalt  }
0x81: {  	_ =	shalt  }
0x82: {  	_ =	shalt  }
0x83: {  	_ =	shalt  }
0x84: {  	_ =	shalt  }
0x85: {  	_ =	shalt  }
0x86: {  	_ =	shalt  }
0x87: {  	_ =	shalt  }
.Lfunc_end0:
.L_simem_size_0:
called_computation_lowered:
.L_overlay_start_0:
0x88: {  	s2 =	sld [smem:$0x3FD9]  }
0x89: {  	s3 =	sld [smem:$0x3FFE];
	_ =	sdelay $0x1  }
0x8a: {  	s1 =	srdreg.scid  }
0x8b: {  	s0 =	sand.u32 $0x1, s1  }
0x8c: {  	s17 =	sshll.u32 s0, $0xA;
	s2 =	sadd.s32 s3, s2  }
0x8d: {  	s2 =	sadd.s32 s2, s17  }
0x8e: {  	[smem:$0x3FC2] =	sst s2  }
0x8f: {  	_ = 	snop  }
0x90: {  	s2 =	sld [smem:$0x3FC8];
	(tm) =	ssettm $0x1  }
0x91: {  	s18 =	sld [smem:$0x3FFB];
	_ =	sdelay $0x3  }
0x92: {  	_ =	strace s18  }
0x93: {  	s3 =	sld [smem:$0x3FFC];
	_ =	sdelay $0x3  }
0x94: {  	_ =	strace s3  }
0x95: {  	s3 =	sld [smem:$0x3FFD];
	_ =	sdelay $0x3  }
0x96: {  	_ =	strace s3  }
0x97: {  	_ =	strace $0x8FFFFFFF  }
0x98: {  	s19 =	sld [smem:$0x3FDB];
	_ =	sdelay $0x1  }
0x99: {  	s4 =	simm.s32 $_scs_section_size  }
0x9a: {  	s5 =	simm.s32 $_size__tile_overlayer_lowered;
	s6 =	simm.s32 $_tile_overlayer_lowered  }
0x9b: {  	s22 =	simm.s32 $0x1BFF;
	s21 =	sshll.u32 s6, $0x1;
	s3 =	sadd.s32 s4, s19  }
0x9c: {  	s7 =	simm.s32 $0x0;
	s20 =	sshll.u32 s5, $0x1;
	s5 =	sadd.s32 s21, s3  }
0x9d: {  	[timem:s7], [sflag:s22] =	dma.local [hbm:s5], s20  }
0x9e: {  	_ =	swait.ge [sflag:s22], s20  }
0x9f: {  	s4 =	ssub.s32 $0x0, s20;
	[sflag:s22] =	ssyncset.done $0x0  }
0xa0: {  	[sflag:s22] =	ssyncadd.s32 s4;
	_ =	sdelay $0x1  }
0xa1: {  	s23 =	simm.s32 $0x1B8B  }
0xa2: {  	_ =	swait.ge [sflag:s23], $0x1  }
0xa3: {  	[sflag:s23] =	ssyncset.done $0x0  }
0xa4: {  	s25 =	simm.s32 $0x1B8E;
	s24 =	sld [smem:$0x3FFE];
	[sflag:s23] =	ssyncadd.s32 $0xFFFFFFFF  }
0xa5: {  	s26 =	simm.s32 $execute0_lowered;
	[smem:$0x3FD2] =	sst s25  }
0xa6: {  	s5 =	sshll.u32 s26, $0x1;
	_ =	strace $0x80000046;
	[dreg:$0x1] =	wrdreg $0xFFFFFFFF  }
0xa7: {  	s28 =	simm.s32 $_size_execute0_lowered;
	s3 =	sadd.s32 s3, s5;
	[dreg:$0x0] =	wrdreg $0x0  }
0xa8: {  	s5 =	sshll.u32 s28, $0x1;
	[dreg:$0x2] =	wrdreg s3  }
0xa9: {  	[dreg:$0x3] =	wrdreg s5  }
0xaa: {  	[dreg:$0x4] =	wrdreg $0xC0  }
0xab: {  	_ =	task [dreg:s7], $0x5FFFF  }
0xac: {  	[dreg:$0x1] =	wrdreg $0xFFFFFFFF  }
0xad: {  	[dreg:$0x0] =	wrdreg $0x60  }
0xae: {  	[dreg:$0x2] =	wrdreg s2  }
0xaf: {  	[dreg:$0x3] =	wrdreg s24  }
0xb0: {  	[dreg:$0x4] =	wrdreg $0x17A000  }
0xb1: {  	[dreg:$0x5] =	wrdreg $0x1A2000  }
0xb2: {  	[dreg:$0x6] =	wrdreg $0x1A4800  }
0xb3: {  	[dreg:$0x7] =	wrdreg $0x9  }
0xb4: {  	_ =	task.clear_ibuf [dreg:s7], $0x8FFFF;
	_ =	strace $0x90000046  }
0xb5: {  	s29 =	simm.s32 $0x9;
	_ =	strace $0x80000048  }
0xb6: {  	_ =	swait.ge [sflag:s29], $0x1  }
0xb7: {  	[sflag:s29] =	ssyncadd.s32 $0xFFFFFFFF  }
0xb8: {  	_ =	strace $0x90000048  }
0xb9: {  	_ =	sfence  }
0xba: {  	s30 =	sld [smem:$0x0];
	_ =	sdelay $0x2  }
0xbb: {  	s31 =	sshll.u32 s1, $0xD;
	s1 =	sshrl.u32 s1, $0x2  }
0xbc: {  	s3 =	sand.u32 $0x4000, s31;
	s1 =	sadd.s32 s1, s30  }
0xbd: {  	s0 =	sor.u32 s3, s0;
	s1 =	sshll.u32 s1, $0x11  }
0xbe: {  	s0 =	sor.u32 s1, s0  }
0xbf: {  	s0 =	sadd.s32 $0x8F2B, s0  }
0xc0: {  	[sflag:s0] =	ssyncadd.remote.s32 $0x1  }
0xc1: {  	_ =	sfence.sel $0xFFFF  }
0xc2: {  	[dreg:$0x0] =	wrdreg $0xFFFFFFFF;
	(pc) =	sbr.abs _section_cstart, $3  }
0xc3: {  	[dreg:$0x1] =	wrdreg $0xFFFFFFFF  }
0xc4: {  	_ =	task.clear_ibuf [dreg:s7], $0x2FFFF;
	_ =	strace $0x9FFFFFFF  }
0xc5: {  	(tm) =	ssettm $0x7FFFFFFF  }
tec
execute0_lowered:
.L_overlay_start_1:
0x0: {  	(tag) =	ssettag $0x1  }
0x1: {  	s0 =	rddreg [dreg:$0x0]  }
0x2: {  	s1 =	rddreg [dreg:$0x1]  }
0x3: {  	s3 =	srdreg.scid;
	s2 =	rddreg [dreg:$0x2]  }
0x4: {  	s16 =	stileid.u32;
	s4 =	rddreg [dreg:$0x4];
	s7 =	simm.s32 $0x0  }
0x5: {  	s28 =	simm.s32 $0x3;
	s29 =	simm.s32 $0x2;
	s30 =	simm.s32 $0x80  }
0x6: {  	s5 =	sand.u32 $0x1, s3;
	s10 =	smul.u32 $0x280, s16;
	s3 =	rddreg [dreg:$0x3]  }
0x7: {  	s31 =	simm.s32 $0x5;
	[smem:$0x7FF] =	sst s7;
	s8 =	smul.u32 $0x2800, s16  }
0x8: {  	s7 =	sadd.s32 $0x1AC00, s1;
	s15 =	sshll.u32 s16, $0x1;
	s6 =	smul.u32 $0x2800, s5  }
0x9: {  	_ =	strace $0x80000047;
	s9 =	ssub.s32 $0x2, s5;
	s15 =	sor.u32 s5, s15  }
0xa: {  	s5 =	smul.u32 $0x9C4, s5;
	s12 =	sshrl.u32 s8, $0x3;
	s13 =	sshrl.u32 s9, $0x1  }
0xb: {  	s8 =	sadd.s32 s8, s2;
	s15 =	smul.u32 $0x9C4, s15;
	s6 =	sadd.s32 s10, s6  }
0xc: {  	s19 =	ssub.s32 s9, s13;
	s9 =	sadd.s32 s10, s3;
	s10 =	sadd.s32 s10, s4  }
0xd: {  	s14 =	sshll.u32 s6, $0x1;
	s6 =	sadd.s32 $0x6A00, s1;
	s20 =	sadd.s32 $0x9C4, s15  }
0xe: {  	s15 =	sadd.s32 s7, s12;
	s11 =	sadd.s32 s14, s1;
	s14 =	smul.u32 $0x9C4, s16  }
0xf: {  	s19 =	smax.u32 s19, $0x1;
	s1 =	sadd.s32 s12, s1;
	s16 =	smul.u32 $0x1388, s16  }
0x10: {  	s24 =	sadd.s32 $0x1A00, s1;
	s17 =	sadd.s32 $0x9C4, s14;
	s18 =	sshrl.u32 s14, $0x4  }
0x11: {  	s14 =	sshrl.u32 s20, $0x5;
	[dreg:$0x8] =	wrdreg s24;
	s25 =	sadd.s32 s5, s16  }
0x12: {  	s16 =	sadd.s32 $0x1FC00, s1;
	s24 =	simm.s32 $0x1;
	s1 =	simm.s32 $0x0  }
0x13: {  	s13 =	sshrl.u32 s17, $0x4;
	s21 =	sshll.u32 s18, $0x5;
	s14 =	ssub.s32 s14, s18  }
0x14: {  	s17 =	sadd.s32 $0x6C00, s11;
	s26 =	sshll.u32 s18, $0xA;
	s13 =	ssub.s32 s13, s18  }
0x15: {  	s0 =	sadd.s32 s0, s21;
	s23 =	sshll.u32 s14, $0xA;
	s18 =	sadd.s32 $0x10C00, s11  }
0x16: {  	s21 =	simm.s32 $0x12780;
	[dreg:$0x6] =	wrdreg s0;
	s0 =	sshra.s32 s23, $0x2  }
0x17: {  	s13 =	sshll.u32 s13, $0xA;
	[dreg:$0x9] =	wrdreg s0;
	s0 =	sshll.u32 s25, $0x5  }
0x18: {  	s23 =	simm.s32 $0x17780;
	s22 =	sshra.s32 s13, $0x2;
	s0 =	sand.u32 $0x7FFC00, s0  }
0x19: {  	s25 =	simm.s32 $0x4;
	[dreg:$0x7] =	wrdreg s22;
	s0 =	ssub.s32 s0, s26  }
0x1a: {  	v0 =	vimm.f32 $0.0e+00;
	v1 =	vimm.f32 $1.000000000e+00;
	s22 =	simm.s32 $0x6;
	s26 =	simm.s32 $0x14F80;
	s20 =	sshra.s32 s0, $0x2  }
.LBB2_1:
0x1b: {  	s0 =	simm.s32 $0x40;
	s5 =	simm.s32 $0x0  }
.LBB2_2:
0x1c: {  	p0 =	sne.s32 s0, $0x9FC0;
	[tilespmem:s5+$0x12780] =	vst v0;
	s5 =	smov.u32 s0;
	s0 =	sadd.s32 $0x40, s0  }
.Ltmp0:
0x1d: {  	(pc) =	sbr.rel @p0 .LBB2_2-.Ltmp0, $2  }
0x1e: {  	_ =	sdelay $0x2  }
0x1f: {  	s5 =	sshra.s32 s5, $0x2  }
0x20: {  	[tilespmem:s5+$0x12780] =	vst v0  }
0x21: {  	[tilespmem:$0x17780] =	vst v0  }
0x22: {  	[tilespmem:$0x17790] =	vst v0  }
0x23: {  	[tilespmem:$0x177A0] =	vst v0  }
0x24: {  	[tilespmem:$0x177B0] =	vst v0  }
0x25: {  	[tilespmem:$0x177C0] =	vst v0  }
0x26: {  	[tilespmem:$0x177D0] =	vst v0  }
0x27: {  	[tilespmem:$0x177E0] =	vst v0  }
0x28: {  	[tilespmem:$0x177F0] =	vst v0  }
0x29: {  	[tilespmem:$0x17800] =	vst v0  }
0x2a: {  	[tilespmem:$0x17810] =	vst v0  }
0x2b: {  	[tilespmem:$0x17820] =	vst v0  }
0x2c: {  	[tilespmem:$0x17830] =	vst v0  }
0x2d: {  	[tilespmem:$0x17840] =	vst v0  }
0x2e: {  	[tilespmem:$0x17850] =	vst v0  }
0x2f: {  	[tilespmem:$0x17860] =	vst v0  }
0x30: {  	[tilespmem:$0x17870] =	vst v0  }
0x31: {  	[tilespmem:$0x17880] =	vst v0  }
0x32: {  	[tilespmem:$0x17890] =	vst v0  }
0x33: {  	[tilespmem:$0x178A0] =	vst v0  }
0x34: {  	[tilespmem:$0x178B0] =	vst v0  }
0x35: {  	[tilespmem:$0x178C0] =	vst v0  }
0x36: {  	[tilespmem:$0x178D0] =	vst v0  }
0x37: {  	[tilespmem:$0x178E0] =	vst v0  }
0x38: {  	[tilespmem:$0x178F0] =	vst v0  }
0x39: {  	[tilespmem:$0x17900] =	vst v0  }
0x3a: {  	[tilespmem:$0x17910] =	vst v0  }
0x3b: {  	[tilespmem:$0x17920] =	vst v0  }
0x3c: {  	[tilespmem:$0x17930] =	vst v0  }
0x3d: {  	[tilespmem:$0x17940] =	vst v0  }
0x3e: {  	[tilespmem:$0x17950] =	vst v0  }
0x3f: {  	[tilespmem:$0x17960] =	vst v0  }
0x40: {  	[tilespmem:$0x17970] =	vst v0  }
0x41: {  	[tilespmem:$0x17980] =	vst v0  }
0x42: {  	[tilespmem:$0x17990] =	vst v0  }
0x43: {  	[tilespmem:$0x179A0] =	vst v0  }
0x44: {  	[tilespmem:$0x179B0] =	vst v0  }
0x45: {  	[tilespmem:$0x179C0] =	vst v0  }
0x46: {  	[tilespmem:$0x179D0] =	vst v0  }
0x47: {  	[tilespmem:$0x179E0] =	vst v0  }
0x48: {  	[tilespmem:$0x179F0] =	vst v0  }
0x49: {  	[tilespmem:$0x9F00] =	vst v1  }
0x4a: {  	[tilespmem:$0x9F10] =	vst v1  }
0x4b: {  	[tilespmem:$0x9F20] =	vst v1  }
0x4c: {  	[tilespmem:$0x9F30] =	vst v1  }
0x4d: {  	[tilespmem:$0x9F40] =	vst v1  }
0x4e: {  	[tilespmem:$0x9F50] =	vst v1  }
0x4f: {  	[tilespmem:$0x9F60] =	vst v1  }
0x50: {  	[tilespmem:$0x9F70] =	vst v1  }
0x51: {  	[spmem:s8] =	stream.linear.scatter [tilespmem:s21], [sflag:$0x6], $0x2800, $0x38;
	[tilespmem:$0x1A700] =	vst v63  }
0x52: {  	_ =	swait.ge [sflag:s22], $0x2800  }
0x53: {  	[sflag:s22] =	ssyncset.done $0x0  }
0x54: {  	[sflag:s22] =	ssyncadd.s32 $0xFFFFD800  }
0x55: {  	[spmem:s9] =	stream.linear.scatter [tilespmem:s23], [sflag:$0x6], $0x280, $0x38;
	[tilespmem:$0x1A700] =	vst v63  }
0x56: {  	_ =	swait.ge [sflag:s22], $0x280  }
0x57: {  	[sflag:s22] =	ssyncset.done $0x0  }
0x58: {  	[sflag:s22] =	ssyncadd.s32 $0xFFFFFD80  }
0x59: {  	[spmem:s10] =	stream.linear.scatter [tilespmem:s23], [sflag:$0x6], $0x280, $0x38;
	[tilespmem:$0x1A700] =	vst v63  }
0x5a: {  	_ =	swait.ge [sflag:s22], $0x280  }
0x5b: {  	[sflag:s22] =	ssyncset.done $0x0  }
0x5c: {  	s0 =	simm.s32 $0x0;
	s12 =	rddreg [dreg:$0x6];
	[sflag:s22] =	ssyncadd.s32 $0xFFFFFD80  }
0x5d: {  	[tilespmem:s0], [sflag:$0x6] =	stream.linear.gather [hbm4b:s12+s0], $0x9D00, $0x38;
	[tilespmem:$0x1A700] =	vst v63  }
0x5e: {  	_ =	swait.ge [sflag:s22], $0x9D00  }
0x5f: {  	[sflag:s22] =	ssyncset.done $0x0  }
0x60: {  	s13 =	rddreg [dreg:$0x7];
	[sflag:s22] =	ssyncadd.s32 $0xFFFF6300  }
0x61: {  	[tilespmem:s13], [sflag:$0x6] =	stream.linear.gather [hbm4b:s6+s0], $0x200, $0x38;
	[tilespmem:$0x1A700] =	vst v63  }
0x62: {  	_ =	swait.ge [sflag:s22], $0x200  }
0x63: {  	[sflag:s22] =	ssyncset.done $0x0  }
0x64: {  	s14 =	rddreg [dreg:$0x8];
	[sflag:s22] =	ssyncadd.s32 $0xFFFFFE00  }
0x65: {  	[tilespmem:s21], [sflag:$0x4] =	stream.linear.gather [hbm4b:s14+s0], $0x2800, $0x38;
	[tilespmem:$0x1A700] =	vst v63  }
0x66: {  	s5 =	simm.s32 $0x80;
	[bflag:$0x0] =	sbarrier.arrive $0xFFFF  }
.LBB2_4:
0x67: {  	p0 =	sgt.u32 s0, $0x9D  }
0x68: {  	s11 =	simm.s32 @!p0 $0x80;
	s12 =	simm.s32 @!p0 $0x9F00;
	p1 =	slt.u32 @!p0 s0, $0x10  }
0x69: {  	[spmem:s4] =	stream.indirect.scatter.add.f32 @!p0 [tilespmem:s12], [sflag:$0x1], $0x1, s5, s11, $0xb8;
	[tilespmem:$0x1A700] =	vst v63  }
0x6a: {  	p0 =	por p0, !p1  }
0x6b: {  	_ =	swait.ge @p0 [sflag:s24], $0x80  }
0x6c: {  	s0 =	sadd.s32 $0x1, s0;
	[sflag:s24] =	ssyncset.done @p0 $0x0  }
0x6d: {  	[sflag:s24] =	ssyncadd.s32 @p0 $0xFFFFFF80;
	p0 =	sne.s32 s0, $0xAE  }
.Ltmp1:
0x6e: {  	_ = 	snop;
	(pc) =	sbr.rel @p0 .LBB2_4-.Ltmp1, $2  }
0x6f: {  	_ =	sdelay $0x2  }
0x70: {  	s5 =	sadd.s32 $0x100, s5  }
0x71: {  	[bflag:$0x0] =	sbarrier.arrive $0xFFFF  }
0x72: {  	s0 =	simm.s32 $0x0;
	s5 =	rddreg [dreg:$0x9]  }
0x73: {  	[tilespmem:s5], [sflag:$0x6] =	stream.linear.gather [hbm4b:s6+s0], $0x200, $0x38;
	[tilespmem:$0x1A700] =	vst v63  }
0x74: {  	_ =	swait.ge [sflag:s22], $0x200  }
0x75: {  	[sflag:s22] =	ssyncset.done $0x0  }
0x76: {  	[sflag:s22] =	ssyncadd.s32 $0xFFFFFE00  }
0x77: {  	_ =	swait.ge [sflag:s25], $0x2800  }
0x78: {  	[sflag:s25] =	ssyncset.done $0x0  }
0x79: {  	[sflag:s25] =	ssyncadd.s32 $0xFFFFD800  }
0x7a: {  	[tilespmem:s23], [sflag:$0x6] =	stream.linear.gather [spmem:s10], $0x280, $0x38;
	[tilespmem:$0x1A700] =	vst v63  }
0x7b: {  	_ =	swait.ge [sflag:s22], $0x280  }
0x7c: {  	[sflag:s22] =	ssyncset.done $0x0  }
0x7d: {  	s0 =	simm.s32 $0x0;
	s5 =	simm.s32 $0x40;
	[sflag:s22] =	ssyncadd.s32 $0xFFFFFD80  }
.LBB2_6:
0x7e: {  	p0 =	sne.s32 s5, $0x9C0;
	v2 =	vld [tilespmem:s0+$0x17780];
	_ =	sdelay $0x4  }
0x7f: {  	v2 =	vadd.f32 $1.000000000e+00, v2;
	_ =	sdelay $0x1  }
0x80: {  	v3 =	vshra.s32 v2, $0x1;
	v2 =	vmul.f32 $5.000000000e-01, v2  }
0x81: {  	v3 =	vsub.s32 $0x5F3759DF, v3  }
0x82: {  	v4 =	vmul.f32 v3, v2;
	_ =	sdelay $0x1  }
0x83: {  	v4 =	vmul.f32 v3, v4;
	_ =	sdelay $0x1  }
0x84: {  	v4 =	vsub.f32 $1.500000000e+00, v4;
	_ =	sdelay $0x1  }
0x85: {  	v3 =	vmul.f32 v3, v4;
	_ =	sdelay $0x1  }
0x86: {  	v4 =	vmul.f32 v3, v2;
	_ =	sdelay $0x1  }
0x87: {  	v4 =	vmul.f32 v4, v3;
	_ =	sdelay $0x1  }
0x88: {  	v4 =	vsub.f32 $1.500000000e+00, v4;
	_ =	sdelay $0x1  }
0x89: {  	v3 =	vmul.f32 v4, v3;
	_ =	sdelay $0x1  }
0x8a: {  	v4 =	vmul.f32 v3, v2;
	_ =	sdelay $0x1  }
0x8b: {  	v4 =	vmul.f32 v4, v3;
	_ =	sdelay $0x1  }
0x8c: {  	v4 =	vsub.f32 $1.500000000e+00, v4;
	_ =	sdelay $0x1  }
0x8d: {  	v3 =	vmul.f32 v4, v3;
	_ =	sdelay $0x1  }
0x8e: {  	v2 =	vmul.f32 v3, v2;
	_ =	sdelay $0x1  }
0x8f: {  	v2 =	vmul.f32 v2, v3;
	_ =	sdelay $0x1  }
.Ltmp2:
0x90: {  	v2 =	vsub.f32 $1.500000000e+00, v2;
	(pc) =	sbr.rel @p0 .LBB2_6-.Ltmp2, $3  }
0x91: {  	_ = 	snop  }
0x92: {  	v2 =	vmul.f32 v2, v3;
	_ =	sdelay $0x1  }
0x93: {  	[tilespmem:s0+$0x17780] =	vst v2;
	s0 =	sshra.s32 s5, $0x2;
	s5 =	sadd.s32 $0x40, s5  }
0x94: {  	v2 =	vld [tilespmem:s0+$0x17780];
	_ =	sdelay $0x4  }
0x95: {  	v2 =	vadd.f32 $1.000000000e+00, v2;
	_ =	sdelay $0x1  }
0x96: {  	v3 =	vshra.s32 v2, $0x1;
	v2 =	vmul.f32 $5.000000000e-01, v2  }
0x97: {  	v3 =	vsub.s32 $0x5F3759DF, v3  }
0x98: {  	v4 =	vmul.f32 v3, v2;
	_ =	sdelay $0x1  }
0x99: {  	v4 =	vmul.f32 v3, v4;
	_ =	sdelay $0x1  }
0x9a: {  	v4 =	vsub.f32 $1.500000000e+00, v4;
	_ =	sdelay $0x1  }
0x9b: {  	v3 =	vmul.f32 v3, v4;
	_ =	sdelay $0x1  }
0x9c: {  	v4 =	vmul.f32 v3, v2;
	_ =	sdelay $0x1  }
0x9d: {  	v4 =	vmul.f32 v4, v3;
	_ =	sdelay $0x1  }
0x9e: {  	v4 =	vsub.f32 $1.500000000e+00, v4;
	_ =	sdelay $0x1  }
0x9f: {  	v3 =	vmul.f32 v4, v3;
	_ =	sdelay $0x1  }
0xa0: {  	v4 =	vmul.f32 v3, v2;
	_ =	sdelay $0x1  }
0xa1: {  	v4 =	vmul.f32 v4, v3;
	_ =	sdelay $0x1  }
0xa2: {  	v4 =	vsub.f32 $1.500000000e+00, v4;
	_ =	sdelay $0x1  }
0xa3: {  	v3 =	vmul.f32 v4, v3;
	_ =	sdelay $0x1  }
0xa4: {  	v2 =	vmul.f32 v3, v2;
	_ =	sdelay $0x1  }
0xa5: {  	v2 =	vmul.f32 v2, v3;
	_ =	sdelay $0x1  }
0xa6: {  	v2 =	vsub.f32 $1.500000000e+00, v2;
	_ =	sdelay $0x1  }
0xa7: {  	v2 =	vmul.f32 v2, v3;
	_ =	sdelay $0x1  }
0xa8: {  	[tilespmem:s0+$0x17780] =	vst v2;
	s0 =	simm.s32 $0x12800  }
0xa9: {  	s12 =	simm.s32 $0x0;
	s11 =	simm.s32 $0x40;
	s5 =	simm.s32 $0x12800;
	v2 =	vld [tilespmem:s0+$0xFFFFFFB0]  }
.LBB2_8:
0xaa: {  	p0 =	sne.s32 s11, $0x9C0;
	v3 =	vld [tilespmem:s12+$0x17780]  }
0xab: {  	v4 =	vld [tilespmem:s0+$0xFFFFFF90]  }
0xac: {  	v5 =	vld [tilespmem:s0+$0xFFFFFF80]  }
0xad: {  	v6 =	vld [tilespmem:s0+$0xFFFFFFA0]  }
0xae: {  	v7 =	vld [tilespmem:s0+$0xFFFFFFF0]  }
0xaf: {  	v8 =	vbroadcast v3, $0x0;
	v9 =	vbroadcast v3, $0x1;
	v10 =	vld [tilespmem:s0+$0xFFFFFFD0]  }
0xb0: {  	v11 =	vbroadcast v3, $0x2;
	v12 =	vbroadcast v3, $0x3;
	v13 =	vld [tilespmem:s0+$0xFFFFFFC0]  }
0xb1: {  	v5 =	vmul.f32 v8, v5;
	v4 =	vmul.f32 v4, v9;
	v8 =	vld [tilespmem:s0+$0xFFFFFFE0]  }
0xb2: {  	v2 =	vmul.f32 v2, v12;
	v6 =	vmul.f32 v6, v11;
	v9 =	vld [tilespmem:s0+$0x30]  }
0xb3: {  	v11 =	vbroadcast v3, $0x5;
	[tilespmem:s0+$0xFFFFFF80] =	vst v5;
	v5 =	vbroadcast v3, $0x4;
	v12 =	vld [tilespmem:s0+$0x10]  }
0xb4: {  	v14 =	vbroadcast v3, $0x7;
	[tilespmem:s0+$0xFFFFFF90] =	vst v4;
	v4 =	vbroadcast v3, $0x6;
	v15 =	vld [tilespmem:s0+$0x0]  }
0xb5: {  	[tilespmem:s0+$0xFFFFFFA0] =	vst v6;
	v5 =	vmul.f32 v13, v5;
	v6 =	vmul.f32 v10, v11;
	v10 =	vld [tilespmem:s0+$0x20]  }
0xb6: {  	[tilespmem:s0+$0xFFFFFFB0] =	vst v2;
	v2 =	vmul.f32 v8, v4;
	v4 =	vmul.f32 v7, v14;
	v7 =	vld [tilespmem:s0+$0x70]  }
0xb7: {  	v8 =	vbroadcast v3, $0x9;
	[tilespmem:s0+$0xFFFFFFC0] =	vst v5;
	v5 =	vbroadcast v3, $0x8;
	v11 =	vld [tilespmem:s0+$0x50]  }
0xb8: {  	v13 =	vbroadcast v3, $0xB;
	[tilespmem:s0+$0xFFFFFFD0] =	vst v6;
	v6 =	vbroadcast v3, $0xA;
	v14 =	vld [tilespmem:s0+$0x40]  }
0xb9: {  	[tilespmem:s0+$0xFFFFFFE0] =	vst v2;
	v2 =	vmul.f32 v15, v5;
	v5 =	vmul.f32 v12, v8;
	v8 =	vld [tilespmem:s0+$0x60]  }
0xba: {  	[tilespmem:s0+$0xFFFFFFF0] =	vst v4;
	v4 =	vmul.f32 v10, v6;
	v6 =	vmul.f32 v9, v13  }
0xbb: {  	v9 =	vbroadcast v3, $0xD;
	[tilespmem:s0+$0x0] =	vst v2;
	v2 =	vbroadcast v3, $0xC  }
0xbc: {  	[tilespmem:s0+$0x10] =	vst v5;
	v5 =	vbroadcast v3, $0xE;
	v3 =	vbroadcast v3, $0xF  }
0xbd: {  	[tilespmem:s0+$0x20] =	vst v4;
	v2 =	vmul.f32 v14, v2;
	v4 =	vmul.f32 v11, v9  }
.Ltmp3:
0xbe: {  	[tilespmem:s0+$0x30] =	vst v6;
	v5 =	vmul.f32 v8, v5;
	v3 =	vmul.f32 v7, v3;
	(pc) =	sbr.rel @p0 .LBB2_8-.Ltmp3, $4  }
0xbf: {  	[tilespmem:s0+$0x40] =	vst v2  }
0xc0: {  	[tilespmem:s0+$0x50] =	vst v4  }
0xc1: {  	s0 =	sadd.s32 $0x100, s0;
	[tilespmem:s5+$0x60] =	vst v5  }
0xc2: {  	s12 =	sshra.s32 s11, $0x2;
	s11 =	sadd.s32 $0x40, s11;
	v2 =	vld [tilespmem:s0+$0xFFFFFFB0];
	[tilespmem:s5+$0x70] =	vst v3;
	s5 =	smov.u32 s0  }
0xc3: {  	v3 =	vld [tilespmem:s12+$0x17780];
	_ =	sdelay $0x1  }
0xc4: {  	v4 =	vld [tilespmem:s0+$0xFFFFFF80]  }
0xc5: {  	v5 =	vld [tilespmem:s0+$0xFFFFFF90]  }
0xc6: {  	v6 =	vld [tilespmem:s0+$0xFFFFFFA0]  }
0xc7: {  	v7 =	vbroadcast v3, $0x0  }
0xc8: {  	v10 =	vld [tilespmem:s0+$0xFFFFFFD0];
	v8 =	vbroadcast v3, $0x1;
	v11 =	vbroadcast v3, $0x2  }
0xc9: {  	v35 =	vld [tilespmem:s0+$0xFFFFFFE0];
	v34 =	vbroadcast v3, $0x3;
	v4 =	vmul.f32 v7, v4  }
0xca: {  	v39 =	vld [tilespmem:s0+$0x10];
	v36 =	vbroadcast v3, $0x4;
	v5 =	vmul.f32 v5, v8  }
0xcb: {  	v9 =	vld [tilespmem:s0+$0xFFFFFFC0];
	v37 =	vbroadcast v3, $0x5;
	v6 =	vmul.f32 v6, v11;
	[tilespmem:s0+$0xFFFFFF80] =	vst v4  }
0xcc: {  	v12 =	vld [tilespmem:s0+$0xFFFFFFF0];
	v13 =	vbroadcast v3, $0x6;
	v2 =	vmul.f32 v2, v34;
	[tilespmem:s0+$0xFFFFFF90] =	vst v5  }
0xcd: {  	v41 =	vld [tilespmem:s0+$0x20];
	v43 =	vbroadcast v3, $0x9;
	v7 =	vmul.f32 v10, v37;
	[tilespmem:s0+$0xFFFFFFA0] =	vst v6  }
0xce: {  	v38 =	vld [tilespmem:s0+$0x0];
	v40 =	vbroadcast v3, $0x7;
	v8 =	vmul.f32 v35, v13;
	[tilespmem:s0+$0xFFFFFFB0] =	vst v2  }
0xcf: {  	v45 =	vld [tilespmem:s0+$0x50];
	v42 =	vbroadcast v3, $0x8;
	v48 =	vmul.f32 v39, v43;
	[tilespmem:s0+$0xFFFFFFD0] =	vst v7  }
0xd0: {  	v44 =	vld [tilespmem:s0+$0x40];
	v46 =	vbroadcast v3, $0xA;
	v4 =	vmul.f32 v9, v36;
	[tilespmem:s0+$0xFFFFFFE0] =	vst v8  }
0xd1: {  	v47 =	vbroadcast v3, $0xB;
	v2 =	vld [tilespmem:s0+$0x30];
	v6 =	vmul.f32 v12, v40;
	[tilespmem:s0+$0x10] =	vst v48  }
0xd2: {  	v50 =	vld [tilespmem:s0+$0x70];
	v52 =	vbroadcast v3, $0xD;
	v9 =	vmul.f32 v41, v46;
	[tilespmem:s0+$0xFFFFFFC0] =	vst v4  }
0xd3: {  	v49 =	vld [tilespmem:s0+$0x60];
	v51 =	vbroadcast v3, $0xC;
	v4 =	vmul.f32 v38, v42;
	[tilespmem:s0+$0xFFFFFFF0] =	vst v6  }
0xd4: {  	v53 =	vbroadcast v3, $0xE;
	v5 =	vmul.f32 v45, v52;
	[tilespmem:s0+$0x20] =	vst v9  }
0xd5: {  	v3 =	vbroadcast v3, $0xF;
	[tilespmem:s0+$0x0] =	vst v4;
	v4 =	vmul.f32 v44, v51  }
0xd6: {  	[tilespmem:s0+$0x50] =	vst v5;
	v2 =	vmul.f32 v2, v47  }
0xd7: {  	v3 =	vmul.f32 v50, v3;
	[tilespmem:s0+$0x40] =	vst v4  }
0xd8: {  	[tilespmem:s0+$0x30] =	vst v2;
	v2 =	vmul.f32 v49, v53  }
0xd9: {  	[tilespmem:s5+$0x70] =	vst v3  }
0xda: {  	[tilespmem:s5+$0x60] =	vst v2  }
0xdb: {  	[spmem:s10] =	stream.linear.scatter [tilespmem:s23], [sflag:$0x6], $0x280, $0x38;
	[tilespmem:$0x1A700] =	vst v63  }
0xdc: {  	_ =	swait.ge [sflag:s22], $0x280  }
0xdd: {  	[sflag:s22] =	ssyncset.done $0x0  }
0xde: {  	s13 =	simm.s32 $0x0;
	s14 =	simm.s32 $0x0;
	[sflag:s22] =	ssyncadd.s32 $0xFFFFFD80  }
0xdf: {  	[hbm4b:s15+s13] =	stream.linear.scatter [tilespmem:s21], [sflag:$0x3], $0x2800, $0x38;
	[tilespmem:$0x1A700] =	vst v63  }
0xe0: {  	v2 =	vld [tilespmem:s14+$0x17780];
	_ =	sdelay $0x4  }
0xe1: {  	v3 =	vbroadcast v2, $0x0  }
0xe2: {  	s0 =	simm.s32 $0x15000;
	v54 =	vbroadcast v2, $0x1  }
0xe3: {  	v55 =	vbroadcast v2, $0x2;
	[tilespmem:s0+$0xFFFFFF80] =	vst v3  }
0xe4: {  	v56 =	vbroadcast v2, $0x4;
	[tilespmem:s0+$0xFFFFFF90] =	vst v54  }
0xe5: {  	v57 =	vbroadcast v2, $0x5;
	[tilespmem:s0+$0xFFFFFFA0] =	vst v55  }
0xe6: {  	v58 =	vbroadcast v2, $0x7;
	[tilespmem:s0+$0xFFFFFFC0] =	vst v56  }
0xe7: {  	v59 =	vbroadcast v2, $0x8;
	[tilespmem:s0+$0xFFFFFFD0] =	vst v57  }
0xe8: {  	v60 =	vbroadcast v2, $0xA;
	[tilespmem:s0+$0xFFFFFFF0] =	vst v58  }
0xe9: {  	v3 =	vbroadcast v2, $0x3;
	[tilespmem:s0+$0x0] =	vst v59  }
0xea: {  	v61 =	vbroadcast v2, $0xB;
	[tilespmem:s0+$0x20] =	vst v60  }
0xeb: {  	[tilespmem:s0+$0xFFFFFFB0] =	vst v3;
	v3 =	vbroadcast v2, $0x6  }
0xec: {  	v62 =	vbroadcast v2, $0xD;
	[tilespmem:s0+$0x30] =	vst v61  }
0xed: {  	[tilespmem:s0+$0xFFFFFFE0] =	vst v3;
	v3 =	vbroadcast v2, $0x9  }
0xee: {  	v63 =	vbroadcast v2, $0xE;
	[tilespmem:s0+$0x50] =	vst v62  }
0xef: {  	[tilespmem:s0+$0x10] =	vst v3;
	v3 =	vbroadcast v2, $0xC  }
0xf0: {  	[tilespmem:s0+$0x60] =	vst v63;
	v2 =	vbroadcast v2, $0xF  }
0xf1: {  	[tilespmem:s0+$0x40] =	vst v3  }
0xf2: {  	s11 =	simm.s32 $0x10;
	s5 =	simm.s32 $0x80;
	[tilespmem:s0+$0x70] =	vst v2  }
.LBB2_10:
0xf3: {  	p0 =	sne.s32 s5, $0x9C0;
	v2 =	vld [tilespmem:s11+$0x17780];
	_ =	sdelay $0x4  }
0xf4: {  	v3 =	vbroadcast v2, $0x0;
	v4 =	vbroadcast v2, $0x1  }
0xf5: {  	s0 =	sadd.s32 $0x100, s0;
	v5 =	vbroadcast v2, $0x2;
	v6 =	vbroadcast v2, $0x3  }
0xf6: {  	v7 =	vbroadcast v2, $0x5;
	[tilespmem:s0+$0xFFFFFF80] =	vst v3;
	v3 =	vbroadcast v2, $0x4  }
0xf7: {  	v8 =	vbroadcast v2, $0x7;
	[tilespmem:s0+$0xFFFFFF90] =	vst v4;
	v4 =	vbroadcast v2, $0x6  }
0xf8: {  	v9 =	vbroadcast v2, $0x9;
	[tilespmem:s0+$0xFFFFFFA0] =	vst v5;
	v5 =	vbroadcast v2, $0x8  }
0xf9: {  	v10 =	vbroadcast v2, $0xB;
	[tilespmem:s0+$0xFFFFFFB0] =	vst v6;
	v6 =	vbroadcast v2, $0xA  }
0xfa: {  	v11 =	vbroadcast v2, $0xD;
	[tilespmem:s0+$0xFFFFFFC0] =	vst v3;
	v3 =	vbroadcast v2, $0xC  }
0xfb: {  	[tilespmem:s0+$0xFFFFFFD0] =	vst v7;
	v7 =	vbroadcast v2, $0xE;
	v2 =	vbroadcast v2, $0xF  }
0xfc: {  	[tilespmem:s0+$0xFFFFFFE0] =	vst v4  }
0xfd: {  	[tilespmem:s0+$0xFFFFFFF0] =	vst v8  }
0xfe: {  	[tilespmem:s0+$0x0] =	vst v5  }
0xff: {  	[tilespmem:s0+$0x10] =	vst v9  }
0x100: {  	[tilespmem:s0+$0x20] =	vst v6  }
.Ltmp4:
0x101: {  	[tilespmem:s0+$0x30] =	vst v10;
	(pc) =	sbr.rel @p0 .LBB2_10-.Ltmp4, $4  }
0x102: {  	[tilespmem:s0+$0x40] =	vst v3  }
0x103: {  	[tilespmem:s0+$0x50] =	vst v11  }
0x104: {  	[tilespmem:s0+$0x60] =	vst v7  }
0x105: {  	s11 =	sshra.s32 s5, $0x2;
	s5 =	sadd.s32 $0x40, s5;
	[tilespmem:s0+$0x70] =	vst v2  }
0x106: {  	v2 =	vld [tilespmem:s11+$0x17780];
	_ =	sdelay $0x4  }
0x107: {  	v3 =	vbroadcast v2, $0x0  }
0x108: {  	s0 =	sadd.s32 $0x100, s0;
	v4 =	vbroadcast v2, $0x1  }
0x109: {  	v5 =	vbroadcast v2, $0x2;
	[tilespmem:s0+$0xFFFFFF80] =	vst v3  }
0x10a: {  	v56 =	vbroadcast v2, $0x4;
	[tilespmem:s0+$0xFFFFFF90] =	vst v4  }
0x10b: {  	v57 =	vbroadcast v2, $0x5;
	[tilespmem:s0+$0xFFFFFFA0] =	vst v5  }
0x10c: {  	v58 =	vbroadcast v2, $0x7;
	[tilespmem:s0+$0xFFFFFFC0] =	vst v56  }
0x10d: {  	v59 =	vbroadcast v2, $0x8;
	[tilespmem:s0+$0xFFFFFFD0] =	vst v57  }
0x10e: {  	v60 =	vbroadcast v2, $0xA;
	[tilespmem:s0+$0xFFFFFFF0] =	vst v58  }
0x10f: {  	v3 =	vbroadcast v2, $0x3;
	[tilespmem:s0+$0x0] =	vst v59  }
0x110: {  	v61 =	vbroadcast v2, $0xB;
	[tilespmem:s0+$0x20] =	vst v60  }
0x111: {  	[tilespmem:s0+$0xFFFFFFB0] =	vst v3;
	v3 =	vbroadcast v2, $0x6  }
0x112: {  	v62 =	vbroadcast v2, $0xD;
	[tilespmem:s0+$0x30] =	vst v61  }
0x113: {  	[tilespmem:s0+$0xFFFFFFE0] =	vst v3;
	v3 =	vbroadcast v2, $0x9  }
0x114: {  	v63 =	vbroadcast v2, $0xE;
	[tilespmem:s0+$0x50] =	vst v62  }
0x115: {  	[tilespmem:s0+$0x10] =	vst v3;
	v3 =	vbroadcast v2, $0xC  }
0x116: {  	[tilespmem:s0+$0x60] =	vst v63;
	v2 =	vbroadcast v2, $0xF  }
0x117: {  	[tilespmem:s0+$0x40] =	vst v3  }
0x118: {  	[tilespmem:s0+$0x70] =	vst v2;
	s0 =	simm.s32 $0x0  }
0x119: {  	[hbm4b:s16+s0] =	stream.linear.scatter [tilespmem:s26], [sflag:$0x5], $0x2800, $0x38;
	[tilespmem:$0x1A700] =	vst v63  }
0x11a: {  	_ =	swait.ge [sflag:s28], $0x2800  }
0x11b: {  	[sflag:s28] =	ssyncset.done $0x0  }
0x11c: {  	[sflag:s28] =	ssyncadd.s32 $0xFFFFD800  }
0x11d: {  	s5 =	simm.s32 $0x0;
	[bflag:$0x0] =	sbarrier.arrive $0xFFFF  }
.LBB2_12:
0x11e: {  	p0 =	sgt.u32 s5, $0x4F  }
0x11f: {  	p1 =	slt.u32 @!p0 s5, $0x10  }
0x120: {  	p1 =	por p1, p0  }
0x121: {  	s11 =	simm.s32 @!p1 $0x3  }
0x122: {  	_ =	swait.ge @!p1 [sflag:s11], $0x800  }
0x123: {  	[sflag:s11] =	ssyncset.done @!p1 $0x0  }
0x124: {  	[sflag:s11] =	ssyncadd.s32 @!p1 $0xFFFFF800;
	s11 =	simm.s32 @!p1 $0x4  }
0x125: {  	_ =	swait.ge @!p1 [sflag:s11], $0x80  }
0x126: {  	s12 =	sand.u32 @!p0 $0xF, s5;
	[sflag:s11] =	ssyncset.done @!p1 $0x0  }
0x127: {  	s13 =	sshra.s32 @!p0 s0, $0x2;
	[sflag:s11] =	ssyncadd.s32 @!p1 $0xFFFFFF80;
	s11 =	sshll.u32 @!p0 s12, $0xB  }
0x128: {  	s14 =	simm.s32 @!p0 $0x80;
	s13 =	sadd.s32 @!p0 s13, s20;
	s11 =	sadd.s32 @!p0 $0xA780, s11  }
0x129: {  	[tilespmem:s11], [sflag:$0x1] =	stream.indirect.gather @!p0 [hbm4b:s7+s14], $0x10, s13, s14, $0xb8;
	[tilespmem:$0x1A700] =	vst v63  }
0x12a: {  	s11 =	sshll.u32 @!p0 s12, $0x7  }
0x12b: {  	p1 =	slt.u32 @!p0 s5, $0x8;
	s12 =	sadd.s32 @!p0 $0x80, s13;
	s11 =	sadd.s32 @!p0 $0x9F80, s11  }
0x12c: {  	[tilespmem:s11], [sflag:$0x2] =	stream.indirect.gather @!p0 [spmem:s4], $0x1, s12, s14, $0xb8;
	[tilespmem:$0x1A700] =	vst v63  }
0x12d: {  	p0 =	por p0, !p1  }
0x12e: {  	_ =	swait.ge @p0 [sflag:s24], $0x800  }
0x12f: {  	[sflag:s24] =	ssyncset.done @p0 $0x0  }
0x130: {  	s11 =	sadd.s32 @p0 $0xFFFFFFF8, s5;
	s13 =	sshra.s32 @p0 s0, $0x2;
	[sflag:s24] =	ssyncadd.s32 @p0 $0xFFFFF800  }
0x131: {  	s11 =	sand.u32 @p0 $0xF, s11;
	s13 =	sadd.s32 @p0 s13, s20;
	_ =	swait.ge @p0 [sflag:s29], $0x80  }
0x132: {  	s12 =	sshll.u32 @p0 s11, $0xB;
	s11 =	sshll.u32 @p0 s11, $0x7;
	[sflag:s29] =	ssyncset.done @p0 $0x0  }
0x133: {  	s14 =	sadd.s32 @p0 $0xFFFFF880, s13;
	s12 =	sadd.s32 @p0 $0xA780, s12;
	[sflag:s29] =	ssyncadd.s32 @p0 $0xFFFFFF80  }
0x134: {  	[spmem:s2] =	stream.indirect.scatter.add.f32 @p0 [tilespmem:s12], [sflag:$0x3], $0x10, s14, s30, $0xb8;
	[tilespmem:$0x1A700] =	vst v63  }
0x135: {  	s0 =	sadd.s32 $0x400, s0;
	s11 =	sadd.s32 @p0 $0x9F80, s11;
	s12 =	sadd.s32 @p0 $0xFFFFF800, s13  }
0x136: {  	[spmem:s3] =	stream.indirect.scatter.add.f32 @p0 [tilespmem:s11], [sflag:$0x4], $0x1, s12, s30, $0xb8;
	[tilespmem:$0x1A700] =	vst v63  }
0x137: {  	p0 =	sne.s32 s0, $0x16000  }
.Ltmp5:
0x138: {  	_ = 	snop;
	(pc) =	sbr.rel @p0 .LBB2_12-.Ltmp5, $2  }
0x139: {  	_ =	sdelay $0x2  }
0x13a: {  	s5 =	sadd.s32 $0x1, s5  }
0x13b: {  	_ =	swait.ge [sflag:s28], $0x800  }
0x13c: {  	[sflag:s28] =	ssyncset.done $0x0  }
0x13d: {  	[sflag:s28] =	ssyncadd.s32 $0xFFFFF800  }
0x13e: {  	_ =	swait.ge [sflag:s25], $0x80  }
0x13f: {  	[sflag:s25] =	ssyncset.done $0x0  }
0x140: {  	[sflag:s25] =	ssyncadd.s32 $0xFFFFFF80  }
0x141: {  	_ =	swait.ge [sflag:s28], $0x800  }
0x142: {  	[sflag:s28] =	ssyncset.done $0x0  }
0x143: {  	[sflag:s28] =	ssyncadd.s32 $0xFFFFF800  }
0x144: {  	_ =	swait.ge [sflag:s25], $0x80  }
0x145: {  	[sflag:s25] =	ssyncset.done $0x0  }
0x146: {  	[sflag:s25] =	ssyncadd.s32 $0xFFFFFF80  }
0x147: {  	_ =	swait.ge [sflag:s28], $0x800  }
0x148: {  	[sflag:s28] =	ssyncset.done $0x0  }
0x149: {  	[sflag:s28] =	ssyncadd.s32 $0xFFFFF800  }
0x14a: {  	_ =	swait.ge [sflag:s25], $0x80  }
0x14b: {  	[sflag:s25] =	ssyncset.done $0x0  }
0x14c: {  	[sflag:s25] =	ssyncadd.s32 $0xFFFFFF80  }
0x14d: {  	_ =	swait.ge [sflag:s28], $0x800  }
0x14e: {  	[sflag:s28] =	ssyncset.done $0x0  }
0x14f: {  	[sflag:s28] =	ssyncadd.s32 $0xFFFFF800  }
0x150: {  	_ =	swait.ge [sflag:s25], $0x80  }
0x151: {  	[sflag:s25] =	ssyncset.done $0x0  }
0x152: {  	[sflag:s25] =	ssyncadd.s32 $0xFFFFFF80  }
0x153: {  	_ =	swait.ge [sflag:s28], $0x800  }
0x154: {  	[sflag:s28] =	ssyncset.done $0x0  }
0x155: {  	[sflag:s28] =	ssyncadd.s32 $0xFFFFF800  }
0x156: {  	_ =	swait.ge [sflag:s25], $0x80  }
0x157: {  	[sflag:s25] =	ssyncset.done $0x0  }
0x158: {  	[sflag:s25] =	ssyncadd.s32 $0xFFFFFF80  }
0x159: {  	_ =	swait.ge [sflag:s28], $0x800  }
0x15a: {  	[sflag:s28] =	ssyncset.done $0x0  }
0x15b: {  	[sflag:s28] =	ssyncadd.s32 $0xFFFFF800  }
0x15c: {  	_ =	swait.ge [sflag:s25], $0x80  }
0x15d: {  	[sflag:s25] =	ssyncset.done $0x0  }
0x15e: {  	[sflag:s25] =	ssyncadd.s32 $0xFFFFFF80  }
0x15f: {  	_ =	swait.ge [sflag:s28], $0x800  }
0x160: {  	[sflag:s28] =	ssyncset.done $0x0  }
0x161: {  	[sflag:s28] =	ssyncadd.s32 $0xFFFFF800  }
0x162: {  	_ =	swait.ge [sflag:s25], $0x80  }
0x163: {  	[sflag:s25] =	ssyncset.done $0x0  }
0x164: {  	[sflag:s25] =	ssyncadd.s32 $0xFFFFFF80  }
0x165: {  	_ =	swait.ge [sflag:s28], $0x800  }
0x166: {  	[sflag:s28] =	ssyncset.done $0x0  }
0x167: {  	[sflag:s28] =	ssyncadd.s32 $0xFFFFF800  }
0x168: {  	_ =	swait.ge [sflag:s25], $0x80  }
0x169: {  	[sflag:s25] =	ssyncset.done $0x0  }
0x16a: {  	[sflag:s25] =	ssyncadd.s32 $0xFFFFFF80  }
0x16b: {  	_ =	swait.ge [sflag:s28], $0x800  }
0x16c: {  	[sflag:s28] =	ssyncset.done $0x0  }
0x16d: {  	[sflag:s28] =	ssyncadd.s32 $0xFFFFF800  }
0x16e: {  	_ =	swait.ge [sflag:s25], $0x80  }
0x16f: {  	[sflag:s25] =	ssyncset.done $0x0  }
0x170: {  	[sflag:s25] =	ssyncadd.s32 $0xFFFFFF80  }
0x171: {  	_ =	swait.ge [sflag:s28], $0x800  }
0x172: {  	[sflag:s28] =	ssyncset.done $0x0  }
0x173: {  	[sflag:s28] =	ssyncadd.s32 $0xFFFFF800  }
0x174: {  	_ =	swait.ge [sflag:s25], $0x80  }
0x175: {  	[sflag:s25] =	ssyncset.done $0x0  }
0x176: {  	[sflag:s25] =	ssyncadd.s32 $0xFFFFFF80  }
0x177: {  	_ =	swait.ge [sflag:s28], $0x800  }
0x178: {  	[sflag:s28] =	ssyncset.done $0x0  }
0x179: {  	[sflag:s28] =	ssyncadd.s32 $0xFFFFF800  }
0x17a: {  	_ =	swait.ge [sflag:s25], $0x80  }
0x17b: {  	[sflag:s25] =	ssyncset.done $0x0  }
0x17c: {  	[sflag:s25] =	ssyncadd.s32 $0xFFFFFF80  }
0x17d: {  	_ =	swait.ge [sflag:s28], $0x800  }
0x17e: {  	[sflag:s28] =	ssyncset.done $0x0  }
0x17f: {  	[sflag:s28] =	ssyncadd.s32 $0xFFFFF800  }
0x180: {  	_ =	swait.ge [sflag:s25], $0x80  }
0x181: {  	[sflag:s25] =	ssyncset.done $0x0  }
0x182: {  	[sflag:s25] =	ssyncadd.s32 $0xFFFFFF80  }
0x183: {  	_ =	swait.ge [sflag:s28], $0x800  }
0x184: {  	[sflag:s28] =	ssyncset.done $0x0  }
0x185: {  	[sflag:s28] =	ssyncadd.s32 $0xFFFFF800  }
0x186: {  	_ =	swait.ge [sflag:s25], $0x80  }
0x187: {  	[sflag:s25] =	ssyncset.done $0x0  }
0x188: {  	[sflag:s25] =	ssyncadd.s32 $0xFFFFFF80  }
0x189: {  	_ =	swait.ge [sflag:s28], $0x800  }
0x18a: {  	[sflag:s28] =	ssyncset.done $0x0  }
0x18b: {  	[sflag:s28] =	ssyncadd.s32 $0xFFFFF800  }
0x18c: {  	_ =	swait.ge [sflag:s25], $0x80  }
0x18d: {  	[sflag:s25] =	ssyncset.done $0x0  }
0x18e: {  	[sflag:s25] =	ssyncadd.s32 $0xFFFFFF80  }
0x18f: {  	_ =	swait.ge [sflag:s28], $0x800  }
0x190: {  	[sflag:s28] =	ssyncset.done $0x0  }
0x191: {  	[sflag:s28] =	ssyncadd.s32 $0xFFFFF800  }
0x192: {  	_ =	swait.ge [sflag:s25], $0x80  }
0x193: {  	[sflag:s25] =	ssyncset.done $0x0  }
0x194: {  	[sflag:s25] =	ssyncadd.s32 $0xFFFFFF80  }
0x195: {  	_ =	swait.ge [sflag:s28], $0x800  }
0x196: {  	[sflag:s28] =	ssyncset.done $0x0  }
0x197: {  	[sflag:s28] =	ssyncadd.s32 $0xFFFFF800  }
0x198: {  	_ =	swait.ge [sflag:s25], $0x80  }
0x199: {  	[sflag:s25] =	ssyncset.done $0x0  }
0x19a: {  	[sflag:s25] =	ssyncadd.s32 $0xFFFFFF80  }
0x19b: {  	[bflag:$0x0] =	sbarrier.arrive $0xFFFF  }
0x19c: {  	[tilespmem:s21], [sflag:$0x6] =	stream.linear.gather [spmem:s8], $0x2800, $0x38;
	[tilespmem:$0x1A700] =	vst v63  }
0x19d: {  	_ =	swait.ge [sflag:s22], $0x2800  }
0x19e: {  	[sflag:s22] =	ssyncset.done $0x0  }
0x19f: {  	s0 =	simm.s32 $0x0;
	[sflag:s22] =	ssyncadd.s32 $0xFFFFD800  }
0x1a0: {  	[hbm4b:s17+s0] =	stream.linear.scatter [tilespmem:s21], [sflag:$0x3], $0x2800, $0x38;
	[tilespmem:$0x1A700] =	vst v63  }
0x1a1: {  	_ = 	snop  }
0x1a2: {  	[tilespmem:s23], [sflag:$0x6] =	stream.linear.gather [spmem:s9], $0x280, $0x38;
	[tilespmem:$0x1A700] =	vst v63  }
0x1a3: {  	_ =	swait.ge [sflag:s22], $0x280  }
0x1a4: {  	[sflag:s22] =	ssyncset.done $0x0  }
0x1a5: {  	[sflag:s22] =	ssyncadd.s32 $0xFFFFFD80  }
0x1a6: {  	_ =	swait.ge [sflag:s31], $0x2800  }
0x1a7: {  	[sflag:s31] =	ssyncset.done $0x0  }
0x1a8: {  	s14 =	simm.s32 $0x0;
	[sflag:s31] =	ssyncadd.s32 $0xFFFFD800  }
0x1a9: {  	v2 =	vld [tilespmem:s14+$0x17780];
	_ =	sdelay $0x4  }
0x1aa: {  	v3 =	vbroadcast v2, $0x0  }
0x1ab: {  	s0 =	simm.s32 $0x15000;
	v4 =	vbroadcast v2, $0x1  }
0x1ac: {  	v5 =	vbroadcast v2, $0x2;
	[tilespmem:s0+$0xFFFFFF80] =	vst v3  }
0x1ad: {  	v56 =	vbroadcast v2, $0x4;
	[tilespmem:s0+$0xFFFFFF90] =	vst v4  }
0x1ae: {  	v57 =	vbroadcast v2, $0x5;
	[tilespmem:s0+$0xFFFFFFA0] =	vst v5  }
0x1af: {  	v58 =	vbroadcast v2, $0x7;
	[tilespmem:s0+$0xFFFFFFC0] =	vst v56  }
0x1b0: {  	v59 =	vbroadcast v2, $0x8;
	[tilespmem:s0+$0xFFFFFFD0] =	vst v57  }
0x1b1: {  	v60 =	vbroadcast v2, $0xA;
	[tilespmem:s0+$0xFFFFFFF0] =	vst v58  }
0x1b2: {  	v3 =	vbroadcast v2, $0x3;
	[tilespmem:s0+$0x0] =	vst v59  }
0x1b3: {  	v61 =	vbroadcast v2, $0xB;
	[tilespmem:s0+$0x20] =	vst v60  }
0x1b4: {  	[tilespmem:s0+$0xFFFFFFB0] =	vst v3;
	v3 =	vbroadcast v2, $0x6  }
0x1b5: {  	v62 =	vbroadcast v2, $0xD;
	[tilespmem:s0+$0x30] =	vst v61  }
0x1b6: {  	[tilespmem:s0+$0xFFFFFFE0] =	vst v3;
	v3 =	vbroadcast v2, $0x9  }
0x1b7: {  	v63 =	vbroadcast v2, $0xE;
	[tilespmem:s0+$0x50] =	vst v62  }
0x1b8: {  	[tilespmem:s0+$0x10] =	vst v3;
	v3 =	vbroadcast v2, $0xC  }
0x1b9: {  	[tilespmem:s0+$0x60] =	vst v63;
	v2 =	vbroadcast v2, $0xF  }
0x1ba: {  	[tilespmem:s0+$0x40] =	vst v3  }
0x1bb: {  	s11 =	simm.s32 $0x10;
	s5 =	simm.s32 $0x80;
	[tilespmem:s0+$0x70] =	vst v2  }
.LBB2_14:
0x1bc: {  	p0 =	sne.s32 s5, $0x9C0;
	v2 =	vld [tilespmem:s11+$0x17780];
	_ =	sdelay $0x4  }
0x1bd: {  	v3 =	vbroadcast v2, $0x0;
	v4 =	vbroadcast v2, $0x1  }
0x1be: {  	s0 =	sadd.s32 $0x100, s0;
	v5 =	vbroadcast v2, $0x2;
	v6 =	vbroadcast v2, $0x3  }
0x1bf: {  	v7 =	vbroadcast v2, $0x5;
	[tilespmem:s0+$0xFFFFFF80] =	vst v3;
	v3 =	vbroadcast v2, $0x4  }
0x1c0: {  	v8 =	vbroadcast v2, $0x7;
	[tilespmem:s0+$0xFFFFFF90] =	vst v4;
	v4 =	vbroadcast v2, $0x6  }
0x1c1: {  	v9 =	vbroadcast v2, $0x9;
	[tilespmem:s0+$0xFFFFFFA0] =	vst v5;
	v5 =	vbroadcast v2, $0x8  }
0x1c2: {  	v10 =	vbroadcast v2, $0xB;
	[tilespmem:s0+$0xFFFFFFB0] =	vst v6;
	v6 =	vbroadcast v2, $0xA  }
0x1c3: {  	v11 =	vbroadcast v2, $0xD;
	[tilespmem:s0+$0xFFFFFFC0] =	vst v3;
	v3 =	vbroadcast v2, $0xC  }
0x1c4: {  	[tilespmem:s0+$0xFFFFFFD0] =	vst v7;
	v7 =	vbroadcast v2, $0xE;
	v2 =	vbroadcast v2, $0xF  }
0x1c5: {  	[tilespmem:s0+$0xFFFFFFE0] =	vst v4  }
0x1c6: {  	[tilespmem:s0+$0xFFFFFFF0] =	vst v8  }
0x1c7: {  	[tilespmem:s0+$0x0] =	vst v5  }
0x1c8: {  	[tilespmem:s0+$0x10] =	vst v9  }
0x1c9: {  	[tilespmem:s0+$0x20] =	vst v6  }
.Ltmp6:
0x1ca: {  	[tilespmem:s0+$0x30] =	vst v10;
	(pc) =	sbr.rel @p0 .LBB2_14-.Ltmp6, $4  }
0x1cb: {  	[tilespmem:s0+$0x40] =	vst v3  }
0x1cc: {  	[tilespmem:s0+$0x50] =	vst v11  }
0x1cd: {  	[tilespmem:s0+$0x60] =	vst v7  }
0x1ce: {  	s11 =	sshra.s32 s5, $0x2;
	s5 =	sadd.s32 $0x40, s5;
	[tilespmem:s0+$0x70] =	vst v2  }
0x1cf: {  	v2 =	vld [tilespmem:s11+$0x17780];
	_ =	sdelay $0x4  }
0x1d0: {  	v3 =	vbroadcast v2, $0x0  }
0x1d1: {  	s0 =	sadd.s32 $0x100, s0;
	v4 =	vbroadcast v2, $0x1  }
0x1d2: {  	v5 =	vbroadcast v2, $0x2;
	[tilespmem:s0+$0xFFFFFF80] =	vst v3  }
0x1d3: {  	v56 =	vbroadcast v2, $0x4;
	[tilespmem:s0+$0xFFFFFF90] =	vst v4  }
0x1d4: {  	v57 =	vbroadcast v2, $0x5;
	[tilespmem:s0+$0xFFFFFFA0] =	vst v5  }
0x1d5: {  	v58 =	vbroadcast v2, $0x7;
	[tilespmem:s0+$0xFFFFFFC0] =	vst v56  }
0x1d6: {  	v59 =	vbroadcast v2, $0x8;
	[tilespmem:s0+$0xFFFFFFD0] =	vst v57  }
0x1d7: {  	v60 =	vbroadcast v2, $0xA;
	[tilespmem:s0+$0xFFFFFFF0] =	vst v58  }
0x1d8: {  	v3 =	vbroadcast v2, $0x3;
	[tilespmem:s0+$0x0] =	vst v59  }
0x1d9: {  	v61 =	vbroadcast v2, $0xB;
	[tilespmem:s0+$0x20] =	vst v60  }
0x1da: {  	[tilespmem:s0+$0xFFFFFFB0] =	vst v3;
	v3 =	vbroadcast v2, $0x6  }
0x1db: {  	v62 =	vbroadcast v2, $0xD;
	[tilespmem:s0+$0x30] =	vst v61  }
0x1dc: {  	[tilespmem:s0+$0xFFFFFFE0] =	vst v3;
	v3 =	vbroadcast v2, $0x9  }
0x1dd: {  	v63 =	vbroadcast v2, $0xE;
	[tilespmem:s0+$0x50] =	vst v62  }
0x1de: {  	[tilespmem:s0+$0x10] =	vst v3;
	v3 =	vbroadcast v2, $0xC  }
0x1df: {  	[tilespmem:s0+$0x60] =	vst v63;
	v2 =	vbroadcast v2, $0xF  }
0x1e0: {  	[tilespmem:s0+$0x40] =	vst v3  }
0x1e1: {  	[tilespmem:s0+$0x70] =	vst v2  }
0x1e2: {  	s1 =	sadd.s32 $0x1, s1;
	_ =	swait.ge [sflag:s28], $0x2800  }
0x1e3: {  	p0 =	sne.s32 s1, s19;
	[sflag:s28] =	ssyncset.done $0x0  }
.Ltmp7:
0x1e4: {  	s14 =	simm.s32 $0x0;
	[sflag:s28] =	ssyncadd.s32 $0xFFFFD800;
	(pc) =	sbr.rel @p0 .LBB2_1-.Ltmp7, $4  }
0x1e5: {  	[hbm4b:s18+s14] =	stream.linear.scatter [tilespmem:s26], [sflag:$0x6], $0x2800, $0x38;
	[tilespmem:$0x1A700] =	vst v63  }
0x1e6: {  	_ =	swait.ge [sflag:s22], $0x2800  }
0x1e7: {  	[sflag:s22] =	ssyncset.done $0x0  }
0x1e8: {  	[sflag:s22] =	ssyncadd.s32 $0xFFFFD800  }
0x1e9: {  	_ =	sfence.sel $0x180000  }
0x1ea: {  	[bflag:$0x0] =	sbarrier.arrive $0xFFFF  }
0x1eb: {  	_ =	strace $0x90000047  }
0x1ec: {  	s0 =	stileid.u32;
	[bflag:$0x2] =	sbarrier.arrive $0xFFFF  }
0x1ed: {  	p0 =	sne.s32 s0, $0x0;
	s0 =	rddreg [dreg:$0x5]  }
0x1ee: {  	s0 =	sadd.s32 @!p0 $0x100000, s0  }
0x1ef: {  	[sflag:s0] =	ssyncadd.tile.s32 @!p0 $0x1;
	_ =	shalt  }
.Lfunc_end2:
_tile_overlayer_lowered:
.L_overlay_start_2:
0x1f0: {  	(tag) =	ssettag $0x2  }
0x1f1: {  	s0 =	rddreg [dreg:$0x0];
	s2 =	stileid.u32  }
0x1f2: {  	s1 =	rddreg [dreg:$0x1];
	p0 =	sne.s32 s2, $0x0  }
0x1f3: {  	s3 =	rddreg [dreg:$0x2];
	[bflag:$0x3] =	sbarrier.arrive $0xFFFF;
	s2 =	simm.s32 @!p0 $0x1C06  }
0x1f4: {  	[timem:s3], [sflag:s2] =	dma.local @!p0 [hbm:s0], s1  }
0x1f5: {  	s0 =	simm.s32 @!p0 $0x6  }
0x1f6: {  	_ =	swait.ge @!p0 [sflag:s0], s1  }
0x1f7: {  	s1 =	ssub.s32 @!p0 $0x0, s1;
	[sflag:s0] =	ssyncset.done @!p0 $0x0  }
0x1f8: {  	[sflag:s0] =	ssyncadd.s32 @!p0 s1  }
0x1f9: {  	[bflag:$0x3] =	sbarrier.arrive $0xFFFF  }
0x1fa: {  	_ =	shalt  }

</sc_bundles>
